<compile_context>
chip_gen: v7x
topology: tpu7x:2x2x1
jax: 0.10.2.dev20260603
libtpu: 0.0.44.dev20260713+nightly
codegen_flags: <defaults>
</compile_context>

<pallas_src>
import functools

import jax
import jax.numpy as jnp
from jax import lax
from jax.experimental import pallas as pl
from jax.experimental.pallas import tpu as pltpu
from jax.experimental.pallas import tpu_sc as plsc

NSAMPLES = 1000000
NX = 32
BATCH = 16384

SC_TILES = (NSAMPLES + 127) // 128
KT = 601
R_ROWS = 4 * SC_TILES * 8
NW_F32 = R_ROWS * 128
FR_W = SC_TILES * 1024


def _detile_octet(tt, fr):

    def body(in_ref, out_ref):
        x = in_ref[...]
        out_ref[...] = (
            x.reshape(8, KT, 128).swapaxes(0, 1).reshape(KT * 8, 128)
        )

    return pl.pallas_call(
        body,
        grid=(SC_TILES // KT,),
        in_specs=[
            pl.BlockSpec((8, KT * 128), lambda g: (fr, g)),
        ],
        out_specs=pl.BlockSpec((KT * 8, 128), lambda g: (g, 0)),
        out_shape=jax.ShapeDtypeStruct((SC_TILES * 8, 128), jnp.float32),
    )(tt)


def kernel(ids, start_state):
    info = plsc.get_sparse_core_info()
    nc, ns = info.num_cores, info.num_subcores
    nw = nc * ns
    bw = BATCH // nw

    mesh = plsc.VectorSubcoreMesh(core_axis_name="c", subcore_axis_name="s")

    @functools.partial(
        pl.kernel,
        mesh=mesh,
        out_type=jax.ShapeDtypeStruct((8, BATCH), jnp.float32),
        compiler_params=pltpu.CompilerParams(
            use_tc_tiling_on_sc=False, needs_layout_passes=False
        ),
        scratch_types=[
            pltpu.VMEM((bw,), jnp.int32),
            pltpu.VMEM((8 * bw,), jnp.int32),
            pltpu.VMEM((8 * bw,), jnp.float32),
            pltpu.SemaphoreType.DMA,
        ],
    )
    def _gather8(rw_hbm, idx_hbm, out_hbm, ids_v, wi_v, vals_v, sem):
        wid = lax.axis_index("s") * nc + lax.axis_index("c")
        base = wid * bw
        pltpu.sync_copy(idx_hbm.at[pl.ds(base, bw)], ids_v)

        def idx_body(q, carry):
            s = ids_v[pl.ds(q * 16, 16)]
            b = (s >> 7) * 1024 + (s & 127)
            for fi in range(8):
                wi_v[pl.ds(fi * bw + q * 16, 16)] = b + fi * 128
            return carry

        lax.fori_loop(0, bw // 16, idx_body, 0)
        pltpu.async_copy(rw_hbm.at[wi_v], vals_v, sem).wait()
        for fi in range(8):
            pltpu.sync_copy(
                vals_v.at[pl.ds(fi * bw, bw)], out_hbm.at[fi, pl.ds(base, bw)]
            )

    tt = start_state.T
    ids32 = ids.astype(jnp.int32)
    outs = []
    for fr in range(4):
        rw = _detile_octet(tt, fr).reshape(FR_W)
        outs.append(_gather8(rw, ids32))
    return jnp.concatenate(outs, axis=0).T

# --- scband reference (transcript-rebuilt; emitter-appended) ---
"""Pipeline reference for scband-par-start-encoder-33002528702769 (READ-ONLY COPY).

The authoritative reference and input builder live on the scoring server;
editing this copy changes nothing except your own understanding.
"""

import jax, jax.numpy as jnp
import numpy as np

NSAMPLES = 1000000
NX = 32
BATCH = 16384

def setup_inputs(seed: int = 0) -> dict:
    key = jax.random.key(seed)
    k_ids, k_w = jax.random.split(key)
    ids = jax.random.randint(k_ids, (BATCH,), 0, NSAMPLES, dtype=jnp.int64) if jax.config.jax_enable_x64 else jax.random.randint(k_ids, (BATCH,), 0, NSAMPLES, dtype=jnp.int32)
    start_state = 0.1 * jax.random.normal(k_w, (NSAMPLES, NX), dtype=jnp.float32)
    return {"ids": ids, "start_state": start_state}

def reference(ids, start_state):
    # Faithful translation of par_start_encoder.forward: self.start_state[ids]
    return jnp.take(start_state, ids, axis=0)

if __name__ == "__main__":
    import jax
    _d = setup_inputs()
    print(jax.jit(kernel)(*tuple(_d.values())))

</pallas_src>

<mosaic_0001>
#map = affine_map<(d0, d1) -> (0)>
#map1 = affine_map<(d0, d1) -> (0, 0)>
module attributes {stable_mosaic.version = 14 : i64} {
  func.func @_gather8(%arg0: i32, %arg1: i32, %arg2: memref<8000512xf32, #tpu.memory_space<hbm>>, %arg3: memref<16384xi32, #tpu.memory_space<hbm>>, %arg4: memref<8x16384xf32, #tpu.memory_space<hbm>>, %arg5: memref<512xi32, #tpu.memory_space<vmem>>, %arg6: memref<4096xi32, #tpu.memory_space<vmem>>, %arg7: memref<4096xf32, #tpu.memory_space<vmem>>, %arg8: memref<!tpu.dma_semaphore, #tpu.memory_space<semaphore_mem>>) attributes {dimension_semantics = [#tpu.dimension_semantics<core_parallel>, #tpu.dimension_semantics<subcore_parallel>], iteration_bounds = array<i64: 2, 16>, scalar_prefetch = 0 : i64, scratch_operands = 4 : i64, tpu.core_type = #tpu.core_type<sc_vector_subcore>, window_params = [{transform_indices = #map}, {transform_indices = #map}, {transform_indices = #map1}]} {
    %mul3A = arith.constant 2 : i32
    %mul3A_0 = arith.muli %arg1, %mul3A : i32
    %add3A = arith.addi %mul3A_0, %arg0 : i32
    %mul3A_1 = arith.constant 512 : i32
    %mul3A_2 = arith.muli %add3A, %mul3A_1 : i32
    "tpu.region"() ({
      %run_scoped3A_17 = tpu.sem_alloc : memref<!tpu.dma_semaphore, #tpu.memory_space<semaphore_mem>>
      %dma_start3A_18 = tpu.memref_slice %arg3[%mul3A_2] : memref<16384xi32, #tpu.memory_space<hbm>> -> memref<512xi32, #tpu.memory_space<hbm>>
      %dma_start3A_19 = tpu.memref_slice %arg3[%mul3A_2] : memref<16384xi32, #tpu.memory_space<hbm>> -> memref<512xi32, #tpu.memory_space<hbm>>
      tpu.enqueue_dma source(%dma_start3A_19 : memref<512xi32, #tpu.memory_space<hbm>>) target(%arg5 : memref<512xi32, #tpu.memory_space<vmem>>) target_semaphore(%run_scoped3A_17 : memref<!tpu.dma_semaphore, #tpu.memory_space<semaphore_mem>>)
      %dma_wait3A_20 = tpu.memref_slice %arg3[%mul3A_2] : memref<16384xi32, #tpu.memory_space<hbm>> -> memref<512xi32, #tpu.memory_space<hbm>>
      %dma_wait3A_21 = tpu.memref_slice %arg3[%mul3A_2] : memref<16384xi32, #tpu.memory_space<hbm>> -> memref<512xi32, #tpu.memory_space<hbm>>
      tpu.wait_dma2 semaphore(%run_scoped3A_17 : memref<!tpu.dma_semaphore, #tpu.memory_space<semaphore_mem>>) src(%dma_wait3A_21 : memref<512xi32, #tpu.memory_space<hbm>>) dst(%arg5 : memref<512xi32, #tpu.memory_space<vmem>>)
      tpu.yield
    }) : () -> ()
    %scan3A = arith.constant 0 : i32
    %scan3A_3 = arith.constant 0 : i32
    %scan3A_4 = arith.constant 32 : i32
    %scan3A_5 = arith.addi %scan3A_3, %scan3A_4 : i32
    %scan3A_6 = arith.constant 1 : i32
    scf.for %scan3A_17 = %scan3A_3 to %scan3A_5 step %scan3A_6  : i32 {
      %mul3A_18 = arith.constant 16 : i32
      %mul3A_19 = arith.muli %scan3A_17, %mul3A_18 : i32
      %get3A = arith.index_cast %mul3A_19 : i32 to index
      %get3A_20 = tpu.vector_load %arg5[%get3A] {strides = array<i32>} : memref<512xi32, #tpu.memory_space<vmem>>, vector<16xi32>,
      %shift_right_arithmetic3A = arith.constant 7 : i32
      %shift_right_arithmetic3A_21 = vector.broadcast %shift_right_arithmetic3A : i32 to vector<16xi32>
      %shift_right_arithmetic3A_22 = arith.shrsi %get3A_20, %shift_right_arithmetic3A_21 : vector<16xi32>
      %mul3A_23 = arith.constant 1024 : i32
      %mul3A_24 = vector.broadcast %mul3A_23 : i32 to vector<16xi32>
      %mul3A_25 = arith.muli %shift_right_arithmetic3A_22, %mul3A_24 : vector<16xi32>
      %and3A = arith.constant 127 : i32
      %and3A_26 = vector.broadcast %and3A : i32 to vector<16xi32>
      %and3A_27 = arith.andi %get3A_20, %and3A_26 : vector<16xi32>
      %add3A_28 = arith.addi %mul3A_25, %and3A_27 : vector<16xi32>
      %add3A_29 = arith.constant 0 : i32
      %add3A_30 = vector.broadcast %add3A_29 : i32 to vector<16xi32>
      %add3A_31 = arith.addi %add3A_28, %add3A_30 : vector<16xi32>
      %mul3A_32 = arith.constant 16 : i32
      %mul3A_33 = arith.muli %scan3A_17, %mul3A_32 : i32
      %add3A_34 = arith.constant 0 : i32
      %add3A_35 = arith.addi %add3A_34, %mul3A_33 : i32
      %swap3A = arith.index_cast %add3A_35 : i32 to index
      %swap3A_36 = tpu.vector_load %arg6[%swap3A] {strides = array<i32>} : memref<4096xi32, #tpu.memory_space<vmem>>, vector<16xi32>,
      tpu.vector_store %arg6[%swap3A], %add3A_31 {strides = array<i32>} : memref<4096xi32, #tpu.memory_space<vmem>>, vector<16xi32>,
      %add3A_37 = arith.constant 128 : i32
      %add3A_38 = vector.broadcast %add3A_37 : i32 to vector<16xi32>
      %add3A_39 = arith.addi %add3A_28, %add3A_38 : vector<16xi32>
      %mul3A_40 = arith.constant 16 : i32
      %mul3A_41 = arith.muli %scan3A_17, %mul3A_40 : i32
      %add3A_42 = arith.constant 512 : i32
      %add3A_43 = arith.addi %add3A_42, %mul3A_41 : i32
      %swap3A_44 = arith.index_cast %add3A_43 : i32 to index
      %swap3A_45 = tpu.vector_load %arg6[%swap3A_44] {strides = array<i32>} : memref<4096xi32, #tpu.memory_space<vmem>>, vector<16xi32>,
      tpu.vector_store %arg6[%swap3A_44], %add3A_39 {strides = array<i32>} : memref<4096xi32, #tpu.memory_space<vmem>>, vector<16xi32>,
      %add3A_46 = arith.constant 256 : i32
      %add3A_47 = vector.broadcast %add3A_46 : i32 to vector<16xi32>
      %add3A_48 = arith.addi %add3A_28, %add3A_47 : vector<16xi32>
      %mul3A_49 = arith.constant 16 : i32
      %mul3A_50 = arith.muli %scan3A_17, %mul3A_49 : i32
      %add3A_51 = arith.constant 1024 : i32
      %add3A_52 = arith.addi %add3A_51, %mul3A_50 : i32
      %swap3A_53 = arith.index_cast %add3A_52 : i32 to index
      %swap3A_54 = tpu.vector_load %arg6[%swap3A_53] {strides = array<i32>} : memref<4096xi32, #tpu.memory_space<vmem>>, vector<16xi32>,
      tpu.vector_store %arg6[%swap3A_53], %add3A_48 {strides = array<i32>} : memref<4096xi32, #tpu.memory_space<vmem>>, vector<16xi32>,
      %add3A_55 = arith.constant 384 : i32
      %add3A_56 = vector.broadcast %add3A_55 : i32 to vector<16xi32>
      %add3A_57 = arith.addi %add3A_28, %add3A_56 : vector<16xi32>
      %mul3A_58 = arith.constant 16 : i32
      %mul3A_59 = arith.muli %scan3A_17, %mul3A_58 : i32
      %add3A_60 = arith.constant 1536 : i32
      %add3A_61 = arith.addi %add3A_60, %mul3A_59 : i32
      %swap3A_62 = arith.index_cast %add3A_61 : i32 to index
      %swap3A_63 = tpu.vector_load %arg6[%swap3A_62] {strides = array<i32>} : memref<4096xi32, #tpu.memory_space<vmem>>, vector<16xi32>,
      tpu.vector_store %arg6[%swap3A_62], %add3A_57 {strides = array<i32>} : memref<4096xi32, #tpu.memory_space<vmem>>, vector<16xi32>,
      %add3A_64 = arith.constant 512 : i32
      %add3A_65 = vector.broadcast %add3A_64 : i32 to vector<16xi32>
      %add3A_66 = arith.addi %add3A_28, %add3A_65 : vector<16xi32>
      %mul3A_67 = arith.constant 16 : i32
      %mul3A_68 = arith.muli %scan3A_17, %mul3A_67 : i32
      %add3A_69 = arith.constant 2048 : i32
      %add3A_70 = arith.addi %add3A_69, %mul3A_68 : i32
      %swap3A_71 = arith.index_cast %add3A_70 : i32 to index
      %swap3A_72 = tpu.vector_load %arg6[%swap3A_71] {strides = array<i32>} : memref<4096xi32, #tpu.memory_space<vmem>>, vector<16xi32>,
      tpu.vector_store %arg6[%swap3A_71], %add3A_66 {strides = array<i32>} : memref<4096xi32, #tpu.memory_space<vmem>>, vector<16xi32>,
      %add3A_73 = arith.constant 640 : i32
      %add3A_74 = vector.broadcast %add3A_73 : i32 to vector<16xi32>
      %add3A_75 = arith.addi %add3A_28, %add3A_74 : vector<16xi32>
      %mul3A_76 = arith.constant 16 : i32
      %mul3A_77 = arith.muli %scan3A_17, %mul3A_76 : i32
      %add3A_78 = arith.constant 2560 : i32
      %add3A_79 = arith.addi %add3A_78, %mul3A_77 : i32
      %swap3A_80 = arith.index_cast %add3A_79 : i32 to index
      %swap3A_81 = tpu.vector_load %arg6[%swap3A_80] {strides = array<i32>} : memref<4096xi32, #tpu.memory_space<vmem>>, vector<16xi32>,
      tpu.vector_store %arg6[%swap3A_80], %add3A_75 {strides = array<i32>} : memref<4096xi32, #tpu.memory_space<vmem>>, vector<16xi32>,
      %add3A_82 = arith.constant 768 : i32
      %add3A_83 = vector.broadcast %add3A_82 : i32 to vector<16xi32>
      %add3A_84 = arith.addi %add3A_28, %add3A_83 : vector<16xi32>
      %mul3A_85 = arith.constant 16 : i32
      %mul3A_86 = arith.muli %scan3A_17, %mul3A_85 : i32
      %add3A_87 = arith.constant 3072 : i32
      %add3A_88 = arith.addi %add3A_87, %mul3A_86 : i32
      %swap3A_89 = arith.index_cast %add3A_88 : i32 to index
      %swap3A_90 = tpu.vector_load %arg6[%swap3A_89] {strides = array<i32>} : memref<4096xi32, #tpu.memory_space<vmem>>, vector<16xi32>,
      tpu.vector_store %arg6[%swap3A_89], %add3A_84 {strides = array<i32>} : memref<4096xi32, #tpu.memory_space<vmem>>, vector<16xi32>,
      %add3A_91 = arith.constant 896 : i32
      %add3A_92 = vector.broadcast %add3A_91 : i32 to vector<16xi32>
      %add3A_93 = arith.addi %add3A_28, %add3A_92 : vector<16xi32>
      %mul3A_94 = arith.constant 16 : i32
      %mul3A_95 = arith.muli %scan3A_17, %mul3A_94 : i32
      %add3A_96 = arith.constant 3584 : i32
      %add3A_97 = arith.addi %add3A_96, %mul3A_95 : i32
      %swap3A_98 = arith.index_cast %add3A_97 : i32 to index
      %swap3A_99 = tpu.vector_load %arg6[%swap3A_98] {strides = array<i32>} : memref<4096xi32, #tpu.memory_space<vmem>>, vector<16xi32>,
      tpu.vector_store %arg6[%swap3A_98], %add3A_93 {strides = array<i32>} : memref<4096xi32, #tpu.memory_space<vmem>>, vector<16xi32>,
    }
    %scan3A_7 = arith.constant 32 : i32
    %dma_start3A = arith.constant 0 : i32
    %dma_start3A_8 = tpu.memref_slice %arg2[%dma_start3A] : memref<8000512xf32, #tpu.memory_space<hbm>> -> memref<8000512xf32, #tpu.memory_space<hbm>>
    tpu.enqueue_indirect_dma source(%dma_start3A_8 : memref<8000512xf32, #tpu.memory_space<hbm>>) target(%arg7 : memref<4096xf32, #tpu.memory_space<vmem>>) offsets(%arg6 : memref<4096xi32, #tpu.memory_space<vmem>>) semaphore(%arg8 : memref<!tpu.dma_semaphore, #tpu.memory_space<semaphore_mem>>)
    %dma_wait3A = arith.constant 0 : i32
    %dma_wait3A_9 = tpu.memref_slice %arg2[%dma_wait3A] : memref<8000512xf32, #tpu.memory_space<hbm>> -> memref<8000512xf32, #tpu.memory_space<hbm>>
    tpu.wait_indirect_dma semaphore(%arg8 : memref<!tpu.dma_semaphore, #tpu.memory_space<semaphore_mem>>) src(%dma_wait3A_9 : memref<8000512xf32, #tpu.memory_space<hbm>>) dst(%arg7 : memref<4096xf32, #tpu.memory_space<vmem>>)
    %run_scoped3A = arith.constant 0 : i32
    "tpu.region"() ({
      %run_scoped3A_17 = tpu.sem_alloc : memref<!tpu.dma_semaphore, #tpu.memory_space<semaphore_mem>>
      %dma_start3A_18 = arith.constant 0 : i32
      %dma_start3A_19 = tpu.memref_slice %arg7[%dma_start3A_18] : memref<4096xf32, #tpu.memory_space<vmem>> -> memref<512xf32, #tpu.memory_space<vmem>>
      %dma_start3A_20 = tpu.memref_slice %arg4[%run_scoped3A, %mul3A_2] : memref<8x16384xf32, #tpu.memory_space<hbm>> -> memref<1x512xf32, #tpu.memory_space<hbm>>
      %dma_start3A_21 = tpu.memref_squeeze %dma_start3A_20 : memref<1x512xf32, #tpu.memory_space<hbm>> -> memref<512xf32, #tpu.memory_space<hbm>>
      %dma_start3A_22 = tpu.memref_slice %arg4[%run_scoped3A, %mul3A_2] : memref<8x16384xf32, #tpu.memory_space<hbm>> -> memref<1x512xf32, #tpu.memory_space<hbm>>
      %dma_start3A_23 = tpu.memref_squeeze %dma_start3A_22 : memref<1x512xf32, #tpu.memory_space<hbm>> -> memref<512xf32, #tpu.memory_space<hbm>>
      %dma_start3A_24 = arith.constant 0 : i32
      %dma_start3A_25 = tpu.memref_slice %arg7[%dma_start3A_24] : memref<4096xf32, #tpu.memory_space<vmem>> -> memref<512xf32, #tpu.memory_space<vmem>>
      tpu.enqueue_dma source(%dma_start3A_25 : memref<512xf32, #tpu.memory_space<vmem>>) target(%dma_start3A_23 : memref<512xf32, #tpu.memory_space<hbm>>) target_semaphore(%run_scoped3A_17 : memref<!tpu.dma_semaphore, #tpu.memory_space<semaphore_mem>>)
      %dma_wait3A_26 = arith.constant 0 : i32
      %dma_wait3A_27 = tpu.memref_slice %arg7[%dma_wait3A_26] : memref<4096xf32, #tpu.memory_space<vmem>> -> memref<512xf32, #tpu.memory_space<vmem>>
      %dma_wait3A_28 = tpu.memref_slice %arg4[%run_scoped3A, %mul3A_2] : memref<8x16384xf32, #tpu.memory_space<hbm>> -> memref<1x512xf32, #tpu.memory_space<hbm>>
      %dma_wait3A_29 = tpu.memref_squeeze %dma_wait3A_28 : memref<1x512xf32, #tpu.memory_space<hbm>> -> memref<512xf32, #tpu.memory_space<hbm>>
      %dma_wait3A_30 = tpu.memref_slice %arg4[%run_scoped3A, %mul3A_2] : memref<8x16384xf32, #tpu.memory_space<hbm>> -> memref<1x512xf32, #tpu.memory_space<hbm>>
      %dma_wait3A_31 = tpu.memref_squeeze %dma_wait3A_30 : memref<1x512xf32, #tpu.memory_space<hbm>> -> memref<512xf32, #tpu.memory_space<hbm>>
      %dma_wait3A_32 = arith.constant 0 : i32
      %dma_wait3A_33 = tpu.memref_slice %arg7[%dma_wait3A_32] : memref<4096xf32, #tpu.memory_space<vmem>> -> memref<512xf32, #tpu.memory_space<vmem>>
      tpu.wait_dma2 semaphore(%run_scoped3A_17 : memref<!tpu.dma_semaphore, #tpu.memory_space<semaphore_mem>>) src(%dma_wait3A_33 : memref<512xf32, #tpu.memory_space<vmem>>) dst(%dma_wait3A_31 : memref<512xf32, #tpu.memory_space<hbm>>)
      tpu.yield
    }) : () -> ()
    %run_scoped3A_10 = arith.constant 1 : i32
    "tpu.region"() ({
      %run_scoped3A_17 = tpu.sem_alloc : memref<!tpu.dma_semaphore, #tpu.memory_space<semaphore_mem>>
      %dma_start3A_18 = arith.constant 512 : i32
      %dma_start3A_19 = tpu.memref_slice %arg7[%dma_start3A_18] : memref<4096xf32, #tpu.memory_space<vmem>> -> memref<512xf32, #tpu.memory_space<vmem>>
      %dma_start3A_20 = tpu.memref_slice %arg4[%run_scoped3A_10, %mul3A_2] : memref<8x16384xf32, #tpu.memory_space<hbm>> -> memref<1x512xf32, #tpu.memory_space<hbm>>
      %dma_start3A_21 = tpu.memref_squeeze %dma_start3A_20 : memref<1x512xf32, #tpu.memory_space<hbm>> -> memref<512xf32, #tpu.memory_space<hbm>>
      %dma_start3A_22 = tpu.memref_slice %arg4[%run_scoped3A_10, %mul3A_2] : memref<8x16384xf32, #tpu.memory_space<hbm>> -> memref<1x512xf32, #tpu.memory_space<hbm>>
      %dma_start3A_23 = tpu.memref_squeeze %dma_start3A_22 : memref<1x512xf32, #tpu.memory_space<hbm>> -> memref<512xf32, #tpu.memory_space<hbm>>
      %dma_start3A_24 = arith.constant 512 : i32
      %dma_start3A_25 = tpu.memref_slice %arg7[%dma_start3A_24] : memref<4096xf32, #tpu.memory_space<vmem>> -> memref<512xf32, #tpu.memory_space<vmem>>
      tpu.enqueue_dma source(%dma_start3A_25 : memref<512xf32, #tpu.memory_space<vmem>>) target(%dma_start3A_23 : memref<512xf32, #tpu.memory_space<hbm>>) target_semaphore(%run_scoped3A_17 : memref<!tpu.dma_semaphore, #tpu.memory_space<semaphore_mem>>)
      %dma_wait3A_26 = arith.constant 512 : i32
      %dma_wait3A_27 = tpu.memref_slice %arg7[%dma_wait3A_26] : memref<4096xf32, #tpu.memory_space<vmem>> -> memref<512xf32, #tpu.memory_space<vmem>>
      %dma_wait3A_28 = tpu.memref_slice %arg4[%run_scoped3A_10, %mul3A_2] : memref<8x16384xf32, #tpu.memory_space<hbm>> -> memref<1x512xf32, #tpu.memory_space<hbm>>
      %dma_wait3A_29 = tpu.memref_squeeze %dma_wait3A_28 : memref<1x512xf32, #tpu.memory_space<hbm>> -> memref<512xf32, #tpu.memory_space<hbm>>
      %dma_wait3A_30 = tpu.memref_slice %arg4[%run_scoped3A_10, %mul3A_2] : memref<8x16384xf32, #tpu.memory_space<hbm>> -> memref<1x512xf32, #tpu.memory_space<hbm>>
      %dma_wait3A_31 = tpu.memref_squeeze %dma_wait3A_30 : memref<1x512xf32, #tpu.memory_space<hbm>> -> memref<512xf32, #tpu.memory_space<hbm>>
      %dma_wait3A_32 = arith.constant 512 : i32
      %dma_wait3A_33 = tpu.memref_slice %arg7[%dma_wait3A_32] : memref<4096xf32, #tpu.memory_space<vmem>> -> memref<512xf32, #tpu.memory_space<vmem>>
      tpu.wait_dma2 semaphore(%run_scoped3A_17 : memref<!tpu.dma_semaphore, #tpu.memory_space<semaphore_mem>>) src(%dma_wait3A_33 : memref<512xf32, #tpu.memory_space<vmem>>) dst(%dma_wait3A_31 : memref<512xf32, #tpu.memory_space<hbm>>)
      tpu.yield
    }) : () -> ()
    %run_scoped3A_11 = arith.constant 2 : i32
    "tpu.region"() ({
      %run_scoped3A_17 = tpu.sem_alloc : memref<!tpu.dma_semaphore, #tpu.memory_space<semaphore_mem>>
      %dma_start3A_18 = arith.constant 1024 : i32
      %dma_start3A_19 = tpu.memref_slice %arg7[%dma_start3A_18] : memref<4096xf32, #tpu.memory_space<vmem>> -> memref<512xf32, #tpu.memory_space<vmem>>
      %dma_start3A_20 = tpu.memref_slice %arg4[%run_scoped3A_11, %mul3A_2] : memref<8x16384xf32, #tpu.memory_space<hbm>> -> memref<1x512xf32, #tpu.memory_space<hbm>>
      %dma_start3A_21 = tpu.memref_squeeze %dma_start3A_20 : memref<1x512xf32, #tpu.memory_space<hbm>> -> memref<512xf32, #tpu.memory_space<hbm>>
      %dma_start3A_22 = tpu.memref_slice %arg4[%run_scoped3A_11, %mul3A_2] : memref<8x16384xf32, #tpu.memory_space<hbm>> -> memref<1x512xf32, #tpu.memory_space<hbm>>
      %dma_start3A_23 = tpu.memref_squeeze %dma_start3A_22 : memref<1x512xf32, #tpu.memory_space<hbm>> -> memref<512xf32, #tpu.memory_space<hbm>>
      %dma_start3A_24 = arith.constant 1024 : i32
      %dma_start3A_25 = tpu.memref_slice %arg7[%dma_start3A_24] : memref<4096xf32, #tpu.memory_space<vmem>> -> memref<512xf32, #tpu.memory_space<vmem>>
      tpu.enqueue_dma source(%dma_start3A_25 : memref<512xf32, #tpu.memory_space<vmem>>) target(%dma_start3A_23 : memref<512xf32, #tpu.memory_space<hbm>>) target_semaphore(%run_scoped3A_17 : memref<!tpu.dma_semaphore, #tpu.memory_space<semaphore_mem>>)
      %dma_wait3A_26 = arith.constant 1024 : i32
      %dma_wait3A_27 = tpu.memref_slice %arg7[%dma_wait3A_26] : memref<4096xf32, #tpu.memory_space<vmem>> -> memref<512xf32, #tpu.memory_space<vmem>>
      %dma_wait3A_28 = tpu.memref_slice %arg4[%run_scoped3A_11, %mul3A_2] : memref<8x16384xf32, #tpu.memory_space<hbm>> -> memref<1x512xf32, #tpu.memory_space<hbm>>
      %dma_wait3A_29 = tpu.memref_squeeze %dma_wait3A_28 : memref<1x512xf32, #tpu.memory_space<hbm>> -> memref<512xf32, #tpu.memory_space<hbm>>
      %dma_wait3A_30 = tpu.memref_slice %arg4[%run_scoped3A_11, %mul3A_2] : memref<8x16384xf32, #tpu.memory_space<hbm>> -> memref<1x512xf32, #tpu.memory_space<hbm>>
      %dma_wait3A_31 = tpu.memref_squeeze %dma_wait3A_30 : memref<1x512xf32, #tpu.memory_space<hbm>> -> memref<512xf32, #tpu.memory_space<hbm>>
      %dma_wait3A_32 = arith.constant 1024 : i32
      %dma_wait3A_33 = tpu.memref_slice %arg7[%dma_wait3A_32] : memref<4096xf32, #tpu.memory_space<vmem>> -> memref<512xf32, #tpu.memory_space<vmem>>
      tpu.wait_dma2 semaphore(%run_scoped3A_17 : memref<!tpu.dma_semaphore, #tpu.memory_space<semaphore_mem>>) src(%dma_wait3A_33 : memref<512xf32, #tpu.memory_space<vmem>>) dst(%dma_wait3A_31 : memref<512xf32, #tpu.memory_space<hbm>>)
      tpu.yield
    }) : () -> ()
    %run_scoped3A_12 = arith.constant 3 : i32
    "tpu.region"() ({
      %run_scoped3A_17 = tpu.sem_alloc : memref<!tpu.dma_semaphore, #tpu.memory_space<semaphore_mem>>
      %dma_start3A_18 = arith.constant 1536 : i32
      %dma_start3A_19 = tpu.memref_slice %arg7[%dma_start3A_18] : memref<4096xf32, #tpu.memory_space<vmem>> -> memref<512xf32, #tpu.memory_space<vmem>>
      %dma_start3A_20 = tpu.memref_slice %arg4[%run_scoped3A_12, %mul3A_2] : memref<8x16384xf32, #tpu.memory_space<hbm>> -> memref<1x512xf32, #tpu.memory_space<hbm>>
      %dma_start3A_21 = tpu.memref_squeeze %dma_start3A_20 : memref<1x512xf32, #tpu.memory_space<hbm>> -> memref<512xf32, #tpu.memory_space<hbm>>
      %dma_start3A_22 = tpu.memref_slice %arg4[%run_scoped3A_12, %mul3A_2] : memref<8x16384xf32, #tpu.memory_space<hbm>> -> memref<1x512xf32, #tpu.memory_space<hbm>>
      %dma_start3A_23 = tpu.memref_squeeze %dma_start3A_22 : memref<1x512xf32, #tpu.memory_space<hbm>> -> memref<512xf32, #tpu.memory_space<hbm>>
      %dma_start3A_24 = arith.constant 1536 : i32
      %dma_start3A_25 = tpu.memref_slice %arg7[%dma_start3A_24] : memref<4096xf32, #tpu.memory_space<vmem>> -> memref<512xf32, #tpu.memory_space<vmem>>
      tpu.enqueue_dma source(%dma_start3A_25 : memref<512xf32, #tpu.memory_space<vmem>>) target(%dma_start3A_23 : memref<512xf32, #tpu.memory_space<hbm>>) target_semaphore(%run_scoped3A_17 : memref<!tpu.dma_semaphore, #tpu.memory_space<semaphore_mem>>)
      %dma_wait3A_26 = arith.constant 1536 : i32
      %dma_wait3A_27 = tpu.memref_slice %arg7[%dma_wait3A_26] : memref<4096xf32, #tpu.memory_space<vmem>> -> memref<512xf32, #tpu.memory_space<vmem>>
      %dma_wait3A_28 = tpu.memref_slice %arg4[%run_scoped3A_12, %mul3A_2] : memref<8x16384xf32, #tpu.memory_space<hbm>> -> memref<1x512xf32, #tpu.memory_space<hbm>>
      %dma_wait3A_29 = tpu.memref_squeeze %dma_wait3A_28 : memref<1x512xf32, #tpu.memory_space<hbm>> -> memref<512xf32, #tpu.memory_space<hbm>>
      %dma_wait3A_30 = tpu.memref_slice %arg4[%run_scoped3A_12, %mul3A_2] : memref<8x16384xf32, #tpu.memory_space<hbm>> -> memref<1x512xf32, #tpu.memory_space<hbm>>
      %dma_wait3A_31 = tpu.memref_squeeze %dma_wait3A_30 : memref<1x512xf32, #tpu.memory_space<hbm>> -> memref<512xf32, #tpu.memory_space<hbm>>
      %dma_wait3A_32 = arith.constant 1536 : i32
      %dma_wait3A_33 = tpu.memref_slice %arg7[%dma_wait3A_32] : memref<4096xf32, #tpu.memory_space<vmem>> -> memref<512xf32, #tpu.memory_space<vmem>>
      tpu.wait_dma2 semaphore(%run_scoped3A_17 : memref<!tpu.dma_semaphore, #tpu.memory_space<semaphore_mem>>) src(%dma_wait3A_33 : memref<512xf32, #tpu.memory_space<vmem>>) dst(%dma_wait3A_31 : memref<512xf32, #tpu.memory_space<hbm>>)
      tpu.yield
    }) : () -> ()
    %run_scoped3A_13 = arith.constant 4 : i32
    "tpu.region"() ({
      %run_scoped3A_17 = tpu.sem_alloc : memref<!tpu.dma_semaphore, #tpu.memory_space<semaphore_mem>>
      %dma_start3A_18 = arith.constant 2048 : i32
      %dma_start3A_19 = tpu.memref_slice %arg7[%dma_start3A_18] : memref<4096xf32, #tpu.memory_space<vmem>> -> memref<512xf32, #tpu.memory_space<vmem>>
      %dma_start3A_20 = tpu.memref_slice %arg4[%run_scoped3A_13, %mul3A_2] : memref<8x16384xf32, #tpu.memory_space<hbm>> -> memref<1x512xf32, #tpu.memory_space<hbm>>
      %dma_start3A_21 = tpu.memref_squeeze %dma_start3A_20 : memref<1x512xf32, #tpu.memory_space<hbm>> -> memref<512xf32, #tpu.memory_space<hbm>>
      %dma_start3A_22 = tpu.memref_slice %arg4[%run_scoped3A_13, %mul3A_2] : memref<8x16384xf32, #tpu.memory_space<hbm>> -> memref<1x512xf32, #tpu.memory_space<hbm>>
      %dma_start3A_23 = tpu.memref_squeeze %dma_start3A_22 : memref<1x512xf32, #tpu.memory_space<hbm>> -> memref<512xf32, #tpu.memory_space<hbm>>
      %dma_start3A_24 = arith.constant 2048 : i32
      %dma_start3A_25 = tpu.memref_slice %arg7[%dma_start3A_24] : memref<4096xf32, #tpu.memory_space<vmem>> -> memref<512xf32, #tpu.memory_space<vmem>>
      tpu.enqueue_dma source(%dma_start3A_25 : memref<512xf32, #tpu.memory_space<vmem>>) target(%dma_start3A_23 : memref<512xf32, #tpu.memory_space<hbm>>) target_semaphore(%run_scoped3A_17 : memref<!tpu.dma_semaphore, #tpu.memory_space<semaphore_mem>>)
      %dma_wait3A_26 = arith.constant 2048 : i32
      %dma_wait3A_27 = tpu.memref_slice %arg7[%dma_wait3A_26] : memref<4096xf32, #tpu.memory_space<vmem>> -> memref<512xf32, #tpu.memory_space<vmem>>
      %dma_wait3A_28 = tpu.memref_slice %arg4[%run_scoped3A_13, %mul3A_2] : memref<8x16384xf32, #tpu.memory_space<hbm>> -> memref<1x512xf32, #tpu.memory_space<hbm>>
      %dma_wait3A_29 = tpu.memref_squeeze %dma_wait3A_28 : memref<1x512xf32, #tpu.memory_space<hbm>> -> memref<512xf32, #tpu.memory_space<hbm>>
      %dma_wait3A_30 = tpu.memref_slice %arg4[%run_scoped3A_13, %mul3A_2] : memref<8x16384xf32, #tpu.memory_space<hbm>> -> memref<1x512xf32, #tpu.memory_space<hbm>>
      %dma_wait3A_31 = tpu.memref_squeeze %dma_wait3A_30 : memref<1x512xf32, #tpu.memory_space<hbm>> -> memref<512xf32, #tpu.memory_space<hbm>>
      %dma_wait3A_32 = arith.constant 2048 : i32
      %dma_wait3A_33 = tpu.memref_slice %arg7[%dma_wait3A_32] : memref<4096xf32, #tpu.memory_space<vmem>> -> memref<512xf32, #tpu.memory_space<vmem>>
      tpu.wait_dma2 semaphore(%run_scoped3A_17 : memref<!tpu.dma_semaphore, #tpu.memory_space<semaphore_mem>>) src(%dma_wait3A_33 : memref<512xf32, #tpu.memory_space<vmem>>) dst(%dma_wait3A_31 : memref<512xf32, #tpu.memory_space<hbm>>)
      tpu.yield
    }) : () -> ()
    %run_scoped3A_14 = arith.constant 5 : i32
    "tpu.region"() ({
      %run_scoped3A_17 = tpu.sem_alloc : memref<!tpu.dma_semaphore, #tpu.memory_space<semaphore_mem>>
      %dma_start3A_18 = arith.constant 2560 : i32
      %dma_start3A_19 = tpu.memref_slice %arg7[%dma_start3A_18] : memref<4096xf32, #tpu.memory_space<vmem>> -> memref<512xf32, #tpu.memory_space<vmem>>
      %dma_start3A_20 = tpu.memref_slice %arg4[%run_scoped3A_14, %mul3A_2] : memref<8x16384xf32, #tpu.memory_space<hbm>> -> memref<1x512xf32, #tpu.memory_space<hbm>>
      %dma_start3A_21 = tpu.memref_squeeze %dma_start3A_20 : memref<1x512xf32, #tpu.memory_space<hbm>> -> memref<512xf32, #tpu.memory_space<hbm>>
      %dma_start3A_22 = tpu.memref_slice %arg4[%run_scoped3A_14, %mul3A_2] : memref<8x16384xf32, #tpu.memory_space<hbm>> -> memref<1x512xf32, #tpu.memory_space<hbm>>
      %dma_start3A_23 = tpu.memref_squeeze %dma_start3A_22 : memref<1x512xf32, #tpu.memory_space<hbm>> -> memref<512xf32, #tpu.memory_space<hbm>>
      %dma_start3A_24 = arith.constant 2560 : i32
      %dma_start3A_25 = tpu.memref_slice %arg7[%dma_start3A_24] : memref<4096xf32, #tpu.memory_space<vmem>> -> memref<512xf32, #tpu.memory_space<vmem>>
      tpu.enqueue_dma source(%dma_start3A_25 : memref<512xf32, #tpu.memory_space<vmem>>) target(%dma_start3A_23 : memref<512xf32, #tpu.memory_space<hbm>>) target_semaphore(%run_scoped3A_17 : memref<!tpu.dma_semaphore, #tpu.memory_space<semaphore_mem>>)
      %dma_wait3A_26 = arith.constant 2560 : i32
      %dma_wait3A_27 = tpu.memref_slice %arg7[%dma_wait3A_26] : memref<4096xf32, #tpu.memory_space<vmem>> -> memref<512xf32, #tpu.memory_space<vmem>>
      %dma_wait3A_28 = tpu.memref_slice %arg4[%run_scoped3A_14, %mul3A_2] : memref<8x16384xf32, #tpu.memory_space<hbm>> -> memref<1x512xf32, #tpu.memory_space<hbm>>
      %dma_wait3A_29 = tpu.memref_squeeze %dma_wait3A_28 : memref<1x512xf32, #tpu.memory_space<hbm>> -> memref<512xf32, #tpu.memory_space<hbm>>
      %dma_wait3A_30 = tpu.memref_slice %arg4[%run_scoped3A_14, %mul3A_2] : memref<8x16384xf32, #tpu.memory_space<hbm>> -> memref<1x512xf32, #tpu.memory_space<hbm>>
      %dma_wait3A_31 = tpu.memref_squeeze %dma_wait3A_30 : memref<1x512xf32, #tpu.memory_space<hbm>> -> memref<512xf32, #tpu.memory_space<hbm>>
      %dma_wait3A_32 = arith.constant 2560 : i32
      %dma_wait3A_33 = tpu.memref_slice %arg7[%dma_wait3A_32] : memref<4096xf32, #tpu.memory_space<vmem>> -> memref<512xf32, #tpu.memory_space<vmem>>
      tpu.wait_dma2 semaphore(%run_scoped3A_17 : memref<!tpu.dma_semaphore, #tpu.memory_space<semaphore_mem>>) src(%dma_wait3A_33 : memref<512xf32, #tpu.memory_space<vmem>>) dst(%dma_wait3A_31 : memref<512xf32, #tpu.memory_space<hbm>>)
      tpu.yield
    }) : () -> ()
    %run_scoped3A_15 = arith.constant 6 : i32
    "tpu.region"() ({
      %run_scoped3A_17 = tpu.sem_alloc : memref<!tpu.dma_semaphore, #tpu.memory_space<semaphore_mem>>
      %dma_start3A_18 = arith.constant 3072 : i32
      %dma_start3A_19 = tpu.memref_slice %arg7[%dma_start3A_18] : memref<4096xf32, #tpu.memory_space<vmem>> -> memref<512xf32, #tpu.memory_space<vmem>>
      %dma_start3A_20 = tpu.memref_slice %arg4[%run_scoped3A_15, %mul3A_2] : memref<8x16384xf32, #tpu.memory_space<hbm>> -> memref<1x512xf32, #tpu.memory_space<hbm>>
      %dma_start3A_21 = tpu.memref_squeeze %dma_start3A_20 : memref<1x512xf32, #tpu.memory_space<hbm>> -> memref<512xf32, #tpu.memory_space<hbm>>
      %dma_start3A_22 = tpu.memref_slice %arg4[%run_scoped3A_15, %mul3A_2] : memref<8x16384xf32, #tpu.memory_space<hbm>> -> memref<1x512xf32, #tpu.memory_space<hbm>>
      %dma_start3A_23 = tpu.memref_squeeze %dma_start3A_22 : memref<1x512xf32, #tpu.memory_space<hbm>> -> memref<512xf32, #tpu.memory_space<hbm>>
      %dma_start3A_24 = arith.constant 3072 : i32
      %dma_start3A_25 = tpu.memref_slice %arg7[%dma_start3A_24] : memref<4096xf32, #tpu.memory_space<vmem>> -> memref<512xf32, #tpu.memory_space<vmem>>
      tpu.enqueue_dma source(%dma_start3A_25 : memref<512xf32, #tpu.memory_space<vmem>>) target(%dma_start3A_23 : memref<512xf32, #tpu.memory_space<hbm>>) target_semaphore(%run_scoped3A_17 : memref<!tpu.dma_semaphore, #tpu.memory_space<semaphore_mem>>)
      %dma_wait3A_26 = arith.constant 3072 : i32
      %dma_wait3A_27 = tpu.memref_slice %arg7[%dma_wait3A_26] : memref<4096xf32, #tpu.memory_space<vmem>> -> memref<512xf32, #tpu.memory_space<vmem>>
      %dma_wait3A_28 = tpu.memref_slice %arg4[%run_scoped3A_15, %mul3A_2] : memref<8x16384xf32, #tpu.memory_space<hbm>> -> memref<1x512xf32, #tpu.memory_space<hbm>>
      %dma_wait3A_29 = tpu.memref_squeeze %dma_wait3A_28 : memref<1x512xf32, #tpu.memory_space<hbm>> -> memref<512xf32, #tpu.memory_space<hbm>>
      %dma_wait3A_30 = tpu.memref_slice %arg4[%run_scoped3A_15, %mul3A_2] : memref<8x16384xf32, #tpu.memory_space<hbm>> -> memref<1x512xf32, #tpu.memory_space<hbm>>
      %dma_wait3A_31 = tpu.memref_squeeze %dma_wait3A_30 : memref<1x512xf32, #tpu.memory_space<hbm>> -> memref<512xf32, #tpu.memory_space<hbm>>
      %dma_wait3A_32 = arith.constant 3072 : i32
      %dma_wait3A_33 = tpu.memref_slice %arg7[%dma_wait3A_32] : memref<4096xf32, #tpu.memory_space<vmem>> -> memref<512xf32, #tpu.memory_space<vmem>>
      tpu.wait_dma2 semaphore(%run_scoped3A_17 : memref<!tpu.dma_semaphore, #tpu.memory_space<semaphore_mem>>) src(%dma_wait3A_33 : memref<512xf32, #tpu.memory_space<vmem>>) dst(%dma_wait3A_31 : memref<512xf32, #tpu.memory_space<hbm>>)
      tpu.yield
    }) : () -> ()
    %run_scoped3A_16 = arith.constant 7 : i32
    "tpu.region"() ({
      %run_scoped3A_17 = tpu.sem_alloc : memref<!tpu.dma_semaphore, #tpu.memory_space<semaphore_mem>>
      %dma_start3A_18 = arith.constant 3584 : i32
      %dma_start3A_19 = tpu.memref_slice %arg7[%dma_start3A_18] : memref<4096xf32, #tpu.memory_space<vmem>> -> memref<512xf32, #tpu.memory_space<vmem>>
      %dma_start3A_20 = tpu.memref_slice %arg4[%run_scoped3A_16, %mul3A_2] : memref<8x16384xf32, #tpu.memory_space<hbm>> -> memref<1x512xf32, #tpu.memory_space<hbm>>
      %dma_start3A_21 = tpu.memref_squeeze %dma_start3A_20 : memref<1x512xf32, #tpu.memory_space<hbm>> -> memref<512xf32, #tpu.memory_space<hbm>>
      %dma_start3A_22 = tpu.memref_slice %arg4[%run_scoped3A_16, %mul3A_2] : memref<8x16384xf32, #tpu.memory_space<hbm>> -> memref<1x512xf32, #tpu.memory_space<hbm>>
      %dma_start3A_23 = tpu.memref_squeeze %dma_start3A_22 : memref<1x512xf32, #tpu.memory_space<hbm>> -> memref<512xf32, #tpu.memory_space<hbm>>
      %dma_start3A_24 = arith.constant 3584 : i32
      %dma_start3A_25 = tpu.memref_slice %arg7[%dma_start3A_24] : memref<4096xf32, #tpu.memory_space<vmem>> -> memref<512xf32, #tpu.memory_space<vmem>>
      tpu.enqueue_dma source(%dma_start3A_25 : memref<512xf32, #tpu.memory_space<vmem>>) target(%dma_start3A_23 : memref<512xf32, #tpu.memory_space<hbm>>) target_semaphore(%run_scoped3A_17 : memref<!tpu.dma_semaphore, #tpu.memory_space<semaphore_mem>>)
      %dma_wait3A_26 = arith.constant 3584 : i32
      %dma_wait3A_27 = tpu.memref_slice %arg7[%dma_wait3A_26] : memref<4096xf32, #tpu.memory_space<vmem>> -> memref<512xf32, #tpu.memory_space<vmem>>
      %dma_wait3A_28 = tpu.memref_slice %arg4[%run_scoped3A_16, %mul3A_2] : memref<8x16384xf32, #tpu.memory_space<hbm>> -> memref<1x512xf32, #tpu.memory_space<hbm>>
      %dma_wait3A_29 = tpu.memref_squeeze %dma_wait3A_28 : memref<1x512xf32, #tpu.memory_space<hbm>> -> memref<512xf32, #tpu.memory_space<hbm>>
      %dma_wait3A_30 = tpu.memref_slice %arg4[%run_scoped3A_16, %mul3A_2] : memref<8x16384xf32, #tpu.memory_space<hbm>> -> memref<1x512xf32, #tpu.memory_space<hbm>>
      %dma_wait3A_31 = tpu.memref_squeeze %dma_wait3A_30 : memref<1x512xf32, #tpu.memory_space<hbm>> -> memref<512xf32, #tpu.memory_space<hbm>>
      %dma_wait3A_32 = arith.constant 3584 : i32
      %dma_wait3A_33 = tpu.memref_slice %arg7[%dma_wait3A_32] : memref<4096xf32, #tpu.memory_space<vmem>> -> memref<512xf32, #tpu.memory_space<vmem>>
      tpu.wait_dma2 semaphore(%run_scoped3A_17 : memref<!tpu.dma_semaphore, #tpu.memory_space<semaphore_mem>>) src(%dma_wait3A_33 : memref<512xf32, #tpu.memory_space<vmem>>) dst(%dma_wait3A_31 : memref<512xf32, #tpu.memory_space<hbm>>)
      tpu.yield
    }) : () -> ()
    return
  }
}

#map = affine_map<(d0, d1) -> (0)>
#map1 = affine_map<(d0, d1) -> (0, 0)>
module attributes {stable_mosaic.version = 14 : i64} {
  func.func @_gather8(%arg0: i32, %arg1: i32, %arg2: memref<8000512xf32, #tpu.memory_space<hbm>>, %arg3: memref<16384xi32, #tpu.memory_space<hbm>>, %arg4: memref<8x16384xf32, #tpu.memory_space<hbm>>, %arg5: memref<512xi32, #tpu.memory_space<vmem>>, %arg6: memref<4096xi32, #tpu.memory_space<vmem>>, %arg7: memref<4096xf32, #tpu.memory_space<vmem>>, %arg8: memref<!tpu.dma_semaphore, #tpu.memory_space<semaphore_mem>>) attributes {dimension_semantics = [#tpu.dimension_semantics<core_parallel>, #tpu.dimension_semantics<subcore_parallel>], iteration_bounds = array<i64: 2, 16>, scalar_prefetch = 0 : i64, scratch_operands = 4 : i64, tpu.core_type = #tpu.core_type<sc_vector_subcore>, window_params = [{transform_indices = #map}, {transform_indices = #map}, {transform_indices = #map1}]} {
    %mul3A = arith.constant 2 : i32
    %mul3A_0 = arith.muli %arg1, %mul3A : i32
    %add3A = arith.addi %mul3A_0, %arg0 : i32
    %mul3A_1 = arith.constant 512 : i32
    %mul3A_2 = arith.muli %add3A, %mul3A_1 : i32
    "tpu.region"() ({
      %run_scoped3A_17 = tpu.sem_alloc : memref<!tpu.dma_semaphore, #tpu.memory_space<semaphore_mem>>
      %dma_start3A_18 = tpu.memref_slice %arg3[%mul3A_2] : memref<16384xi32, #tpu.memory_space<hbm>> -> memref<512xi32, #tpu.memory_space<hbm>>
      %dma_start3A_19 = tpu.memref_slice %arg3[%mul3A_2] : memref<16384xi32, #tpu.memory_space<hbm>> -> memref<512xi32, #tpu.memory_space<hbm>>
      tpu.enqueue_dma source(%dma_start3A_19 : memref<512xi32, #tpu.memory_space<hbm>>) target(%arg5 : memref<512xi32, #tpu.memory_space<vmem>>) target_semaphore(%run_scoped3A_17 : memref<!tpu.dma_semaphore, #tpu.memory_space<semaphore_mem>>)
      %dma_wait3A_20 = tpu.memref_slice %arg3[%mul3A_2] : memref<16384xi32, #tpu.memory_space<hbm>> -> memref<512xi32, #tpu.memory_space<hbm>>
      %dma_wait3A_21 = tpu.memref_slice %arg3[%mul3A_2] : memref<16384xi32, #tpu.memory_space<hbm>> -> memref<512xi32, #tpu.memory_space<hbm>>
      tpu.wait_dma2 semaphore(%run_scoped3A_17 : memref<!tpu.dma_semaphore, #tpu.memory_space<semaphore_mem>>) src(%dma_wait3A_21 : memref<512xi32, #tpu.memory_space<hbm>>) dst(%arg5 : memref<512xi32, #tpu.memory_space<vmem>>)
      tpu.yield
    }) : () -> ()
    %scan3A = arith.constant 0 : i32
    %scan3A_3 = arith.constant 0 : i32
    %scan3A_4 = arith.constant 32 : i32
    %scan3A_5 = arith.addi %scan3A_3, %scan3A_4 : i32
    %scan3A_6 = arith.constant 1 : i32
    scf.for %scan3A_17 = %scan3A_3 to %scan3A_5 step %scan3A_6  : i32 {
      %mul3A_18 = arith.constant 16 : i32
      %mul3A_19 = arith.muli %scan3A_17, %mul3A_18 : i32
      %get3A = arith.index_cast %mul3A_19 : i32 to index
      %get3A_20 = tpu.vector_load %arg5[%get3A] {strides = array<i32>} : memref<512xi32, #tpu.memory_space<vmem>>, vector<16xi32>,
      %shift_right_arithmetic3A = arith.constant 7 : i32
      %shift_right_arithmetic3A_21 = vector.broadcast %shift_right_arithmetic3A : i32 to vector<16xi32>
      %shift_right_arithmetic3A_22 = arith.shrsi %get3A_20, %shift_right_arithmetic3A_21 : vector<16xi32>
      %mul3A_23 = arith.constant 1024 : i32
      %mul3A_24 = vector.broadcast %mul3A_23 : i32 to vector<16xi32>
      %mul3A_25 = arith.muli %shift_right_arithmetic3A_22, %mul3A_24 : vector<16xi32>
      %and3A = arith.constant 127 : i32
      %and3A_26 = vector.broadcast %and3A : i32 to vector<16xi32>
      %and3A_27 = arith.andi %get3A_20, %and3A_26 : vector<16xi32>
      %add3A_28 = arith.addi %mul3A_25, %and3A_27 : vector<16xi32>
      %add3A_29 = arith.constant 0 : i32
      %add3A_30 = vector.broadcast %add3A_29 : i32 to vector<16xi32>
      %add3A_31 = arith.addi %add3A_28, %add3A_30 : vector<16xi32>
      %mul3A_32 = arith.constant 16 : i32
      %mul3A_33 = arith.muli %scan3A_17, %mul3A_32 : i32
      %add3A_34 = arith.constant 0 : i32
      %add3A_35 = arith.addi %add3A_34, %mul3A_33 : i32
      %swap3A = arith.index_cast %add3A_35 : i32 to index
      %swap3A_36 = tpu.vector_load %arg6[%swap3A] {strides = array<i32>} : memref<4096xi32, #tpu.memory_space<vmem>>, vector<16xi32>,
      tpu.vector_store %arg6[%swap3A], %add3A_31 {strides = array<i32>} : memref<4096xi32, #tpu.memory_space<vmem>>, vector<16xi32>,
      %add3A_37 = arith.constant 128 : i32
      %add3A_38 = vector.broadcast %add3A_37 : i32 to vector<16xi32>
      %add3A_39 = arith.addi %add3A_28, %add3A_38 : vector<16xi32>
      %mul3A_40 = arith.constant 16 : i32
      %mul3A_41 = arith.muli %scan3A_17, %mul3A_40 : i32
      %add3A_42 = arith.constant 512 : i32
      %add3A_43 = arith.addi %add3A_42, %mul3A_41 : i32
      %swap3A_44 = arith.index_cast %add3A_43 : i32 to index
      %swap3A_45 = tpu.vector_load %arg6[%swap3A_44] {strides = array<i32>} : memref<4096xi32, #tpu.memory_space<vmem>>, vector<16xi32>,
      tpu.vector_store %arg6[%swap3A_44], %add3A_39 {strides = array<i32>} : memref<4096xi32, #tpu.memory_space<vmem>>, vector<16xi32>,
      %add3A_46 = arith.constant 256 : i32
      %add3A_47 = vector.broadcast %add3A_46 : i32 to vector<16xi32>
      %add3A_48 = arith.addi %add3A_28, %add3A_47 : vector<16xi32>
      %mul3A_49 = arith.constant 16 : i32
      %mul3A_50 = arith.muli %scan3A_17, %mul3A_49 : i32
      %add3A_51 = arith.constant 1024 : i32
      %add3A_52 = arith.addi %add3A_51, %mul3A_50 : i32
      %swap3A_53 = arith.index_cast %add3A_52 : i32 to index
      %swap3A_54 = tpu.vector_load %arg6[%swap3A_53] {strides = array<i32>} : memref<4096xi32, #tpu.memory_space<vmem>>, vector<16xi32>,
      tpu.vector_store %arg6[%swap3A_53], %add3A_48 {strides = array<i32>} : memref<4096xi32, #tpu.memory_space<vmem>>, vector<16xi32>,
      %add3A_55 = arith.constant 384 : i32
      %add3A_56 = vector.broadcast %add3A_55 : i32 to vector<16xi32>
      %add3A_57 = arith.addi %add3A_28, %add3A_56 : vector<16xi32>
      %mul3A_58 = arith.constant 16 : i32
      %mul3A_59 = arith.muli %scan3A_17, %mul3A_58 : i32
      %add3A_60 = arith.constant 1536 : i32
      %add3A_61 = arith.addi %add3A_60, %mul3A_59 : i32
      %swap3A_62 = arith.index_cast %add3A_61 : i32 to index
      %swap3A_63 = tpu.vector_load %arg6[%swap3A_62] {strides = array<i32>} : memref<4096xi32, #tpu.memory_space<vmem>>, vector<16xi32>,
      tpu.vector_store %arg6[%swap3A_62], %add3A_57 {strides = array<i32>} : memref<4096xi32, #tpu.memory_space<vmem>>, vector<16xi32>,
      %add3A_64 = arith.constant 512 : i32
      %add3A_65 = vector.broadcast %add3A_64 : i32 to vector<16xi32>
      %add3A_66 = arith.addi %add3A_28, %add3A_65 : vector<16xi32>
      %mul3A_67 = arith.constant 16 : i32
      %mul3A_68 = arith.muli %scan3A_17, %mul3A_67 : i32
      %add3A_69 = arith.constant 2048 : i32
      %add3A_70 = arith.addi %add3A_69, %mul3A_68 : i32
      %swap3A_71 = arith.index_cast %add3A_70 : i32 to index
      %swap3A_72 = tpu.vector_load %arg6[%swap3A_71] {strides = array<i32>} : memref<4096xi32, #tpu.memory_space<vmem>>, vector<16xi32>,
      tpu.vector_store %arg6[%swap3A_71], %add3A_66 {strides = array<i32>} : memref<4096xi32, #tpu.memory_space<vmem>>, vector<16xi32>,
      %add3A_73 = arith.constant 640 : i32
      %add3A_74 = vector.broadcast %add3A_73 : i32 to vector<16xi32>
      %add3A_75 = arith.addi %add3A_28, %add3A_74 : vector<16xi32>
      %mul3A_76 = arith.constant 16 : i32
      %mul3A_77 = arith.muli %scan3A_17, %mul3A_76 : i32
      %add3A_78 = arith.constant 2560 : i32
      %add3A_79 = arith.addi %add3A_78, %mul3A_77 : i32
      %swap3A_80 = arith.index_cast %add3A_79 : i32 to index
      %swap3A_81 = tpu.vector_load %arg6[%swap3A_80] {strides = array<i32>} : memref<4096xi32, #tpu.memory_space<vmem>>, vector<16xi32>,
      tpu.vector_store %arg6[%swap3A_80], %add3A_75 {strides = array<i32>} : memref<4096xi32, #tpu.memory_space<vmem>>, vector<16xi32>,
      %add3A_82 = arith.constant 768 : i32
      %add3A_83 = vector.broadcast %add3A_82 : i32 to vector<16xi32>
      %add3A_84 = arith.addi %add3A_28, %add3A_83 : vector<16xi32>
      %mul3A_85 = arith.constant 16 : i32
      %mul3A_86 = arith.muli %scan3A_17, %mul3A_85 : i32
      %add3A_87 = arith.constant 3072 : i32
      %add3A_88 = arith.addi %add3A_87, %mul3A_86 : i32
      %swap3A_89 = arith.index_cast %add3A_88 : i32 to index
      %swap3A_90 = tpu.vector_load %arg6[%swap3A_89] {strides = array<i32>} : memref<4096xi32, #tpu.memory_space<vmem>>, vector<16xi32>,
      tpu.vector_store %arg6[%swap3A_89], %add3A_84 {strides = array<i32>} : memref<4096xi32, #tpu.memory_space<vmem>>, vector<16xi32>,
      %add3A_91 = arith.constant 896 : i32
      %add3A_92 = vector.broadcast %add3A_91 : i32 to vector<16xi32>
      %add3A_93 = arith.addi %add3A_28, %add3A_92 : vector<16xi32>
      %mul3A_94 = arith.constant 16 : i32
      %mul3A_95 = arith.muli %scan3A_17, %mul3A_94 : i32
      %add3A_96 = arith.constant 3584 : i32
      %add3A_97 = arith.addi %add3A_96, %mul3A_95 : i32
      %swap3A_98 = arith.index_cast %add3A_97 : i32 to index
      %swap3A_99 = tpu.vector_load %arg6[%swap3A_98] {strides = array<i32>} : memref<4096xi32, #tpu.memory_space<vmem>>, vector<16xi32>,
      tpu.vector_store %arg6[%swap3A_98], %add3A_93 {strides = array<i32>} : memref<4096xi32, #tpu.memory_space<vmem>>, vector<16xi32>,
    }
    %scan3A_7 = arith.constant 32 : i32
    %dma_start3A = arith.constant 0 : i32
    %dma_start3A_8 = tpu.memref_slice %arg2[%dma_start3A] : memref<8000512xf32, #tpu.memory_space<hbm>> -> memref<8000512xf32, #tpu.memory_space<hbm>>
    tpu.enqueue_indirect_dma source(%dma_start3A_8 : memref<8000512xf32, #tpu.memory_space<hbm>>) target(%arg7 : memref<4096xf32, #tpu.memory_space<vmem>>) offsets(%arg6 : memref<4096xi32, #tpu.memory_space<vmem>>) semaphore(%arg8 : memref<!tpu.dma_semaphore, #tpu.memory_space<semaphore_mem>>)
    %dma_wait3A = arith.constant 0 : i32
    %dma_wait3A_9 = tpu.memref_slice %arg2[%dma_wait3A] : memref<8000512xf32, #tpu.memory_space<hbm>> -> memref<8000512xf32, #tpu.memory_space<hbm>>
    tpu.wait_indirect_dma semaphore(%arg8 : memref<!tpu.dma_semaphore, #tpu.memory_space<semaphore_mem>>) src(%dma_wait3A_9 : memref<8000512xf32, #tpu.memory_space<hbm>>) dst(%arg7 : memref<4096xf32, #tpu.memory_space<vmem>>)
    %run_scoped3A = arith.constant 0 : i32
    "tpu.region"() ({
      %run_scoped3A_17 = tpu.sem_alloc : memref<!tpu.dma_semaphore, #tpu.memory_space<semaphore_mem>>
      %dma_start3A_18 = arith.constant 0 : i32
      %dma_start3A_19 = tpu.memref_slice %arg7[%dma_start3A_18] : memref<4096xf32, #tpu.memory_space<vmem>> -> memref<512xf32, #tpu.memory_space<vmem>>
      %dma_start3A_20 = tpu.memref_slice %arg4[%run_scoped3A, %mul3A_2] : memref<8x16384xf32, #tpu.memory_space<hbm>> -> memref<1x512xf32, #tpu.memory_space<hbm>>
      %dma_start3A_21 = tpu.memref_squeeze %dma_start3A_20 : memref<1x512xf32, #tpu.memory_space<hbm>> -> memref<512xf32, #tpu.memory_space<hbm>>
      %dma_start3A_22 = tpu.memref_slice %arg4[%run_scoped3A, %mul3A_2] : memref<8x16384xf32, #tpu.memory_space<hbm>> -> memref<1x512xf32, #tpu.memory_space<hbm>>
      %dma_start3A_23 = tpu.memref_squeeze %dma_start3A_22 : memref<1x512xf32, #tpu.memory_space<hbm>> -> memref<512xf32, #tpu.memory_space<hbm>>
      %dma_start3A_24 = arith.constant 0 : i32
      %dma_start3A_25 = tpu.memref_slice %arg7[%dma_start3A_24] : memref<4096xf32, #tpu.memory_space<vmem>> -> memref<512xf32, #tpu.memory_space<vmem>>
      tpu.enqueue_dma source(%dma_start3A_25 : memref<512xf32, #tpu.memory_space<vmem>>) target(%dma_start3A_23 : memref<512xf32, #tpu.memory_space<hbm>>) target_semaphore(%run_scoped3A_17 : memref<!tpu.dma_semaphore, #tpu.memory_space<semaphore_mem>>)
      %dma_wait3A_26 = arith.constant 0 : i32
      %dma_wait3A_27 = tpu.memref_slice %arg7[%dma_wait3A_26] : memref<4096xf32, #tpu.memory_space<vmem>> -> memref<512xf32, #tpu.memory_space<vmem>>
      %dma_wait3A_28 = tpu.memref_slice %arg4[%run_scoped3A, %mul3A_2] : memref<8x16384xf32, #tpu.memory_space<hbm>> -> memref<1x512xf32, #tpu.memory_space<hbm>>
      %dma_wait3A_29 = tpu.memref_squeeze %dma_wait3A_28 : memref<1x512xf32, #tpu.memory_space<hbm>> -> memref<512xf32, #tpu.memory_space<hbm>>
      %dma_wait3A_30 = tpu.memref_slice %arg4[%run_scoped3A, %mul3A_2] : memref<8x16384xf32, #tpu.memory_space<hbm>> -> memref<1x512xf32, #tpu.memory_space<hbm>>
      %dma_wait3A_31 = tpu.memref_squeeze %dma_wait3A_30 : memref<1x512xf32, #tpu.memory_space<hbm>> -> memref<512xf32, #tpu.memory_space<hbm>>
      %dma_wait3A_32 = arith.constant 0 : i32
      %dma_wait3A_33 = tpu.memref_slice %arg7[%dma_wait3A_32] : memref<4096xf32, #tpu.memory_space<vmem>> -> memref<512xf32, #tpu.memory_space<vmem>>
      tpu.wait_dma2 semaphore(%run_scoped3A_17 : memref<!tpu.dma_semaphore, #tpu.memory_space<semaphore_mem>>) src(%dma_wait3A_33 : memref<512xf32, #tpu.memory_space<vmem>>) dst(%dma_wait3A_31 : memref<512xf32, #tpu.memory_space<hbm>>)
      tpu.yield
    }) : () -> ()
    %run_scoped3A_10 = arith.constant 1 : i32
    "tpu.region"() ({
      %run_scoped3A_17 = tpu.sem_alloc : memref<!tpu.dma_semaphore, #tpu.memory_space<semaphore_mem>>
      %dma_start3A_18 = arith.constant 512 : i32
      %dma_start3A_19 = tpu.memref_slice %arg7[%dma_start3A_18] : memref<4096xf32, #tpu.memory_space<vmem>> -> memref<512xf32, #tpu.memory_space<vmem>>
      %dma_start3A_20 = tpu.memref_slice %arg4[%run_scoped3A_10, %mul3A_2] : memref<8x16384xf32, #tpu.memory_space<hbm>> -> memref<1x512xf32, #tpu.memory_space<hbm>>
      %dma_start3A_21 = tpu.memref_squeeze %dma_start3A_20 : memref<1x512xf32, #tpu.memory_space<hbm>> -> memref<512xf32, #tpu.memory_space<hbm>>
      %dma_start3A_22 = tpu.memref_slice %arg4[%run_scoped3A_10, %mul3A_2] : memref<8x16384xf32, #tpu.memory_space<hbm>> -> memref<1x512xf32, #tpu.memory_space<hbm>>
      %dma_start3A_23 = tpu.memref_squeeze %dma_start3A_22 : memref<1x512xf32, #tpu.memory_space<hbm>> -> memref<512xf32, #tpu.memory_space<hbm>>
      %dma_start3A_24 = arith.constant 512 : i32
      %dma_start3A_25 = tpu.memref_slice %arg7[%dma_start3A_24] : memref<4096xf32, #tpu.memory_space<vmem>> -> memref<512xf32, #tpu.memory_space<vmem>>
      tpu.enqueue_dma source(%dma_start3A_25 : memref<512xf32, #tpu.memory_space<vmem>>) target(%dma_start3A_23 : memref<512xf32, #tpu.memory_space<hbm>>) target_semaphore(%run_scoped3A_17 : memref<!tpu.dma_semaphore, #tpu.memory_space<semaphore_mem>>)
      %dma_wait3A_26 = arith.constant 512 : i32
      %dma_wait3A_27 = tpu.memref_slice %arg7[%dma_wait3A_26] : memref<4096xf32, #tpu.memory_space<vmem>> -> memref<512xf32, #tpu.memory_space<vmem>>
      %dma_wait3A_28 = tpu.memref_slice %arg4[%run_scoped3A_10, %mul3A_2] : memref<8x16384xf32, #tpu.memory_space<hbm>> -> memref<1x512xf32, #tpu.memory_space<hbm>>
      %dma_wait3A_29 = tpu.memref_squeeze %dma_wait3A_28 : memref<1x512xf32, #tpu.memory_space<hbm>> -> memref<512xf32, #tpu.memory_space<hbm>>
      %dma_wait3A_30 = tpu.memref_slice %arg4[%run_scoped3A_10, %mul3A_2] : memref<8x16384xf32, #tpu.memory_space<hbm>> -> memref<1x512xf32, #tpu.memory_space<hbm>>
      %dma_wait3A_31 = tpu.memref_squeeze %dma_wait3A_30 : memref<1x512xf32, #tpu.memory_space<hbm>> -> memref<512xf32, #tpu.memory_space<hbm>>
      %dma_wait3A_32 = arith.constant 512 : i32
      %dma_wait3A_33 = tpu.memref_slice %arg7[%dma_wait3A_32] : memref<4096xf32, #tpu.memory_space<vmem>> -> memref<512xf32, #tpu.memory_space<vmem>>
      tpu.wait_dma2 semaphore(%run_scoped3A_17 : memref<!tpu.dma_semaphore, #tpu.memory_space<semaphore_mem>>) src(%dma_wait3A_33 : memref<512xf32, #tpu.memory_space<vmem>>) dst(%dma_wait3A_31 : memref<512xf32, #tpu.memory_space<hbm>>)
      tpu.yield
    }) : () -> ()
    %run_scoped3A_11 = arith.constant 2 : i32
    "tpu.region"() ({
      %run_scoped3A_17 = tpu.sem_alloc : memref<!tpu.dma_semaphore, #tpu.memory_space<semaphore_mem>>
      %dma_start3A_18 = arith.constant 1024 : i32
      %dma_start3A_19 = tpu.memref_slice %arg7[%dma_start3A_18] : memref<4096xf32, #tpu.memory_space<vmem>> -> memref<512xf32, #tpu.memory_space<vmem>>
      %dma_start3A_20 = tpu.memref_slice %arg4[%run_scoped3A_11, %mul3A_2] : memref<8x16384xf32, #tpu.memory_space<hbm>> -> memref<1x512xf32, #tpu.memory_space<hbm>>
      %dma_start3A_21 = tpu.memref_squeeze %dma_start3A_20 : memref<1x512xf32, #tpu.memory_space<hbm>> -> memref<512xf32, #tpu.memory_space<hbm>>
      %dma_start3A_22 = tpu.memref_slice %arg4[%run_scoped3A_11, %mul3A_2] : memref<8x16384xf32, #tpu.memory_space<hbm>> -> memref<1x512xf32, #tpu.memory_space<hbm>>
      %dma_start3A_23 = tpu.memref_squeeze %dma_start3A_22 : memref<1x512xf32, #tpu.memory_space<hbm>> -> memref<512xf32, #tpu.memory_space<hbm>>
      %dma_start3A_24 = arith.constant 1024 : i32
      %dma_start3A_25 = tpu.memref_slice %arg7[%dma_start3A_24] : memref<4096xf32, #tpu.memory_space<vmem>> -> memref<512xf32, #tpu.memory_space<vmem>>
      tpu.enqueue_dma source(%dma_start3A_25 : memref<512xf32, #tpu.memory_space<vmem>>) target(%dma_start3A_23 : memref<512xf32, #tpu.memory_space<hbm>>) target_semaphore(%run_scoped3A_17 : memref<!tpu.dma_semaphore, #tpu.memory_space<semaphore_mem>>)
      %dma_wait3A_26 = arith.constant 1024 : i32
      %dma_wait3A_27 = tpu.memref_slice %arg7[%dma_wait3A_26] : memref<4096xf32, #tpu.memory_space<vmem>> -> memref<512xf32, #tpu.memory_space<vmem>>
      %dma_wait3A_28 = tpu.memref_slice %arg4[%run_scoped3A_11, %mul3A_2] : memref<8x16384xf32, #tpu.memory_space<hbm>> -> memref<1x512xf32, #tpu.memory_space<hbm>>
      %dma_wait3A_29 = tpu.memref_squeeze %dma_wait3A_28 : memref<1x512xf32, #tpu.memory_space<hbm>> -> memref<512xf32, #tpu.memory_space<hbm>>
      %dma_wait3A_30 = tpu.memref_slice %arg4[%run_scoped3A_11, %mul3A_2] : memref<8x16384xf32, #tpu.memory_space<hbm>> -> memref<1x512xf32, #tpu.memory_space<hbm>>
      %dma_wait3A_31 = tpu.memref_squeeze %dma_wait3A_30 : memref<1x512xf32, #tpu.memory_space<hbm>> -> memref<512xf32, #tpu.memory_space<hbm>>
      %dma_wait3A_32 = arith.constant 1024 : i32
      %dma_wait3A_33 = tpu.memref_slice %arg7[%dma_wait3A_32] : memref<4096xf32, #tpu.memory_space<vmem>> -> memref<512xf32, #tpu.memory_space<vmem>>
      tpu.wait_dma2 semaphore(%run_scoped3A_17 : memref<!tpu.dma_semaphore, #tpu.memory_space<semaphore_mem>>) src(%dma_wait3A_33 : memref<512xf32, #tpu.memory_space<vmem>>) dst(%dma_wait3A_31 : memref<512xf32, #tpu.memory_space<hbm>>)
      tpu.yield
    }) : () -> ()
    %run_scoped3A_12 = arith.constant 3 : i32
    "tpu.region"() ({
      %run_scoped3A_17 = tpu.sem_alloc : memref<!tpu.dma_semaphore, #tpu.memory_space<semaphore_mem>>
      %dma_start3A_18 = arith.constant 1536 : i32
      %dma_start3A_19 = tpu.memref_slice %arg7[%dma_start3A_18] : memref<4096xf32, #tpu.memory_space<vmem>> -> memref<512xf32, #tpu.memory_space<vmem>>
      %dma_start3A_20 = tpu.memref_slice %arg4[%run_scoped3A_12, %mul3A_2] : memref<8x16384xf32, #tpu.memory_space<hbm>> -> memref<1x512xf32, #tpu.memory_space<hbm>>
      %dma_start3A_21 = tpu.memref_squeeze %dma_start3A_20 : memref<1x512xf32, #tpu.memory_space<hbm>> -> memref<512xf32, #tpu.memory_space<hbm>>
      %dma_start3A_22 = tpu.memref_slice %arg4[%run_scoped3A_12, %mul3A_2] : memref<8x16384xf32, #tpu.memory_space<hbm>> -> memref<1x512xf32, #tpu.memory_space<hbm>>
      %dma_start3A_23 = tpu.memref_squeeze %dma_start3A_22 : memref<1x512xf32, #tpu.memory_space<hbm>> -> memref<512xf32, #tpu.memory_space<hbm>>
      %dma_start3A_24 = arith.constant 1536 : i32
      %dma_start3A_25 = tpu.memref_slice %arg7[%dma_start3A_24] : memref<4096xf32, #tpu.memory_space<vmem>> -> memref<512xf32, #tpu.memory_space<vmem>>
      tpu.enqueue_dma source(%dma_start3A_25 : memref<512xf32, #tpu.memory_space<vmem>>) target(%dma_start3A_23 : memref<512xf32, #tpu.memory_space<hbm>>) target_semaphore(%run_scoped3A_17 : memref<!tpu.dma_semaphore, #tpu.memory_space<semaphore_mem>>)
      %dma_wait3A_26 = arith.constant 1536 : i32
      %dma_wait3A_27 = tpu.memref_slice %arg7[%dma_wait3A_26] : memref<4096xf32, #tpu.memory_space<vmem>> -> memref<512xf32, #tpu.memory_space<vmem>>
      %dma_wait3A_28 = tpu.memref_slice %arg4[%run_scoped3A_12, %mul3A_2] : memref<8x16384xf32, #tpu.memory_space<hbm>> -> memref<1x512xf32, #tpu.memory_space<hbm>>
      %dma_wait3A_29 = tpu.memref_squeeze %dma_wait3A_28 : memref<1x512xf32, #tpu.memory_space<hbm>> -> memref<512xf32, #tpu.memory_space<hbm>>
      %dma_wait3A_30 = tpu.memref_slice %arg4[%run_scoped3A_12, %mul3A_2] : memref<8x16384xf32, #tpu.memory_space<hbm>> -> memref<1x512xf32, #tpu.memory_space<hbm>>
      %dma_wait3A_31 = tpu.memref_squeeze %dma_wait3A_30 : memref<1x512xf32, #tpu.memory_space<hbm>> -> memref<512xf32, #tpu.memory_space<hbm>>
      %dma_wait3A_32 = arith.constant 1536 : i32
      %dma_wait3A_33 = tpu.memref_slice %arg7[%dma_wait3A_32] : memref<4096xf32, #tpu.memory_space<vmem>> -> memref<512xf32, #tpu.memory_space<vmem>>
      tpu.wait_dma2 semaphore(%run_scoped3A_17 : memref<!tpu.dma_semaphore, #tpu.memory_space<semaphore_mem>>) src(%dma_wait3A_33 : memref<512xf32, #tpu.memory_space<vmem>>) dst(%dma_wait3A_31 : memref<512xf32, #tpu.memory_space<hbm>>)
      tpu.yield
    }) : () -> ()
    %run_scoped3A_13 = arith.constant 4 : i32
    "tpu.region"() ({
      %run_scoped3A_17 = tpu.sem_alloc : memref<!tpu.dma_semaphore, #tpu.memory_space<semaphore_mem>>
      %dma_start3A_18 = arith.constant 2048 : i32
      %dma_start3A_19 = tpu.memref_slice %arg7[%dma_start3A_18] : memref<4096xf32, #tpu.memory_space<vmem>> -> memref<512xf32, #tpu.memory_space<vmem>>
      %dma_start3A_20 = tpu.memref_slice %arg4[%run_scoped3A_13, %mul3A_2] : memref<8x16384xf32, #tpu.memory_space<hbm>> -> memref<1x512xf32, #tpu.memory_space<hbm>>
      %dma_start3A_21 = tpu.memref_squeeze %dma_start3A_20 : memref<1x512xf32, #tpu.memory_space<hbm>> -> memref<512xf32, #tpu.memory_space<hbm>>
      %dma_start3A_22 = tpu.memref_slice %arg4[%run_scoped3A_13, %mul3A_2] : memref<8x16384xf32, #tpu.memory_space<hbm>> -> memref<1x512xf32, #tpu.memory_space<hbm>>
      %dma_start3A_23 = tpu.memref_squeeze %dma_start3A_22 : memref<1x512xf32, #tpu.memory_space<hbm>> -> memref<512xf32, #tpu.memory_space<hbm>>
      %dma_start3A_24 = arith.constant 2048 : i32
      %dma_start3A_25 = tpu.memref_slice %arg7[%dma_start3A_24] : memref<4096xf32, #tpu.memory_space<vmem>> -> memref<512xf32, #tpu.memory_space<vmem>>
      tpu.enqueue_dma source(%dma_start3A_25 : memref<512xf32, #tpu.memory_space<vmem>>) target(%dma_start3A_23 : memref<512xf32, #tpu.memory_space<hbm>>) target_semaphore(%run_scoped3A_17 : memref<!tpu.dma_semaphore, #tpu.memory_space<semaphore_mem>>)
      %dma_wait3A_26 = arith.constant 2048 : i32
      %dma_wait3A_27 = tpu.memref_slice %arg7[%dma_wait3A_26] : memref<4096xf32, #tpu.memory_space<vmem>> -> memref<512xf32, #tpu.memory_space<vmem>>
      %dma_wait3A_28 = tpu.memref_slice %arg4[%run_scoped3A_13, %mul3A_2] : memref<8x16384xf32, #tpu.memory_space<hbm>> -> memref<1x512xf32, #tpu.memory_space<hbm>>
      %dma_wait3A_29 = tpu.memref_squeeze %dma_wait3A_28 : memref<1x512xf32, #tpu.memory_space<hbm>> -> memref<512xf32, #tpu.memory_space<hbm>>
      %dma_wait3A_30 = tpu.memref_slice %arg4[%run_scoped3A_13, %mul3A_2] : memref<8x16384xf32, #tpu.memory_space<hbm>> -> memref<1x512xf32, #tpu.memory_space<hbm>>
      %dma_wait3A_31 = tpu.memref_squeeze %dma_wait3A_30 : memref<1x512xf32, #tpu.memory_space<hbm>> -> memref<512xf32, #tpu.memory_space<hbm>>
      %dma_wait3A_32 = arith.constant 2048 : i32
      %dma_wait3A_33 = tpu.memref_slice %arg7[%dma_wait3A_32] : memref<4096xf32, #tpu.memory_space<vmem>> -> memref<512xf32, #tpu.memory_space<vmem>>
      tpu.wait_dma2 semaphore(%run_scoped3A_17 : memref<!tpu.dma_semaphore, #tpu.memory_space<semaphore_mem>>) src(%dma_wait3A_33 : memref<512xf32, #tpu.memory_space<vmem>>) dst(%dma_wait3A_31 : memref<512xf32, #tpu.memory_space<hbm>>)
      tpu.yield
    }) : () -> ()
    %run_scoped3A_14 = arith.constant 5 : i32
    "tpu.region"() ({
      %run_scoped3A_17 = tpu.sem_alloc : memref<!tpu.dma_semaphore, #tpu.memory_space<semaphore_mem>>
      %dma_start3A_18 = arith.constant 2560 : i32
      %dma_start3A_19 = tpu.memref_slice %arg7[%dma_start3A_18] : memref<4096xf32, #tpu.memory_space<vmem>> -> memref<512xf32, #tpu.memory_space<vmem>>
      %dma_start3A_20 = tpu.memref_slice %arg4[%run_scoped3A_14, %mul3A_2] : memref<8x16384xf32, #tpu.memory_space<hbm>> -> memref<1x512xf32, #tpu.memory_space<hbm>>
      %dma_start3A_21 = tpu.memref_squeeze %dma_start3A_20 : memref<1x512xf32, #tpu.memory_space<hbm>> -> memref<512xf32, #tpu.memory_space<hbm>>
      %dma_start3A_22 = tpu.memref_slice %arg4[%run_scoped3A_14, %mul3A_2] : memref<8x16384xf32, #tpu.memory_space<hbm>> -> memref<1x512xf32, #tpu.memory_space<hbm>>
      %dma_start3A_23 = tpu.memref_squeeze %dma_start3A_22 : memref<1x512xf32, #tpu.memory_space<hbm>> -> memref<512xf32, #tpu.memory_space<hbm>>
      %dma_start3A_24 = arith.constant 2560 : i32
      %dma_start3A_25 = tpu.memref_slice %arg7[%dma_start3A_24] : memref<4096xf32, #tpu.memory_space<vmem>> -> memref<512xf32, #tpu.memory_space<vmem>>
      tpu.enqueue_dma source(%dma_start3A_25 : memref<512xf32, #tpu.memory_space<vmem>>) target(%dma_start3A_23 : memref<512xf32, #tpu.memory_space<hbm>>) target_semaphore(%run_scoped3A_17 : memref<!tpu.dma_semaphore, #tpu.memory_space<semaphore_mem>>)
      %dma_wait3A_26 = arith.constant 2560 : i32
      %dma_wait3A_27 = tpu.memref_slice %arg7[%dma_wait3A_26] : memref<4096xf32, #tpu.memory_space<vmem>> -> memref<512xf32, #tpu.memory_space<vmem>>
      %dma_wait3A_28 = tpu.memref_slice %arg4[%run_scoped3A_14, %mul3A_2] : memref<8x16384xf32, #tpu.memory_space<hbm>> -> memref<1x512xf32, #tpu.memory_space<hbm>>
      %dma_wait3A_29 = tpu.memref_squeeze %dma_wait3A_28 : memref<1x512xf32, #tpu.memory_space<hbm>> -> memref<512xf32, #tpu.memory_space<hbm>>
      %dma_wait3A_30 = tpu.memref_slice %arg4[%run_scoped3A_14, %mul3A_2] : memref<8x16384xf32, #tpu.memory_space<hbm>> -> memref<1x512xf32, #tpu.memory_space<hbm>>
      %dma_wait3A_31 = tpu.memref_squeeze %dma_wait3A_30 : memref<1x512xf32, #tpu.memory_space<hbm>> -> memref<512xf32, #tpu.memory_space<hbm>>
      %dma_wait3A_32 = arith.constant 2560 : i32
      %dma_wait3A_33 = tpu.memref_slice %arg7[%dma_wait3A_32] : memref<4096xf32, #tpu.memory_space<vmem>> -> memref<512xf32, #tpu.memory_space<vmem>>
      tpu.wait_dma2 semaphore(%run_scoped3A_17 : memref<!tpu.dma_semaphore, #tpu.memory_space<semaphore_mem>>) src(%dma_wait3A_33 : memref<512xf32, #tpu.memory_space<vmem>>) dst(%dma_wait3A_31 : memref<512xf32, #tpu.memory_space<hbm>>)
      tpu.yield
    }) : () -> ()
    %run_scoped3A_15 = arith.constant 6 : i32
    "tpu.region"() ({
      %run_scoped3A_17 = tpu.sem_alloc : memref<!tpu.dma_semaphore, #tpu.memory_space<semaphore_mem>>
      %dma_start3A_18 = arith.constant 3072 : i32
      %dma_start3A_19 = tpu.memref_slice %arg7[%dma_start3A_18] : memref<4096xf32, #tpu.memory_space<vmem>> -> memref<512xf32, #tpu.memory_space<vmem>>
      %dma_start3A_20 = tpu.memref_slice %arg4[%run_scoped3A_15, %mul3A_2] : memref<8x16384xf32, #tpu.memory_space<hbm>> -> memref<1x512xf32, #tpu.memory_space<hbm>>
      %dma_start3A_21 = tpu.memref_squeeze %dma_start3A_20 : memref<1x512xf32, #tpu.memory_space<hbm>> -> memref<512xf32, #tpu.memory_space<hbm>>
      %dma_start3A_22 = tpu.memref_slice %arg4[%run_scoped3A_15, %mul3A_2] : memref<8x16384xf32, #tpu.memory_space<hbm>> -> memref<1x512xf32, #tpu.memory_space<hbm>>
      %dma_start3A_23 = tpu.memref_squeeze %dma_start3A_22 : memref<1x512xf32, #tpu.memory_space<hbm>> -> memref<512xf32, #tpu.memory_space<hbm>>
      %dma_start3A_24 = arith.constant 3072 : i32
      %dma_start3A_25 = tpu.memref_slice %arg7[%dma_start3A_24] : memref<4096xf32, #tpu.memory_space<vmem>> -> memref<512xf32, #tpu.memory_space<vmem>>
      tpu.enqueue_dma source(%dma_start3A_25 : memref<512xf32, #tpu.memory_space<vmem>>) target(%dma_start3A_23 : memref<512xf32, #tpu.memory_space<hbm>>) target_semaphore(%run_scoped3A_17 : memref<!tpu.dma_semaphore, #tpu.memory_space<semaphore_mem>>)
      %dma_wait3A_26 = arith.constant 3072 : i32
      %dma_wait3A_27 = tpu.memref_slice %arg7[%dma_wait3A_26] : memref<4096xf32, #tpu.memory_space<vmem>> -> memref<512xf32, #tpu.memory_space<vmem>>
      %dma_wait3A_28 = tpu.memref_slice %arg4[%run_scoped3A_15, %mul3A_2] : memref<8x16384xf32, #tpu.memory_space<hbm>> -> memref<1x512xf32, #tpu.memory_space<hbm>>
      %dma_wait3A_29 = tpu.memref_squeeze %dma_wait3A_28 : memref<1x512xf32, #tpu.memory_space<hbm>> -> memref<512xf32, #tpu.memory_space<hbm>>
      %dma_wait3A_30 = tpu.memref_slice %arg4[%run_scoped3A_15, %mul3A_2] : memref<8x16384xf32, #tpu.memory_space<hbm>> -> memref<1x512xf32, #tpu.memory_space<hbm>>
      %dma_wait3A_31 = tpu.memref_squeeze %dma_wait3A_30 : memref<1x512xf32, #tpu.memory_space<hbm>> -> memref<512xf32, #tpu.memory_space<hbm>>
      %dma_wait3A_32 = arith.constant 3072 : i32
      %dma_wait3A_33 = tpu.memref_slice %arg7[%dma_wait3A_32] : memref<4096xf32, #tpu.memory_space<vmem>> -> memref<512xf32, #tpu.memory_space<vmem>>
      tpu.wait_dma2 semaphore(%run_scoped3A_17 : memref<!tpu.dma_semaphore, #tpu.memory_space<semaphore_mem>>) src(%dma_wait3A_33 : memref<512xf32, #tpu.memory_space<vmem>>) dst(%dma_wait3A_31 : memref<512xf32, #tpu.memory_space<hbm>>)
      tpu.yield
    }) : () -> ()
    %run_scoped3A_16 = arith.constant 7 : i32
    "tpu.region"() ({
      %run_scoped3A_17 = tpu.sem_alloc : memref<!tpu.dma_semaphore, #tpu.memory_space<semaphore_mem>>
      %dma_start3A_18 = arith.constant 3584 : i32
      %dma_start3A_19 = tpu.memref_slice %arg7[%dma_start3A_18] : memref<4096xf32, #tpu.memory_space<vmem>> -> memref<512xf32, #tpu.memory_space<vmem>>
      %dma_start3A_20 = tpu.memref_slice %arg4[%run_scoped3A_16, %mul3A_2] : memref<8x16384xf32, #tpu.memory_space<hbm>> -> memref<1x512xf32, #tpu.memory_space<hbm>>
      %dma_start3A_21 = tpu.memref_squeeze %dma_start3A_20 : memref<1x512xf32, #tpu.memory_space<hbm>> -> memref<512xf32, #tpu.memory_space<hbm>>
      %dma_start3A_22 = tpu.memref_slice %arg4[%run_scoped3A_16, %mul3A_2] : memref<8x16384xf32, #tpu.memory_space<hbm>> -> memref<1x512xf32, #tpu.memory_space<hbm>>
      %dma_start3A_23 = tpu.memref_squeeze %dma_start3A_22 : memref<1x512xf32, #tpu.memory_space<hbm>> -> memref<512xf32, #tpu.memory_space<hbm>>
      %dma_start3A_24 = arith.constant 3584 : i32
      %dma_start3A_25 = tpu.memref_slice %arg7[%dma_start3A_24] : memref<4096xf32, #tpu.memory_space<vmem>> -> memref<512xf32, #tpu.memory_space<vmem>>
      tpu.enqueue_dma source(%dma_start3A_25 : memref<512xf32, #tpu.memory_space<vmem>>) target(%dma_start3A_23 : memref<512xf32, #tpu.memory_space<hbm>>) target_semaphore(%run_scoped3A_17 : memref<!tpu.dma_semaphore, #tpu.memory_space<semaphore_mem>>)
      %dma_wait3A_26 = arith.constant 3584 : i32
      %dma_wait3A_27 = tpu.memref_slice %arg7[%dma_wait3A_26] : memref<4096xf32, #tpu.memory_space<vmem>> -> memref<512xf32, #tpu.memory_space<vmem>>
      %dma_wait3A_28 = tpu.memref_slice %arg4[%run_scoped3A_16, %mul3A_2] : memref<8x16384xf32, #tpu.memory_space<hbm>> -> memref<1x512xf32, #tpu.memory_space<hbm>>
      %dma_wait3A_29 = tpu.memref_squeeze %dma_wait3A_28 : memref<1x512xf32, #tpu.memory_space<hbm>> -> memref<512xf32, #tpu.memory_space<hbm>>
      %dma_wait3A_30 = tpu.memref_slice %arg4[%run_scoped3A_16, %mul3A_2] : memref<8x16384xf32, #tpu.memory_space<hbm>> -> memref<1x512xf32, #tpu.memory_space<hbm>>
      %dma_wait3A_31 = tpu.memref_squeeze %dma_wait3A_30 : memref<1x512xf32, #tpu.memory_space<hbm>> -> memref<512xf32, #tpu.memory_space<hbm>>
      %dma_wait3A_32 = arith.constant 3584 : i32
      %dma_wait3A_33 = tpu.memref_slice %arg7[%dma_wait3A_32] : memref<4096xf32, #tpu.memory_space<vmem>> -> memref<512xf32, #tpu.memory_space<vmem>>
      tpu.wait_dma2 semaphore(%run_scoped3A_17 : memref<!tpu.dma_semaphore, #tpu.memory_space<semaphore_mem>>) src(%dma_wait3A_33 : memref<512xf32, #tpu.memory_space<vmem>>) dst(%dma_wait3A_31 : memref<512xf32, #tpu.memory_space<hbm>>)
      tpu.yield
    }) : () -> ()
    return
  }
}

#map = affine_map<(d0, d1) -> (0)>
#map1 = affine_map<(d0, d1) -> (0, 0)>
module attributes {stable_mosaic.version = 14 : i64} {
  func.func @_gather8(%arg0: i32, %arg1: i32, %arg2: memref<8000512xf32, #tpu.memory_space<hbm>>, %arg3: memref<16384xi32, #tpu.memory_space<hbm>>, %arg4: memref<8x16384xf32, #tpu.memory_space<hbm>>, %arg5: memref<512xi32, #tpu.memory_space<vmem>>, %arg6: memref<4096xi32, #tpu.memory_space<vmem>>, %arg7: memref<4096xf32, #tpu.memory_space<vmem>>, %arg8: memref<!tpu.dma_semaphore, #tpu.memory_space<semaphore_mem>>) attributes {dimension_semantics = [#tpu.dimension_semantics<core_parallel>, #tpu.dimension_semantics<subcore_parallel>], iteration_bounds = array<i64: 2, 16>, scalar_prefetch = 0 : i64, scratch_operands = 4 : i64, tpu.core_type = #tpu.core_type<sc_vector_subcore>, window_params = [{transform_indices = #map}, {transform_indices = #map}, {transform_indices = #map1}]} {
    %mul3A = arith.constant 2 : i32
    %mul3A_0 = arith.muli %arg1, %mul3A : i32
    %add3A = arith.addi %mul3A_0, %arg0 : i32
    %mul3A_1 = arith.constant 512 : i32
    %mul3A_2 = arith.muli %add3A, %mul3A_1 : i32
    "tpu.region"() ({
      %run_scoped3A_17 = tpu.sem_alloc : memref<!tpu.dma_semaphore, #tpu.memory_space<semaphore_mem>>
      %dma_start3A_18 = tpu.memref_slice %arg3[%mul3A_2] : memref<16384xi32, #tpu.memory_space<hbm>> -> memref<512xi32, #tpu.memory_space<hbm>>
      %dma_start3A_19 = tpu.memref_slice %arg3[%mul3A_2] : memref<16384xi32, #tpu.memory_space<hbm>> -> memref<512xi32, #tpu.memory_space<hbm>>
      tpu.enqueue_dma source(%dma_start3A_19 : memref<512xi32, #tpu.memory_space<hbm>>) target(%arg5 : memref<512xi32, #tpu.memory_space<vmem>>) target_semaphore(%run_scoped3A_17 : memref<!tpu.dma_semaphore, #tpu.memory_space<semaphore_mem>>)
      %dma_wait3A_20 = tpu.memref_slice %arg3[%mul3A_2] : memref<16384xi32, #tpu.memory_space<hbm>> -> memref<512xi32, #tpu.memory_space<hbm>>
      %dma_wait3A_21 = tpu.memref_slice %arg3[%mul3A_2] : memref<16384xi32, #tpu.memory_space<hbm>> -> memref<512xi32, #tpu.memory_space<hbm>>
      tpu.wait_dma2 semaphore(%run_scoped3A_17 : memref<!tpu.dma_semaphore, #tpu.memory_space<semaphore_mem>>) src(%dma_wait3A_21 : memref<512xi32, #tpu.memory_space<hbm>>) dst(%arg5 : memref<512xi32, #tpu.memory_space<vmem>>)
      tpu.yield
    }) : () -> ()
    %scan3A = arith.constant 0 : i32
    %scan3A_3 = arith.constant 0 : i32
    %scan3A_4 = arith.constant 32 : i32
    %scan3A_5 = arith.addi %scan3A_3, %scan3A_4 : i32
    %scan3A_6 = arith.constant 1 : i32
    scf.for %scan3A_17 = %scan3A_3 to %scan3A_5 step %scan3A_6  : i32 {
      %mul3A_18 = arith.constant 16 : i32
      %mul3A_19 = arith.muli %scan3A_17, %mul3A_18 : i32
      %get3A = arith.index_cast %mul3A_19 : i32 to index
      %get3A_20 = tpu.vector_load %arg5[%get3A] {strides = array<i32>} : memref<512xi32, #tpu.memory_space<vmem>>, vector<16xi32>,
      %shift_right_arithmetic3A = arith.constant 7 : i32
      %shift_right_arithmetic3A_21 = vector.broadcast %shift_right_arithmetic3A : i32 to vector<16xi32>
      %shift_right_arithmetic3A_22 = arith.shrsi %get3A_20, %shift_right_arithmetic3A_21 : vector<16xi32>
      %mul3A_23 = arith.constant 1024 : i32
      %mul3A_24 = vector.broadcast %mul3A_23 : i32 to vector<16xi32>
      %mul3A_25 = arith.muli %shift_right_arithmetic3A_22, %mul3A_24 : vector<16xi32>
      %and3A = arith.constant 127 : i32
      %and3A_26 = vector.broadcast %and3A : i32 to vector<16xi32>
      %and3A_27 = arith.andi %get3A_20, %and3A_26 : vector<16xi32>
      %add3A_28 = arith.addi %mul3A_25, %and3A_27 : vector<16xi32>
      %add3A_29 = arith.constant 0 : i32
      %add3A_30 = vector.broadcast %add3A_29 : i32 to vector<16xi32>
      %add3A_31 = arith.addi %add3A_28, %add3A_30 : vector<16xi32>
      %mul3A_32 = arith.constant 16 : i32
      %mul3A_33 = arith.muli %scan3A_17, %mul3A_32 : i32
      %add3A_34 = arith.constant 0 : i32
      %add3A_35 = arith.addi %add3A_34, %mul3A_33 : i32
      %swap3A = arith.index_cast %add3A_35 : i32 to index
      %swap3A_36 = tpu.vector_load %arg6[%swap3A] {strides = array<i32>} : memref<4096xi32, #tpu.memory_space<vmem>>, vector<16xi32>,
      tpu.vector_store %arg6[%swap3A], %add3A_31 {strides = array<i32>} : memref<4096xi32, #tpu.memory_space<vmem>>, vector<16xi32>,
      %add3A_37 = arith.constant 128 : i32
      %add3A_38 = vector.broadcast %add3A_37 : i32 to vector<16xi32>
      %add3A_39 = arith.addi %add3A_28, %add3A_38 : vector<16xi32>
      %mul3A_40 = arith.constant 16 : i32
      %mul3A_41 = arith.muli %scan3A_17, %mul3A_40 : i32
      %add3A_42 = arith.constant 512 : i32
      %add3A_43 = arith.addi %add3A_42, %mul3A_41 : i32
      %swap3A_44 = arith.index_cast %add3A_43 : i32 to index
      %swap3A_45 = tpu.vector_load %arg6[%swap3A_44] {strides = array<i32>} : memref<4096xi32, #tpu.memory_space<vmem>>, vector<16xi32>,
      tpu.vector_store %arg6[%swap3A_44], %add3A_39 {strides = array<i32>} : memref<4096xi32, #tpu.memory_space<vmem>>, vector<16xi32>,
      %add3A_46 = arith.constant 256 : i32
      %add3A_47 = vector.broadcast %add3A_46 : i32 to vector<16xi32>
      %add3A_48 = arith.addi %add3A_28, %add3A_47 : vector<16xi32>
      %mul3A_49 = arith.constant 16 : i32
      %mul3A_50 = arith.muli %scan3A_17, %mul3A_49 : i32
      %add3A_51 = arith.constant 1024 : i32
      %add3A_52 = arith.addi %add3A_51, %mul3A_50 : i32
      %swap3A_53 = arith.index_cast %add3A_52 : i32 to index
      %swap3A_54 = tpu.vector_load %arg6[%swap3A_53] {strides = array<i32>} : memref<4096xi32, #tpu.memory_space<vmem>>, vector<16xi32>,
      tpu.vector_store %arg6[%swap3A_53], %add3A_48 {strides = array<i32>} : memref<4096xi32, #tpu.memory_space<vmem>>, vector<16xi32>,
      %add3A_55 = arith.constant 384 : i32
      %add3A_56 = vector.broadcast %add3A_55 : i32 to vector<16xi32>
      %add3A_57 = arith.addi %add3A_28, %add3A_56 : vector<16xi32>
      %mul3A_58 = arith.constant 16 : i32
      %mul3A_59 = arith.muli %scan3A_17, %mul3A_58 : i32
      %add3A_60 = arith.constant 1536 : i32
      %add3A_61 = arith.addi %add3A_60, %mul3A_59 : i32
      %swap3A_62 = arith.index_cast %add3A_61 : i32 to index
      %swap3A_63 = tpu.vector_load %arg6[%swap3A_62] {strides = array<i32>} : memref<4096xi32, #tpu.memory_space<vmem>>, vector<16xi32>,
      tpu.vector_store %arg6[%swap3A_62], %add3A_57 {strides = array<i32>} : memref<4096xi32, #tpu.memory_space<vmem>>, vector<16xi32>,
      %add3A_64 = arith.constant 512 : i32
      %add3A_65 = vector.broadcast %add3A_64 : i32 to vector<16xi32>
      %add3A_66 = arith.addi %add3A_28, %add3A_65 : vector<16xi32>
      %mul3A_67 = arith.constant 16 : i32
      %mul3A_68 = arith.muli %scan3A_17, %mul3A_67 : i32
      %add3A_69 = arith.constant 2048 : i32
      %add3A_70 = arith.addi %add3A_69, %mul3A_68 : i32
      %swap3A_71 = arith.index_cast %add3A_70 : i32 to index
      %swap3A_72 = tpu.vector_load %arg6[%swap3A_71] {strides = array<i32>} : memref<4096xi32, #tpu.memory_space<vmem>>, vector<16xi32>,
      tpu.vector_store %arg6[%swap3A_71], %add3A_66 {strides = array<i32>} : memref<4096xi32, #tpu.memory_space<vmem>>, vector<16xi32>,
      %add3A_73 = arith.constant 640 : i32
      %add3A_74 = vector.broadcast %add3A_73 : i32 to vector<16xi32>
      %add3A_75 = arith.addi %add3A_28, %add3A_74 : vector<16xi32>
      %mul3A_76 = arith.constant 16 : i32
      %mul3A_77 = arith.muli %scan3A_17, %mul3A_76 : i32
      %add3A_78 = arith.constant 2560 : i32
      %add3A_79 = arith.addi %add3A_78, %mul3A_77 : i32
      %swap3A_80 = arith.index_cast %add3A_79 : i32 to index
      %swap3A_81 = tpu.vector_load %arg6[%swap3A_80] {strides = array<i32>} : memref<4096xi32, #tpu.memory_space<vmem>>, vector<16xi32>,
      tpu.vector_store %arg6[%swap3A_80], %add3A_75 {strides = array<i32>} : memref<4096xi32, #tpu.memory_space<vmem>>, vector<16xi32>,
      %add3A_82 = arith.constant 768 : i32
      %add3A_83 = vector.broadcast %add3A_82 : i32 to vector<16xi32>
      %add3A_84 = arith.addi %add3A_28, %add3A_83 : vector<16xi32>
      %mul3A_85 = arith.constant 16 : i32
      %mul3A_86 = arith.muli %scan3A_17, %mul3A_85 : i32
      %add3A_87 = arith.constant 3072 : i32
      %add3A_88 = arith.addi %add3A_87, %mul3A_86 : i32
      %swap3A_89 = arith.index_cast %add3A_88 : i32 to index
      %swap3A_90 = tpu.vector_load %arg6[%swap3A_89] {strides = array<i32>} : memref<4096xi32, #tpu.memory_space<vmem>>, vector<16xi32>,
      tpu.vector_store %arg6[%swap3A_89], %add3A_84 {strides = array<i32>} : memref<4096xi32, #tpu.memory_space<vmem>>, vector<16xi32>,
      %add3A_91 = arith.constant 896 : i32
      %add3A_92 = vector.broadcast %add3A_91 : i32 to vector<16xi32>
      %add3A_93 = arith.addi %add3A_28, %add3A_92 : vector<16xi32>
      %mul3A_94 = arith.constant 16 : i32
      %mul3A_95 = arith.muli %scan3A_17, %mul3A_94 : i32
      %add3A_96 = arith.constant 3584 : i32
      %add3A_97 = arith.addi %add3A_96, %mul3A_95 : i32
      %swap3A_98 = arith.index_cast %add3A_97 : i32 to index
      %swap3A_99 = tpu.vector_load %arg6[%swap3A_98] {strides = array<i32>} : memref<4096xi32, #tpu.memory_space<vmem>>, vector<16xi32>,
      tpu.vector_store %arg6[%swap3A_98], %add3A_93 {strides = array<i32>} : memref<4096xi32, #tpu.memory_space<vmem>>, vector<16xi32>,
    }
    %scan3A_7 = arith.constant 32 : i32
    %dma_start3A = arith.constant 0 : i32
    %dma_start3A_8 = tpu.memref_slice %arg2[%dma_start3A] : memref<8000512xf32, #tpu.memory_space<hbm>> -> memref<8000512xf32, #tpu.memory_space<hbm>>
    tpu.enqueue_indirect_dma source(%dma_start3A_8 : memref<8000512xf32, #tpu.memory_space<hbm>>) target(%arg7 : memref<4096xf32, #tpu.memory_space<vmem>>) offsets(%arg6 : memref<4096xi32, #tpu.memory_space<vmem>>) semaphore(%arg8 : memref<!tpu.dma_semaphore, #tpu.memory_space<semaphore_mem>>)
    %dma_wait3A = arith.constant 0 : i32
    %dma_wait3A_9 = tpu.memref_slice %arg2[%dma_wait3A] : memref<8000512xf32, #tpu.memory_space<hbm>> -> memref<8000512xf32, #tpu.memory_space<hbm>>
    tpu.wait_indirect_dma semaphore(%arg8 : memref<!tpu.dma_semaphore, #tpu.memory_space<semaphore_mem>>) src(%dma_wait3A_9 : memref<8000512xf32, #tpu.memory_space<hbm>>) dst(%arg7 : memref<4096xf32, #tpu.memory_space<vmem>>)
    %run_scoped3A = arith.constant 0 : i32
    "tpu.region"() ({
      %run_scoped3A_17 = tpu.sem_alloc : memref<!tpu.dma_semaphore, #tpu.memory_space<semaphore_mem>>
      %dma_start3A_18 = arith.constant 0 : i32
      %dma_start3A_19 = tpu.memref_slice %arg7[%dma_start3A_18] : memref<4096xf32, #tpu.memory_space<vmem>> -> memref<512xf32, #tpu.memory_space<vmem>>
      %dma_start3A_20 = tpu.memref_slice %arg4[%run_scoped3A, %mul3A_2] : memref<8x16384xf32, #tpu.memory_space<hbm>> -> memref<1x512xf32, #tpu.memory_space<hbm>>
      %dma_start3A_21 = tpu.memref_squeeze %dma_start3A_20 : memref<1x512xf32, #tpu.memory_space<hbm>> -> memref<512xf32, #tpu.memory_space<hbm>>
      %dma_start3A_22 = tpu.memref_slice %arg4[%run_scoped3A, %mul3A_2] : memref<8x16384xf32, #tpu.memory_space<hbm>> -> memref<1x512xf32, #tpu.memory_space<hbm>>
      %dma_start3A_23 = tpu.memref_squeeze %dma_start3A_22 : memref<1x512xf32, #tpu.memory_space<hbm>> -> memref<512xf32, #tpu.memory_space<hbm>>
      %dma_start3A_24 = arith.constant 0 : i32
      %dma_start3A_25 = tpu.memref_slice %arg7[%dma_start3A_24] : memref<4096xf32, #tpu.memory_space<vmem>> -> memref<512xf32, #tpu.memory_space<vmem>>
      tpu.enqueue_dma source(%dma_start3A_25 : memref<512xf32, #tpu.memory_space<vmem>>) target(%dma_start3A_23 : memref<512xf32, #tpu.memory_space<hbm>>) target_semaphore(%run_scoped3A_17 : memref<!tpu.dma_semaphore, #tpu.memory_space<semaphore_mem>>)
      %dma_wait3A_26 = arith.constant 0 : i32
      %dma_wait3A_27 = tpu.memref_slice %arg7[%dma_wait3A_26] : memref<4096xf32, #tpu.memory_space<vmem>> -> memref<512xf32, #tpu.memory_space<vmem>>
      %dma_wait3A_28 = tpu.memref_slice %arg4[%run_scoped3A, %mul3A_2] : memref<8x16384xf32, #tpu.memory_space<hbm>> -> memref<1x512xf32, #tpu.memory_space<hbm>>
      %dma_wait3A_29 = tpu.memref_squeeze %dma_wait3A_28 : memref<1x512xf32, #tpu.memory_space<hbm>> -> memref<512xf32, #tpu.memory_space<hbm>>
      %dma_wait3A_30 = tpu.memref_slice %arg4[%run_scoped3A, %mul3A_2] : memref<8x16384xf32, #tpu.memory_space<hbm>> -> memref<1x512xf32, #tpu.memory_space<hbm>>
      %dma_wait3A_31 = tpu.memref_squeeze %dma_wait3A_30 : memref<1x512xf32, #tpu.memory_space<hbm>> -> memref<512xf32, #tpu.memory_space<hbm>>
      %dma_wait3A_32 = arith.constant 0 : i32
      %dma_wait3A_33 = tpu.memref_slice %arg7[%dma_wait3A_32] : memref<4096xf32, #tpu.memory_space<vmem>> -> memref<512xf32, #tpu.memory_space<vmem>>
      tpu.wait_dma2 semaphore(%run_scoped3A_17 : memref<!tpu.dma_semaphore, #tpu.memory_space<semaphore_mem>>) src(%dma_wait3A_33 : memref<512xf32, #tpu.memory_space<vmem>>) dst(%dma_wait3A_31 : memref<512xf32, #tpu.memory_space<hbm>>)
      tpu.yield
    }) : () -> ()
    %run_scoped3A_10 = arith.constant 1 : i32
    "tpu.region"() ({
      %run_scoped3A_17 = tpu.sem_alloc : memref<!tpu.dma_semaphore, #tpu.memory_space<semaphore_mem>>
      %dma_start3A_18 = arith.constant 512 : i32
      %dma_start3A_19 = tpu.memref_slice %arg7[%dma_start3A_18] : memref<4096xf32, #tpu.memory_space<vmem>> -> memref<512xf32, #tpu.memory_space<vmem>>
      %dma_start3A_20 = tpu.memref_slice %arg4[%run_scoped3A_10, %mul3A_2] : memref<8x16384xf32, #tpu.memory_space<hbm>> -> memref<1x512xf32, #tpu.memory_space<hbm>>
      %dma_start3A_21 = tpu.memref_squeeze %dma_start3A_20 : memref<1x512xf32, #tpu.memory_space<hbm>> -> memref<512xf32, #tpu.memory_space<hbm>>
      %dma_start3A_22 = tpu.memref_slice %arg4[%run_scoped3A_10, %mul3A_2] : memref<8x16384xf32, #tpu.memory_space<hbm>> -> memref<1x512xf32, #tpu.memory_space<hbm>>
      %dma_start3A_23 = tpu.memref_squeeze %dma_start3A_22 : memref<1x512xf32, #tpu.memory_space<hbm>> -> memref<512xf32, #tpu.memory_space<hbm>>
      %dma_start3A_24 = arith.constant 512 : i32
      %dma_start3A_25 = tpu.memref_slice %arg7[%dma_start3A_24] : memref<4096xf32, #tpu.memory_space<vmem>> -> memref<512xf32, #tpu.memory_space<vmem>>
      tpu.enqueue_dma source(%dma_start3A_25 : memref<512xf32, #tpu.memory_space<vmem>>) target(%dma_start3A_23 : memref<512xf32, #tpu.memory_space<hbm>>) target_semaphore(%run_scoped3A_17 : memref<!tpu.dma_semaphore, #tpu.memory_space<semaphore_mem>>)
      %dma_wait3A_26 = arith.constant 512 : i32
      %dma_wait3A_27 = tpu.memref_slice %arg7[%dma_wait3A_26] : memref<4096xf32, #tpu.memory_space<vmem>> -> memref<512xf32, #tpu.memory_space<vmem>>
      %dma_wait3A_28 = tpu.memref_slice %arg4[%run_scoped3A_10, %mul3A_2] : memref<8x16384xf32, #tpu.memory_space<hbm>> -> memref<1x512xf32, #tpu.memory_space<hbm>>
      %dma_wait3A_29 = tpu.memref_squeeze %dma_wait3A_28 : memref<1x512xf32, #tpu.memory_space<hbm>> -> memref<512xf32, #tpu.memory_space<hbm>>
      %dma_wait3A_30 = tpu.memref_slice %arg4[%run_scoped3A_10, %mul3A_2] : memref<8x16384xf32, #tpu.memory_space<hbm>> -> memref<1x512xf32, #tpu.memory_space<hbm>>
      %dma_wait3A_31 = tpu.memref_squeeze %dma_wait3A_30 : memref<1x512xf32, #tpu.memory_space<hbm>> -> memref<512xf32, #tpu.memory_space<hbm>>
      %dma_wait3A_32 = arith.constant 512 : i32
      %dma_wait3A_33 = tpu.memref_slice %arg7[%dma_wait3A_32] : memref<4096xf32, #tpu.memory_space<vmem>> -> memref<512xf32, #tpu.memory_space<vmem>>
      tpu.wait_dma2 semaphore(%run_scoped3A_17 : memref<!tpu.dma_semaphore, #tpu.memory_space<semaphore_mem>>) src(%dma_wait3A_33 : memref<512xf32, #tpu.memory_space<vmem>>) dst(%dma_wait3A_31 : memref<512xf32, #tpu.memory_space<hbm>>)
      tpu.yield
    }) : () -> ()
    %run_scoped3A_11 = arith.constant 2 : i32
    "tpu.region"() ({
      %run_scoped3A_17 = tpu.sem_alloc : memref<!tpu.dma_semaphore, #tpu.memory_space<semaphore_mem>>
      %dma_start3A_18 = arith.constant 1024 : i32
      %dma_start3A_19 = tpu.memref_slice %arg7[%dma_start3A_18] : memref<4096xf32, #tpu.memory_space<vmem>> -> memref<512xf32, #tpu.memory_space<vmem>>
      %dma_start3A_20 = tpu.memref_slice %arg4[%run_scoped3A_11, %mul3A_2] : memref<8x16384xf32, #tpu.memory_space<hbm>> -> memref<1x512xf32, #tpu.memory_space<hbm>>
      %dma_start3A_21 = tpu.memref_squeeze %dma_start3A_20 : memref<1x512xf32, #tpu.memory_space<hbm>> -> memref<512xf32, #tpu.memory_space<hbm>>
      %dma_start3A_22 = tpu.memref_slice %arg4[%run_scoped3A_11, %mul3A_2] : memref<8x16384xf32, #tpu.memory_space<hbm>> -> memref<1x512xf32, #tpu.memory_space<hbm>>
      %dma_start3A_23 = tpu.memref_squeeze %dma_start3A_22 : memref<1x512xf32, #tpu.memory_space<hbm>> -> memref<512xf32, #tpu.memory_space<hbm>>
      %dma_start3A_24 = arith.constant 1024 : i32
      %dma_start3A_25 = tpu.memref_slice %arg7[%dma_start3A_24] : memref<4096xf32, #tpu.memory_space<vmem>> -> memref<512xf32, #tpu.memory_space<vmem>>
      tpu.enqueue_dma source(%dma_start3A_25 : memref<512xf32, #tpu.memory_space<vmem>>) target(%dma_start3A_23 : memref<512xf32, #tpu.memory_space<hbm>>) target_semaphore(%run_scoped3A_17 : memref<!tpu.dma_semaphore, #tpu.memory_space<semaphore_mem>>)
      %dma_wait3A_26 = arith.constant 1024 : i32
      %dma_wait3A_27 = tpu.memref_slice %arg7[%dma_wait3A_26] : memref<4096xf32, #tpu.memory_space<vmem>> -> memref<512xf32, #tpu.memory_space<vmem>>
      %dma_wait3A_28 = tpu.memref_slice %arg4[%run_scoped3A_11, %mul3A_2] : memref<8x16384xf32, #tpu.memory_space<hbm>> -> memref<1x512xf32, #tpu.memory_space<hbm>>
      %dma_wait3A_29 = tpu.memref_squeeze %dma_wait3A_28 : memref<1x512xf32, #tpu.memory_space<hbm>> -> memref<512xf32, #tpu.memory_space<hbm>>
      %dma_wait3A_30 = tpu.memref_slice %arg4[%run_scoped3A_11, %mul3A_2] : memref<8x16384xf32, #tpu.memory_space<hbm>> -> memref<1x512xf32, #tpu.memory_space<hbm>>
      %dma_wait3A_31 = tpu.memref_squeeze %dma_wait3A_30 : memref<1x512xf32, #tpu.memory_space<hbm>> -> memref<512xf32, #tpu.memory_space<hbm>>
      %dma_wait3A_32 = arith.constant 1024 : i32
      %dma_wait3A_33 = tpu.memref_slice %arg7[%dma_wait3A_32] : memref<4096xf32, #tpu.memory_space<vmem>> -> memref<512xf32, #tpu.memory_space<vmem>>
      tpu.wait_dma2 semaphore(%run_scoped3A_17 : memref<!tpu.dma_semaphore, #tpu.memory_space<semaphore_mem>>) src(%dma_wait3A_33 : memref<512xf32, #tpu.memory_space<vmem>>) dst(%dma_wait3A_31 : memref<512xf32, #tpu.memory_space<hbm>>)
      tpu.yield
    }) : () -> ()
    %run_scoped3A_12 = arith.constant 3 : i32
    "tpu.region"() ({
      %run_scoped3A_17 = tpu.sem_alloc : memref<!tpu.dma_semaphore, #tpu.memory_space<semaphore_mem>>
      %dma_start3A_18 = arith.constant 1536 : i32
      %dma_start3A_19 = tpu.memref_slice %arg7[%dma_start3A_18] : memref<4096xf32, #tpu.memory_space<vmem>> -> memref<512xf32, #tpu.memory_space<vmem>>
      %dma_start3A_20 = tpu.memref_slice %arg4[%run_scoped3A_12, %mul3A_2] : memref<8x16384xf32, #tpu.memory_space<hbm>> -> memref<1x512xf32, #tpu.memory_space<hbm>>
      %dma_start3A_21 = tpu.memref_squeeze %dma_start3A_20 : memref<1x512xf32, #tpu.memory_space<hbm>> -> memref<512xf32, #tpu.memory_space<hbm>>
      %dma_start3A_22 = tpu.memref_slice %arg4[%run_scoped3A_12, %mul3A_2] : memref<8x16384xf32, #tpu.memory_space<hbm>> -> memref<1x512xf32, #tpu.memory_space<hbm>>
      %dma_start3A_23 = tpu.memref_squeeze %dma_start3A_22 : memref<1x512xf32, #tpu.memory_space<hbm>> -> memref<512xf32, #tpu.memory_space<hbm>>
      %dma_start3A_24 = arith.constant 1536 : i32
      %dma_start3A_25 = tpu.memref_slice %arg7[%dma_start3A_24] : memref<4096xf32, #tpu.memory_space<vmem>> -> memref<512xf32, #tpu.memory_space<vmem>>
      tpu.enqueue_dma source(%dma_start3A_25 : memref<512xf32, #tpu.memory_space<vmem>>) target(%dma_start3A_23 : memref<512xf32, #tpu.memory_space<hbm>>) target_semaphore(%run_scoped3A_17 : memref<!tpu.dma_semaphore, #tpu.memory_space<semaphore_mem>>)
      %dma_wait3A_26 = arith.constant 1536 : i32
      %dma_wait3A_27 = tpu.memref_slice %arg7[%dma_wait3A_26] : memref<4096xf32, #tpu.memory_space<vmem>> -> memref<512xf32, #tpu.memory_space<vmem>>
      %dma_wait3A_28 = tpu.memref_slice %arg4[%run_scoped3A_12, %mul3A_2] : memref<8x16384xf32, #tpu.memory_space<hbm>> -> memref<1x512xf32, #tpu.memory_space<hbm>>
      %dma_wait3A_29 = tpu.memref_squeeze %dma_wait3A_28 : memref<1x512xf32, #tpu.memory_space<hbm>> -> memref<512xf32, #tpu.memory_space<hbm>>
      %dma_wait3A_30 = tpu.memref_slice %arg4[%run_scoped3A_12, %mul3A_2] : memref<8x16384xf32, #tpu.memory_space<hbm>> -> memref<1x512xf32, #tpu.memory_space<hbm>>
      %dma_wait3A_31 = tpu.memref_squeeze %dma_wait3A_30 : memref<1x512xf32, #tpu.memory_space<hbm>> -> memref<512xf32, #tpu.memory_space<hbm>>
      %dma_wait3A_32 = arith.constant 1536 : i32
      %dma_wait3A_33 = tpu.memref_slice %arg7[%dma_wait3A_32] : memref<4096xf32, #tpu.memory_space<vmem>> -> memref<512xf32, #tpu.memory_space<vmem>>
      tpu.wait_dma2 semaphore(%run_scoped3A_17 : memref<!tpu.dma_semaphore, #tpu.memory_space<semaphore_mem>>) src(%dma_wait3A_33 : memref<512xf32, #tpu.memory_space<vmem>>) dst(%dma_wait3A_31 : memref<512xf32, #tpu.memory_space<hbm>>)
      tpu.yield
    }) : () -> ()
    %run_scoped3A_13 = arith.constant 4 : i32
    "tpu.region"() ({
      %run_scoped3A_17 = tpu.sem_alloc : memref<!tpu.dma_semaphore, #tpu.memory_space<semaphore_mem>>
      %dma_start3A_18 = arith.constant 2048 : i32
      %dma_start3A_19 = tpu.memref_slice %arg7[%dma_start3A_18] : memref<4096xf32, #tpu.memory_space<vmem>> -> memref<512xf32, #tpu.memory_space<vmem>>
      %dma_start3A_20 = tpu.memref_slice %arg4[%run_scoped3A_13, %mul3A_2] : memref<8x16384xf32, #tpu.memory_space<hbm>> -> memref<1x512xf32, #tpu.memory_space<hbm>>
      %dma_start3A_21 = tpu.memref_squeeze %dma_start3A_20 : memref<1x512xf32, #tpu.memory_space<hbm>> -> memref<512xf32, #tpu.memory_space<hbm>>
      %dma_start3A_22 = tpu.memref_slice %arg4[%run_scoped3A_13, %mul3A_2] : memref<8x16384xf32, #tpu.memory_space<hbm>> -> memref<1x512xf32, #tpu.memory_space<hbm>>
      %dma_start3A_23 = tpu.memref_squeeze %dma_start3A_22 : memref<1x512xf32, #tpu.memory_space<hbm>> -> memref<512xf32, #tpu.memory_space<hbm>>
      %dma_start3A_24 = arith.constant 2048 : i32
      %dma_start3A_25 = tpu.memref_slice %arg7[%dma_start3A_24] : memref<4096xf32, #tpu.memory_space<vmem>> -> memref<512xf32, #tpu.memory_space<vmem>>
      tpu.enqueue_dma source(%dma_start3A_25 : memref<512xf32, #tpu.memory_space<vmem>>) target(%dma_start3A_23 : memref<512xf32, #tpu.memory_space<hbm>>) target_semaphore(%run_scoped3A_17 : memref<!tpu.dma_semaphore, #tpu.memory_space<semaphore_mem>>)
      %dma_wait3A_26 = arith.constant 2048 : i32
      %dma_wait3A_27 = tpu.memref_slice %arg7[%dma_wait3A_26] : memref<4096xf32, #tpu.memory_space<vmem>> -> memref<512xf32, #tpu.memory_space<vmem>>
      %dma_wait3A_28 = tpu.memref_slice %arg4[%run_scoped3A_13, %mul3A_2] : memref<8x16384xf32, #tpu.memory_space<hbm>> -> memref<1x512xf32, #tpu.memory_space<hbm>>
      %dma_wait3A_29 = tpu.memref_squeeze %dma_wait3A_28 : memref<1x512xf32, #tpu.memory_space<hbm>> -> memref<512xf32, #tpu.memory_space<hbm>>
      %dma_wait3A_30 = tpu.memref_slice %arg4[%run_scoped3A_13, %mul3A_2] : memref<8x16384xf32, #tpu.memory_space<hbm>> -> memref<1x512xf32, #tpu.memory_space<hbm>>
      %dma_wait3A_31 = tpu.memref_squeeze %dma_wait3A_30 : memref<1x512xf32, #tpu.memory_space<hbm>> -> memref<512xf32, #tpu.memory_space<hbm>>
      %dma_wait3A_32 = arith.constant 2048 : i32
      %dma_wait3A_33 = tpu.memref_slice %arg7[%dma_wait3A_32] : memref<4096xf32, #tpu.memory_space<vmem>> -> memref<512xf32, #tpu.memory_space<vmem>>
      tpu.wait_dma2 semaphore(%run_scoped3A_17 : memref<!tpu.dma_semaphore, #tpu.memory_space<semaphore_mem>>) src(%dma_wait3A_33 : memref<512xf32, #tpu.memory_space<vmem>>) dst(%dma_wait3A_31 : memref<512xf32, #tpu.memory_space<hbm>>)
      tpu.yield
    }) : () -> ()
    %run_scoped3A_14 = arith.constant 5 : i32
    "tpu.region"() ({
      %run_scoped3A_17 = tpu.sem_alloc : memref<!tpu.dma_semaphore, #tpu.memory_space<semaphore_mem>>
      %dma_start3A_18 = arith.constant 2560 : i32
      %dma_start3A_19 = tpu.memref_slice %arg7[%dma_start3A_18] : memref<4096xf32, #tpu.memory_space<vmem>> -> memref<512xf32, #tpu.memory_space<vmem>>
      %dma_start3A_20 = tpu.memref_slice %arg4[%run_scoped3A_14, %mul3A_2] : memref<8x16384xf32, #tpu.memory_space<hbm>> -> memref<1x512xf32, #tpu.memory_space<hbm>>
      %dma_start3A_21 = tpu.memref_squeeze %dma_start3A_20 : memref<1x512xf32, #tpu.memory_space<hbm>> -> memref<512xf32, #tpu.memory_space<hbm>>
      %dma_start3A_22 = tpu.memref_slice %arg4[%run_scoped3A_14, %mul3A_2] : memref<8x16384xf32, #tpu.memory_space<hbm>> -> memref<1x512xf32, #tpu.memory_space<hbm>>
      %dma_start3A_23 = tpu.memref_squeeze %dma_start3A_22 : memref<1x512xf32, #tpu.memory_space<hbm>> -> memref<512xf32, #tpu.memory_space<hbm>>
      %dma_start3A_24 = arith.constant 2560 : i32
      %dma_start3A_25 = tpu.memref_slice %arg7[%dma_start3A_24] : memref<4096xf32, #tpu.memory_space<vmem>> -> memref<512xf32, #tpu.memory_space<vmem>>
      tpu.enqueue_dma source(%dma_start3A_25 : memref<512xf32, #tpu.memory_space<vmem>>) target(%dma_start3A_23 : memref<512xf32, #tpu.memory_space<hbm>>) target_semaphore(%run_scoped3A_17 : memref<!tpu.dma_semaphore, #tpu.memory_space<semaphore_mem>>)
      %dma_wait3A_26 = arith.constant 2560 : i32
      %dma_wait3A_27 = tpu.memref_slice %arg7[%dma_wait3A_26] : memref<4096xf32, #tpu.memory_space<vmem>> -> memref<512xf32, #tpu.memory_space<vmem>>
      %dma_wait3A_28 = tpu.memref_slice %arg4[%run_scoped3A_14, %mul3A_2] : memref<8x16384xf32, #tpu.memory_space<hbm>> -> memref<1x512xf32, #tpu.memory_space<hbm>>
      %dma_wait3A_29 = tpu.memref_squeeze %dma_wait3A_28 : memref<1x512xf32, #tpu.memory_space<hbm>> -> memref<512xf32, #tpu.memory_space<hbm>>
      %dma_wait3A_30 = tpu.memref_slice %arg4[%run_scoped3A_14, %mul3A_2] : memref<8x16384xf32, #tpu.memory_space<hbm>> -> memref<1x512xf32, #tpu.memory_space<hbm>>
      %dma_wait3A_31 = tpu.memref_squeeze %dma_wait3A_30 : memref<1x512xf32, #tpu.memory_space<hbm>> -> memref<512xf32, #tpu.memory_space<hbm>>
      %dma_wait3A_32 = arith.constant 2560 : i32
      %dma_wait3A_33 = tpu.memref_slice %arg7[%dma_wait3A_32] : memref<4096xf32, #tpu.memory_space<vmem>> -> memref<512xf32, #tpu.memory_space<vmem>>
      tpu.wait_dma2 semaphore(%run_scoped3A_17 : memref<!tpu.dma_semaphore, #tpu.memory_space<semaphore_mem>>) src(%dma_wait3A_33 : memref<512xf32, #tpu.memory_space<vmem>>) dst(%dma_wait3A_31 : memref<512xf32, #tpu.memory_space<hbm>>)
      tpu.yield
    }) : () -> ()
    %run_scoped3A_15 = arith.constant 6 : i32
    "tpu.region"() ({
      %run_scoped3A_17 = tpu.sem_alloc : memref<!tpu.dma_semaphore, #tpu.memory_space<semaphore_mem>>
      %dma_start3A_18 = arith.constant 3072 : i32
      %dma_start3A_19 = tpu.memref_slice %arg7[%dma_start3A_18] : memref<4096xf32, #tpu.memory_space<vmem>> -> memref<512xf32, #tpu.memory_space<vmem>>
      %dma_start3A_20 = tpu.memref_slice %arg4[%run_scoped3A_15, %mul3A_2] : memref<8x16384xf32, #tpu.memory_space<hbm>> -> memref<1x512xf32, #tpu.memory_space<hbm>>
      %dma_start3A_21 = tpu.memref_squeeze %dma_start3A_20 : memref<1x512xf32, #tpu.memory_space<hbm>> -> memref<512xf32, #tpu.memory_space<hbm>>
      %dma_start3A_22 = tpu.memref_slice %arg4[%run_scoped3A_15, %mul3A_2] : memref<8x16384xf32, #tpu.memory_space<hbm>> -> memref<1x512xf32, #tpu.memory_space<hbm>>
      %dma_start3A_23 = tpu.memref_squeeze %dma_start3A_22 : memref<1x512xf32, #tpu.memory_space<hbm>> -> memref<512xf32, #tpu.memory_space<hbm>>
      %dma_start3A_24 = arith.constant 3072 : i32
      %dma_start3A_25 = tpu.memref_slice %arg7[%dma_start3A_24] : memref<4096xf32, #tpu.memory_space<vmem>> -> memref<512xf32, #tpu.memory_space<vmem>>
      tpu.enqueue_dma source(%dma_start3A_25 : memref<512xf32, #tpu.memory_space<vmem>>) target(%dma_start3A_23 : memref<512xf32, #tpu.memory_space<hbm>>) target_semaphore(%run_scoped3A_17 : memref<!tpu.dma_semaphore, #tpu.memory_space<semaphore_mem>>)
      %dma_wait3A_26 = arith.constant 3072 : i32
      %dma_wait3A_27 = tpu.memref_slice %arg7[%dma_wait3A_26] : memref<4096xf32, #tpu.memory_space<vmem>> -> memref<512xf32, #tpu.memory_space<vmem>>
      %dma_wait3A_28 = tpu.memref_slice %arg4[%run_scoped3A_15, %mul3A_2] : memref<8x16384xf32, #tpu.memory_space<hbm>> -> memref<1x512xf32, #tpu.memory_space<hbm>>
      %dma_wait3A_29 = tpu.memref_squeeze %dma_wait3A_28 : memref<1x512xf32, #tpu.memory_space<hbm>> -> memref<512xf32, #tpu.memory_space<hbm>>
      %dma_wait3A_30 = tpu.memref_slice %arg4[%run_scoped3A_15, %mul3A_2] : memref<8x16384xf32, #tpu.memory_space<hbm>> -> memref<1x512xf32, #tpu.memory_space<hbm>>
      %dma_wait3A_31 = tpu.memref_squeeze %dma_wait3A_30 : memref<1x512xf32, #tpu.memory_space<hbm>> -> memref<512xf32, #tpu.memory_space<hbm>>
      %dma_wait3A_32 = arith.constant 3072 : i32
      %dma_wait3A_33 = tpu.memref_slice %arg7[%dma_wait3A_32] : memref<4096xf32, #tpu.memory_space<vmem>> -> memref<512xf32, #tpu.memory_space<vmem>>
      tpu.wait_dma2 semaphore(%run_scoped3A_17 : memref<!tpu.dma_semaphore, #tpu.memory_space<semaphore_mem>>) src(%dma_wait3A_33 : memref<512xf32, #tpu.memory_space<vmem>>) dst(%dma_wait3A_31 : memref<512xf32, #tpu.memory_space<hbm>>)
      tpu.yield
    }) : () -> ()
    %run_scoped3A_16 = arith.constant 7 : i32
    "tpu.region"() ({
      %run_scoped3A_17 = tpu.sem_alloc : memref<!tpu.dma_semaphore, #tpu.memory_space<semaphore_mem>>
      %dma_start3A_18 = arith.constant 3584 : i32
      %dma_start3A_19 = tpu.memref_slice %arg7[%dma_start3A_18] : memref<4096xf32, #tpu.memory_space<vmem>> -> memref<512xf32, #tpu.memory_space<vmem>>
      %dma_start3A_20 = tpu.memref_slice %arg4[%run_scoped3A_16, %mul3A_2] : memref<8x16384xf32, #tpu.memory_space<hbm>> -> memref<1x512xf32, #tpu.memory_space<hbm>>
      %dma_start3A_21 = tpu.memref_squeeze %dma_start3A_20 : memref<1x512xf32, #tpu.memory_space<hbm>> -> memref<512xf32, #tpu.memory_space<hbm>>
      %dma_start3A_22 = tpu.memref_slice %arg4[%run_scoped3A_16, %mul3A_2] : memref<8x16384xf32, #tpu.memory_space<hbm>> -> memref<1x512xf32, #tpu.memory_space<hbm>>
      %dma_start3A_23 = tpu.memref_squeeze %dma_start3A_22 : memref<1x512xf32, #tpu.memory_space<hbm>> -> memref<512xf32, #tpu.memory_space<hbm>>
      %dma_start3A_24 = arith.constant 3584 : i32
      %dma_start3A_25 = tpu.memref_slice %arg7[%dma_start3A_24] : memref<4096xf32, #tpu.memory_space<vmem>> -> memref<512xf32, #tpu.memory_space<vmem>>
      tpu.enqueue_dma source(%dma_start3A_25 : memref<512xf32, #tpu.memory_space<vmem>>) target(%dma_start3A_23 : memref<512xf32, #tpu.memory_space<hbm>>) target_semaphore(%run_scoped3A_17 : memref<!tpu.dma_semaphore, #tpu.memory_space<semaphore_mem>>)
      %dma_wait3A_26 = arith.constant 3584 : i32
      %dma_wait3A_27 = tpu.memref_slice %arg7[%dma_wait3A_26] : memref<4096xf32, #tpu.memory_space<vmem>> -> memref<512xf32, #tpu.memory_space<vmem>>
      %dma_wait3A_28 = tpu.memref_slice %arg4[%run_scoped3A_16, %mul3A_2] : memref<8x16384xf32, #tpu.memory_space<hbm>> -> memref<1x512xf32, #tpu.memory_space<hbm>>
      %dma_wait3A_29 = tpu.memref_squeeze %dma_wait3A_28 : memref<1x512xf32, #tpu.memory_space<hbm>> -> memref<512xf32, #tpu.memory_space<hbm>>
      %dma_wait3A_30 = tpu.memref_slice %arg4[%run_scoped3A_16, %mul3A_2] : memref<8x16384xf32, #tpu.memory_space<hbm>> -> memref<1x512xf32, #tpu.memory_space<hbm>>
      %dma_wait3A_31 = tpu.memref_squeeze %dma_wait3A_30 : memref<1x512xf32, #tpu.memory_space<hbm>> -> memref<512xf32, #tpu.memory_space<hbm>>
      %dma_wait3A_32 = arith.constant 3584 : i32
      %dma_wait3A_33 = tpu.memref_slice %arg7[%dma_wait3A_32] : memref<4096xf32, #tpu.memory_space<vmem>> -> memref<512xf32, #tpu.memory_space<vmem>>
      tpu.wait_dma2 semaphore(%run_scoped3A_17 : memref<!tpu.dma_semaphore, #tpu.memory_space<semaphore_mem>>) src(%dma_wait3A_33 : memref<512xf32, #tpu.memory_space<vmem>>) dst(%dma_wait3A_31 : memref<512xf32, #tpu.memory_space<hbm>>)
      tpu.yield
    }) : () -> ()
    return
  }
}

#map = affine_map<(d0, d1) -> (0)>
#map1 = affine_map<(d0, d1) -> (0, 0)>
module attributes {stable_mosaic.version = 14 : i64} {
  func.func @_gather8(%arg0: i32, %arg1: i32, %arg2: memref<8000512xf32, #tpu.memory_space<hbm>>, %arg3: memref<16384xi32, #tpu.memory_space<hbm>>, %arg4: memref<8x16384xf32, #tpu.memory_space<hbm>>, %arg5: memref<512xi32, #tpu.memory_space<vmem>>, %arg6: memref<4096xi32, #tpu.memory_space<vmem>>, %arg7: memref<4096xf32, #tpu.memory_space<vmem>>, %arg8: memref<!tpu.dma_semaphore, #tpu.memory_space<semaphore_mem>>) attributes {dimension_semantics = [#tpu.dimension_semantics<core_parallel>, #tpu.dimension_semantics<subcore_parallel>], iteration_bounds = array<i64: 2, 16>, scalar_prefetch = 0 : i64, scratch_operands = 4 : i64, tpu.core_type = #tpu.core_type<sc_vector_subcore>, window_params = [{transform_indices = #map}, {transform_indices = #map}, {transform_indices = #map1}]} {
    %mul3A = arith.constant 2 : i32
    %mul3A_0 = arith.muli %arg1, %mul3A : i32
    %add3A = arith.addi %mul3A_0, %arg0 : i32
    %mul3A_1 = arith.constant 512 : i32
    %mul3A_2 = arith.muli %add3A, %mul3A_1 : i32
    "tpu.region"() ({
      %run_scoped3A_17 = tpu.sem_alloc : memref<!tpu.dma_semaphore, #tpu.memory_space<semaphore_mem>>
      %dma_start3A_18 = tpu.memref_slice %arg3[%mul3A_2] : memref<16384xi32, #tpu.memory_space<hbm>> -> memref<512xi32, #tpu.memory_space<hbm>>
      %dma_start3A_19 = tpu.memref_slice %arg3[%mul3A_2] : memref<16384xi32, #tpu.memory_space<hbm>> -> memref<512xi32, #tpu.memory_space<hbm>>
      tpu.enqueue_dma source(%dma_start3A_19 : memref<512xi32, #tpu.memory_space<hbm>>) target(%arg5 : memref<512xi32, #tpu.memory_space<vmem>>) target_semaphore(%run_scoped3A_17 : memref<!tpu.dma_semaphore, #tpu.memory_space<semaphore_mem>>)
      %dma_wait3A_20 = tpu.memref_slice %arg3[%mul3A_2] : memref<16384xi32, #tpu.memory_space<hbm>> -> memref<512xi32, #tpu.memory_space<hbm>>
      %dma_wait3A_21 = tpu.memref_slice %arg3[%mul3A_2] : memref<16384xi32, #tpu.memory_space<hbm>> -> memref<512xi32, #tpu.memory_space<hbm>>
      tpu.wait_dma2 semaphore(%run_scoped3A_17 : memref<!tpu.dma_semaphore, #tpu.memory_space<semaphore_mem>>) src(%dma_wait3A_21 : memref<512xi32, #tpu.memory_space<hbm>>) dst(%arg5 : memref<512xi32, #tpu.memory_space<vmem>>)
      tpu.yield
    }) : () -> ()
    %scan3A = arith.constant 0 : i32
    %scan3A_3 = arith.constant 0 : i32
    %scan3A_4 = arith.constant 32 : i32
    %scan3A_5 = arith.addi %scan3A_3, %scan3A_4 : i32
    %scan3A_6 = arith.constant 1 : i32
    scf.for %scan3A_17 = %scan3A_3 to %scan3A_5 step %scan3A_6  : i32 {
      %mul3A_18 = arith.constant 16 : i32
      %mul3A_19 = arith.muli %scan3A_17, %mul3A_18 : i32
      %get3A = arith.index_cast %mul3A_19 : i32 to index
      %get3A_20 = tpu.vector_load %arg5[%get3A] {strides = array<i32>} : memref<512xi32, #tpu.memory_space<vmem>>, vector<16xi32>,
      %shift_right_arithmetic3A = arith.constant 7 : i32
      %shift_right_arithmetic3A_21 = vector.broadcast %shift_right_arithmetic3A : i32 to vector<16xi32>
      %shift_right_arithmetic3A_22 = arith.shrsi %get3A_20, %shift_right_arithmetic3A_21 : vector<16xi32>
      %mul3A_23 = arith.constant 1024 : i32
      %mul3A_24 = vector.broadcast %mul3A_23 : i32 to vector<16xi32>
      %mul3A_25 = arith.muli %shift_right_arithmetic3A_22, %mul3A_24 : vector<16xi32>
      %and3A = arith.constant 127 : i32
      %and3A_26 = vector.broadcast %and3A : i32 to vector<16xi32>
      %and3A_27 = arith.andi %get3A_20, %and3A_26 : vector<16xi32>
      %add3A_28 = arith.addi %mul3A_25, %and3A_27 : vector<16xi32>
      %add3A_29 = arith.constant 0 : i32
      %add3A_30 = vector.broadcast %add3A_29 : i32 to vector<16xi32>
      %add3A_31 = arith.addi %add3A_28, %add3A_30 : vector<16xi32>
      %mul3A_32 = arith.constant 16 : i32
      %mul3A_33 = arith.muli %scan3A_17, %mul3A_32 : i32
      %add3A_34 = arith.constant 0 : i32
      %add3A_35 = arith.addi %add3A_34, %mul3A_33 : i32
      %swap3A = arith.index_cast %add3A_35 : i32 to index
      %swap3A_36 = tpu.vector_load %arg6[%swap3A] {strides = array<i32>} : memref<4096xi32, #tpu.memory_space<vmem>>, vector<16xi32>,
      tpu.vector_store %arg6[%swap3A], %add3A_31 {strides = array<i32>} : memref<4096xi32, #tpu.memory_space<vmem>>, vector<16xi32>,
      %add3A_37 = arith.constant 128 : i32
      %add3A_38 = vector.broadcast %add3A_37 : i32 to vector<16xi32>
      %add3A_39 = arith.addi %add3A_28, %add3A_38 : vector<16xi32>
      %mul3A_40 = arith.constant 16 : i32
      %mul3A_41 = arith.muli %scan3A_17, %mul3A_40 : i32
      %add3A_42 = arith.constant 512 : i32
      %add3A_43 = arith.addi %add3A_42, %mul3A_41 : i32
      %swap3A_44 = arith.index_cast %add3A_43 : i32 to index
      %swap3A_45 = tpu.vector_load %arg6[%swap3A_44] {strides = array<i32>} : memref<4096xi32, #tpu.memory_space<vmem>>, vector<16xi32>,
      tpu.vector_store %arg6[%swap3A_44], %add3A_39 {strides = array<i32>} : memref<4096xi32, #tpu.memory_space<vmem>>, vector<16xi32>,
      %add3A_46 = arith.constant 256 : i32
      %add3A_47 = vector.broadcast %add3A_46 : i32 to vector<16xi32>
      %add3A_48 = arith.addi %add3A_28, %add3A_47 : vector<16xi32>
      %mul3A_49 = arith.constant 16 : i32
      %mul3A_50 = arith.muli %scan3A_17, %mul3A_49 : i32
      %add3A_51 = arith.constant 1024 : i32
      %add3A_52 = arith.addi %add3A_51, %mul3A_50 : i32
      %swap3A_53 = arith.index_cast %add3A_52 : i32 to index
      %swap3A_54 = tpu.vector_load %arg6[%swap3A_53] {strides = array<i32>} : memref<4096xi32, #tpu.memory_space<vmem>>, vector<16xi32>,
      tpu.vector_store %arg6[%swap3A_53], %add3A_48 {strides = array<i32>} : memref<4096xi32, #tpu.memory_space<vmem>>, vector<16xi32>,
      %add3A_55 = arith.constant 384 : i32
      %add3A_56 = vector.broadcast %add3A_55 : i32 to vector<16xi32>
      %add3A_57 = arith.addi %add3A_28, %add3A_56 : vector<16xi32>
      %mul3A_58 = arith.constant 16 : i32
      %mul3A_59 = arith.muli %scan3A_17, %mul3A_58 : i32
      %add3A_60 = arith.constant 1536 : i32
      %add3A_61 = arith.addi %add3A_60, %mul3A_59 : i32
      %swap3A_62 = arith.index_cast %add3A_61 : i32 to index
      %swap3A_63 = tpu.vector_load %arg6[%swap3A_62] {strides = array<i32>} : memref<4096xi32, #tpu.memory_space<vmem>>, vector<16xi32>,
      tpu.vector_store %arg6[%swap3A_62], %add3A_57 {strides = array<i32>} : memref<4096xi32, #tpu.memory_space<vmem>>, vector<16xi32>,
      %add3A_64 = arith.constant 512 : i32
      %add3A_65 = vector.broadcast %add3A_64 : i32 to vector<16xi32>
      %add3A_66 = arith.addi %add3A_28, %add3A_65 : vector<16xi32>
      %mul3A_67 = arith.constant 16 : i32
      %mul3A_68 = arith.muli %scan3A_17, %mul3A_67 : i32
      %add3A_69 = arith.constant 2048 : i32
      %add3A_70 = arith.addi %add3A_69, %mul3A_68 : i32
      %swap3A_71 = arith.index_cast %add3A_70 : i32 to index
      %swap3A_72 = tpu.vector_load %arg6[%swap3A_71] {strides = array<i32>} : memref<4096xi32, #tpu.memory_space<vmem>>, vector<16xi32>,
      tpu.vector_store %arg6[%swap3A_71], %add3A_66 {strides = array<i32>} : memref<4096xi32, #tpu.memory_space<vmem>>, vector<16xi32>,
      %add3A_73 = arith.constant 640 : i32
      %add3A_74 = vector.broadcast %add3A_73 : i32 to vector<16xi32>
      %add3A_75 = arith.addi %add3A_28, %add3A_74 : vector<16xi32>
      %mul3A_76 = arith.constant 16 : i32
      %mul3A_77 = arith.muli %scan3A_17, %mul3A_76 : i32
      %add3A_78 = arith.constant 2560 : i32
      %add3A_79 = arith.addi %add3A_78, %mul3A_77 : i32
      %swap3A_80 = arith.index_cast %add3A_79 : i32 to index
      %swap3A_81 = tpu.vector_load %arg6[%swap3A_80] {strides = array<i32>} : memref<4096xi32, #tpu.memory_space<vmem>>, vector<16xi32>,
      tpu.vector_store %arg6[%swap3A_80], %add3A_75 {strides = array<i32>} : memref<4096xi32, #tpu.memory_space<vmem>>, vector<16xi32>,
      %add3A_82 = arith.constant 768 : i32
      %add3A_83 = vector.broadcast %add3A_82 : i32 to vector<16xi32>
      %add3A_84 = arith.addi %add3A_28, %add3A_83 : vector<16xi32>
      %mul3A_85 = arith.constant 16 : i32
      %mul3A_86 = arith.muli %scan3A_17, %mul3A_85 : i32
      %add3A_87 = arith.constant 3072 : i32
      %add3A_88 = arith.addi %add3A_87, %mul3A_86 : i32
      %swap3A_89 = arith.index_cast %add3A_88 : i32 to index
      %swap3A_90 = tpu.vector_load %arg6[%swap3A_89] {strides = array<i32>} : memref<4096xi32, #tpu.memory_space<vmem>>, vector<16xi32>,
      tpu.vector_store %arg6[%swap3A_89], %add3A_84 {strides = array<i32>} : memref<4096xi32, #tpu.memory_space<vmem>>, vector<16xi32>,
      %add3A_91 = arith.constant 896 : i32
      %add3A_92 = vector.broadcast %add3A_91 : i32 to vector<16xi32>
      %add3A_93 = arith.addi %add3A_28, %add3A_92 : vector<16xi32>
      %mul3A_94 = arith.constant 16 : i32
      %mul3A_95 = arith.muli %scan3A_17, %mul3A_94 : i32
      %add3A_96 = arith.constant 3584 : i32
      %add3A_97 = arith.addi %add3A_96, %mul3A_95 : i32
      %swap3A_98 = arith.index_cast %add3A_97 : i32 to index
      %swap3A_99 = tpu.vector_load %arg6[%swap3A_98] {strides = array<i32>} : memref<4096xi32, #tpu.memory_space<vmem>>, vector<16xi32>,
      tpu.vector_store %arg6[%swap3A_98], %add3A_93 {strides = array<i32>} : memref<4096xi32, #tpu.memory_space<vmem>>, vector<16xi32>,
    }
    %scan3A_7 = arith.constant 32 : i32
    %dma_start3A = arith.constant 0 : i32
    %dma_start3A_8 = tpu.memref_slice %arg2[%dma_start3A] : memref<8000512xf32, #tpu.memory_space<hbm>> -> memref<8000512xf32, #tpu.memory_space<hbm>>
    tpu.enqueue_indirect_dma source(%dma_start3A_8 : memref<8000512xf32, #tpu.memory_space<hbm>>) target(%arg7 : memref<4096xf32, #tpu.memory_space<vmem>>) offsets(%arg6 : memref<4096xi32, #tpu.memory_space<vmem>>) semaphore(%arg8 : memref<!tpu.dma_semaphore, #tpu.memory_space<semaphore_mem>>)
    %dma_wait3A = arith.constant 0 : i32
    %dma_wait3A_9 = tpu.memref_slice %arg2[%dma_wait3A] : memref<8000512xf32, #tpu.memory_space<hbm>> -> memref<8000512xf32, #tpu.memory_space<hbm>>
    tpu.wait_indirect_dma semaphore(%arg8 : memref<!tpu.dma_semaphore, #tpu.memory_space<semaphore_mem>>) src(%dma_wait3A_9 : memref<8000512xf32, #tpu.memory_space<hbm>>) dst(%arg7 : memref<4096xf32, #tpu.memory_space<vmem>>)
    %run_scoped3A = arith.constant 0 : i32
    "tpu.region"() ({
      %run_scoped3A_17 = tpu.sem_alloc : memref<!tpu.dma_semaphore, #tpu.memory_space<semaphore_mem>>
      %dma_start3A_18 = arith.constant 0 : i32
      %dma_start3A_19 = tpu.memref_slice %arg7[%dma_start3A_18] : memref<4096xf32, #tpu.memory_space<vmem>> -> memref<512xf32, #tpu.memory_space<vmem>>
      %dma_start3A_20 = tpu.memref_slice %arg4[%run_scoped3A, %mul3A_2] : memref<8x16384xf32, #tpu.memory_space<hbm>> -> memref<1x512xf32, #tpu.memory_space<hbm>>
      %dma_start3A_21 = tpu.memref_squeeze %dma_start3A_20 : memref<1x512xf32, #tpu.memory_space<hbm>> -> memref<512xf32, #tpu.memory_space<hbm>>
      %dma_start3A_22 = tpu.memref_slice %arg4[%run_scoped3A, %mul3A_2] : memref<8x16384xf32, #tpu.memory_space<hbm>> -> memref<1x512xf32, #tpu.memory_space<hbm>>
      %dma_start3A_23 = tpu.memref_squeeze %dma_start3A_22 : memref<1x512xf32, #tpu.memory_space<hbm>> -> memref<512xf32, #tpu.memory_space<hbm>>
      %dma_start3A_24 = arith.constant 0 : i32
      %dma_start3A_25 = tpu.memref_slice %arg7[%dma_start3A_24] : memref<4096xf32, #tpu.memory_space<vmem>> -> memref<512xf32, #tpu.memory_space<vmem>>
      tpu.enqueue_dma source(%dma_start3A_25 : memref<512xf32, #tpu.memory_space<vmem>>) target(%dma_start3A_23 : memref<512xf32, #tpu.memory_space<hbm>>) target_semaphore(%run_scoped3A_17 : memref<!tpu.dma_semaphore, #tpu.memory_space<semaphore_mem>>)
      %dma_wait3A_26 = arith.constant 0 : i32
      %dma_wait3A_27 = tpu.memref_slice %arg7[%dma_wait3A_26] : memref<4096xf32, #tpu.memory_space<vmem>> -> memref<512xf32, #tpu.memory_space<vmem>>
      %dma_wait3A_28 = tpu.memref_slice %arg4[%run_scoped3A, %mul3A_2] : memref<8x16384xf32, #tpu.memory_space<hbm>> -> memref<1x512xf32, #tpu.memory_space<hbm>>
      %dma_wait3A_29 = tpu.memref_squeeze %dma_wait3A_28 : memref<1x512xf32, #tpu.memory_space<hbm>> -> memref<512xf32, #tpu.memory_space<hbm>>
      %dma_wait3A_30 = tpu.memref_slice %arg4[%run_scoped3A, %mul3A_2] : memref<8x16384xf32, #tpu.memory_space<hbm>> -> memref<1x512xf32, #tpu.memory_space<hbm>>
      %dma_wait3A_31 = tpu.memref_squeeze %dma_wait3A_30 : memref<1x512xf32, #tpu.memory_space<hbm>> -> memref<512xf32, #tpu.memory_space<hbm>>
      %dma_wait3A_32 = arith.constant 0 : i32
      %dma_wait3A_33 = tpu.memref_slice %arg7[%dma_wait3A_32] : memref<4096xf32, #tpu.memory_space<vmem>> -> memref<512xf32, #tpu.memory_space<vmem>>
      tpu.wait_dma2 semaphore(%run_scoped3A_17 : memref<!tpu.dma_semaphore, #tpu.memory_space<semaphore_mem>>) src(%dma_wait3A_33 : memref<512xf32, #tpu.memory_space<vmem>>) dst(%dma_wait3A_31 : memref<512xf32, #tpu.memory_space<hbm>>)
      tpu.yield
    }) : () -> ()
    %run_scoped3A_10 = arith.constant 1 : i32
    "tpu.region"() ({
      %run_scoped3A_17 = tpu.sem_alloc : memref<!tpu.dma_semaphore, #tpu.memory_space<semaphore_mem>>
      %dma_start3A_18 = arith.constant 512 : i32
      %dma_start3A_19 = tpu.memref_slice %arg7[%dma_start3A_18] : memref<4096xf32, #tpu.memory_space<vmem>> -> memref<512xf32, #tpu.memory_space<vmem>>
      %dma_start3A_20 = tpu.memref_slice %arg4[%run_scoped3A_10, %mul3A_2] : memref<8x16384xf32, #tpu.memory_space<hbm>> -> memref<1x512xf32, #tpu.memory_space<hbm>>
      %dma_start3A_21 = tpu.memref_squeeze %dma_start3A_20 : memref<1x512xf32, #tpu.memory_space<hbm>> -> memref<512xf32, #tpu.memory_space<hbm>>
      %dma_start3A_22 = tpu.memref_slice %arg4[%run_scoped3A_10, %mul3A_2] : memref<8x16384xf32, #tpu.memory_space<hbm>> -> memref<1x512xf32, #tpu.memory_space<hbm>>
      %dma_start3A_23 = tpu.memref_squeeze %dma_start3A_22 : memref<1x512xf32, #tpu.memory_space<hbm>> -> memref<512xf32, #tpu.memory_space<hbm>>
      %dma_start3A_24 = arith.constant 512 : i32
      %dma_start3A_25 = tpu.memref_slice %arg7[%dma_start3A_24] : memref<4096xf32, #tpu.memory_space<vmem>> -> memref<512xf32, #tpu.memory_space<vmem>>
      tpu.enqueue_dma source(%dma_start3A_25 : memref<512xf32, #tpu.memory_space<vmem>>) target(%dma_start3A_23 : memref<512xf32, #tpu.memory_space<hbm>>) target_semaphore(%run_scoped3A_17 : memref<!tpu.dma_semaphore, #tpu.memory_space<semaphore_mem>>)
      %dma_wait3A_26 = arith.constant 512 : i32
      %dma_wait3A_27 = tpu.memref_slice %arg7[%dma_wait3A_26] : memref<4096xf32, #tpu.memory_space<vmem>> -> memref<512xf32, #tpu.memory_space<vmem>>
      %dma_wait3A_28 = tpu.memref_slice %arg4[%run_scoped3A_10, %mul3A_2] : memref<8x16384xf32, #tpu.memory_space<hbm>> -> memref<1x512xf32, #tpu.memory_space<hbm>>
      %dma_wait3A_29 = tpu.memref_squeeze %dma_wait3A_28 : memref<1x512xf32, #tpu.memory_space<hbm>> -> memref<512xf32, #tpu.memory_space<hbm>>
      %dma_wait3A_30 = tpu.memref_slice %arg4[%run_scoped3A_10, %mul3A_2] : memref<8x16384xf32, #tpu.memory_space<hbm>> -> memref<1x512xf32, #tpu.memory_space<hbm>>
      %dma_wait3A_31 = tpu.memref_squeeze %dma_wait3A_30 : memref<1x512xf32, #tpu.memory_space<hbm>> -> memref<512xf32, #tpu.memory_space<hbm>>
      %dma_wait3A_32 = arith.constant 512 : i32
      %dma_wait3A_33 = tpu.memref_slice %arg7[%dma_wait3A_32] : memref<4096xf32, #tpu.memory_space<vmem>> -> memref<512xf32, #tpu.memory_space<vmem>>
      tpu.wait_dma2 semaphore(%run_scoped3A_17 : memref<!tpu.dma_semaphore, #tpu.memory_space<semaphore_mem>>) src(%dma_wait3A_33 : memref<512xf32, #tpu.memory_space<vmem>>) dst(%dma_wait3A_31 : memref<512xf32, #tpu.memory_space<hbm>>)
      tpu.yield
    }) : () -> ()
    %run_scoped3A_11 = arith.constant 2 : i32
    "tpu.region"() ({
      %run_scoped3A_17 = tpu.sem_alloc : memref<!tpu.dma_semaphore, #tpu.memory_space<semaphore_mem>>
      %dma_start3A_18 = arith.constant 1024 : i32
      %dma_start3A_19 = tpu.memref_slice %arg7[%dma_start3A_18] : memref<4096xf32, #tpu.memory_space<vmem>> -> memref<512xf32, #tpu.memory_space<vmem>>
      %dma_start3A_20 = tpu.memref_slice %arg4[%run_scoped3A_11, %mul3A_2] : memref<8x16384xf32, #tpu.memory_space<hbm>> -> memref<1x512xf32, #tpu.memory_space<hbm>>
      %dma_start3A_21 = tpu.memref_squeeze %dma_start3A_20 : memref<1x512xf32, #tpu.memory_space<hbm>> -> memref<512xf32, #tpu.memory_space<hbm>>
      %dma_start3A_22 = tpu.memref_slice %arg4[%run_scoped3A_11, %mul3A_2] : memref<8x16384xf32, #tpu.memory_space<hbm>> -> memref<1x512xf32, #tpu.memory_space<hbm>>
      %dma_start3A_23 = tpu.memref_squeeze %dma_start3A_22 : memref<1x512xf32, #tpu.memory_space<hbm>> -> memref<512xf32, #tpu.memory_space<hbm>>
      %dma_start3A_24 = arith.constant 1024 : i32
      %dma_start3A_25 = tpu.memref_slice %arg7[%dma_start3A_24] : memref<4096xf32, #tpu.memory_space<vmem>> -> memref<512xf32, #tpu.memory_space<vmem>>
      tpu.enqueue_dma source(%dma_start3A_25 : memref<512xf32, #tpu.memory_space<vmem>>) target(%dma_start3A_23 : memref<512xf32, #tpu.memory_space<hbm>>) target_semaphore(%run_scoped3A_17 : memref<!tpu.dma_semaphore, #tpu.memory_space<semaphore_mem>>)
      %dma_wait3A_26 = arith.constant 1024 : i32
      %dma_wait3A_27 = tpu.memref_slice %arg7[%dma_wait3A_26] : memref<4096xf32, #tpu.memory_space<vmem>> -> memref<512xf32, #tpu.memory_space<vmem>>
      %dma_wait3A_28 = tpu.memref_slice %arg4[%run_scoped3A_11, %mul3A_2] : memref<8x16384xf32, #tpu.memory_space<hbm>> -> memref<1x512xf32, #tpu.memory_space<hbm>>
      %dma_wait3A_29 = tpu.memref_squeeze %dma_wait3A_28 : memref<1x512xf32, #tpu.memory_space<hbm>> -> memref<512xf32, #tpu.memory_space<hbm>>
      %dma_wait3A_30 = tpu.memref_slice %arg4[%run_scoped3A_11, %mul3A_2] : memref<8x16384xf32, #tpu.memory_space<hbm>> -> memref<1x512xf32, #tpu.memory_space<hbm>>
      %dma_wait3A_31 = tpu.memref_squeeze %dma_wait3A_30 : memref<1x512xf32, #tpu.memory_space<hbm>> -> memref<512xf32, #tpu.memory_space<hbm>>
      %dma_wait3A_32 = arith.constant 1024 : i32
      %dma_wait3A_33 = tpu.memref_slice %arg7[%dma_wait3A_32] : memref<4096xf32, #tpu.memory_space<vmem>> -> memref<512xf32, #tpu.memory_space<vmem>>
      tpu.wait_dma2 semaphore(%run_scoped3A_17 : memref<!tpu.dma_semaphore, #tpu.memory_space<semaphore_mem>>) src(%dma_wait3A_33 : memref<512xf32, #tpu.memory_space<vmem>>) dst(%dma_wait3A_31 : memref<512xf32, #tpu.memory_space<hbm>>)
      tpu.yield
    }) : () -> ()
    %run_scoped3A_12 = arith.constant 3 : i32
    "tpu.region"() ({
      %run_scoped3A_17 = tpu.sem_alloc : memref<!tpu.dma_semaphore, #tpu.memory_space<semaphore_mem>>
      %dma_start3A_18 = arith.constant 1536 : i32
      %dma_start3A_19 = tpu.memref_slice %arg7[%dma_start3A_18] : memref<4096xf32, #tpu.memory_space<vmem>> -> memref<512xf32, #tpu.memory_space<vmem>>
      %dma_start3A_20 = tpu.memref_slice %arg4[%run_scoped3A_12, %mul3A_2] : memref<8x16384xf32, #tpu.memory_space<hbm>> -> memref<1x512xf32, #tpu.memory_space<hbm>>
      %dma_start3A_21 = tpu.memref_squeeze %dma_start3A_20 : memref<1x512xf32, #tpu.memory_space<hbm>> -> memref<512xf32, #tpu.memory_space<hbm>>
      %dma_start3A_22 = tpu.memref_slice %arg4[%run_scoped3A_12, %mul3A_2] : memref<8x16384xf32, #tpu.memory_space<hbm>> -> memref<1x512xf32, #tpu.memory_space<hbm>>
      %dma_start3A_23 = tpu.memref_squeeze %dma_start3A_22 : memref<1x512xf32, #tpu.memory_space<hbm>> -> memref<512xf32, #tpu.memory_space<hbm>>
      %dma_start3A_24 = arith.constant 1536 : i32
      %dma_start3A_25 = tpu.memref_slice %arg7[%dma_start3A_24] : memref<4096xf32, #tpu.memory_space<vmem>> -> memref<512xf32, #tpu.memory_space<vmem>>
      tpu.enqueue_dma source(%dma_start3A_25 : memref<512xf32, #tpu.memory_space<vmem>>) target(%dma_start3A_23 : memref<512xf32, #tpu.memory_space<hbm>>) target_semaphore(%run_scoped3A_17 : memref<!tpu.dma_semaphore, #tpu.memory_space<semaphore_mem>>)
      %dma_wait3A_26 = arith.constant 1536 : i32
      %dma_wait3A_27 = tpu.memref_slice %arg7[%dma_wait3A_26] : memref<4096xf32, #tpu.memory_space<vmem>> -> memref<512xf32, #tpu.memory_space<vmem>>
      %dma_wait3A_28 = tpu.memref_slice %arg4[%run_scoped3A_12, %mul3A_2] : memref<8x16384xf32, #tpu.memory_space<hbm>> -> memref<1x512xf32, #tpu.memory_space<hbm>>
      %dma_wait3A_29 = tpu.memref_squeeze %dma_wait3A_28 : memref<1x512xf32, #tpu.memory_space<hbm>> -> memref<512xf32, #tpu.memory_space<hbm>>
      %dma_wait3A_30 = tpu.memref_slice %arg4[%run_scoped3A_12, %mul3A_2] : memref<8x16384xf32, #tpu.memory_space<hbm>> -> memref<1x512xf32, #tpu.memory_space<hbm>>
      %dma_wait3A_31 = tpu.memref_squeeze %dma_wait3A_30 : memref<1x512xf32, #tpu.memory_space<hbm>> -> memref<512xf32, #tpu.memory_space<hbm>>
      %dma_wait3A_32 = arith.constant 1536 : i32
      %dma_wait3A_33 = tpu.memref_slice %arg7[%dma_wait3A_32] : memref<4096xf32, #tpu.memory_space<vmem>> -> memref<512xf32, #tpu.memory_space<vmem>>
      tpu.wait_dma2 semaphore(%run_scoped3A_17 : memref<!tpu.dma_semaphore, #tpu.memory_space<semaphore_mem>>) src(%dma_wait3A_33 : memref<512xf32, #tpu.memory_space<vmem>>) dst(%dma_wait3A_31 : memref<512xf32, #tpu.memory_space<hbm>>)
      tpu.yield
    }) : () -> ()
    %run_scoped3A_13 = arith.constant 4 : i32
    "tpu.region"() ({
      %run_scoped3A_17 = tpu.sem_alloc : memref<!tpu.dma_semaphore, #tpu.memory_space<semaphore_mem>>
      %dma_start3A_18 = arith.constant 2048 : i32
      %dma_start3A_19 = tpu.memref_slice %arg7[%dma_start3A_18] : memref<4096xf32, #tpu.memory_space<vmem>> -> memref<512xf32, #tpu.memory_space<vmem>>
      %dma_start3A_20 = tpu.memref_slice %arg4[%run_scoped3A_13, %mul3A_2] : memref<8x16384xf32, #tpu.memory_space<hbm>> -> memref<1x512xf32, #tpu.memory_space<hbm>>
      %dma_start3A_21 = tpu.memref_squeeze %dma_start3A_20 : memref<1x512xf32, #tpu.memory_space<hbm>> -> memref<512xf32, #tpu.memory_space<hbm>>
      %dma_start3A_22 = tpu.memref_slice %arg4[%run_scoped3A_13, %mul3A_2] : memref<8x16384xf32, #tpu.memory_space<hbm>> -> memref<1x512xf32, #tpu.memory_space<hbm>>
      %dma_start3A_23 = tpu.memref_squeeze %dma_start3A_22 : memref<1x512xf32, #tpu.memory_space<hbm>> -> memref<512xf32, #tpu.memory_space<hbm>>
      %dma_start3A_24 = arith.constant 2048 : i32
      %dma_start3A_25 = tpu.memref_slice %arg7[%dma_start3A_24] : memref<4096xf32, #tpu.memory_space<vmem>> -> memref<512xf32, #tpu.memory_space<vmem>>
      tpu.enqueue_dma source(%dma_start3A_25 : memref<512xf32, #tpu.memory_space<vmem>>) target(%dma_start3A_23 : memref<512xf32, #tpu.memory_space<hbm>>) target_semaphore(%run_scoped3A_17 : memref<!tpu.dma_semaphore, #tpu.memory_space<semaphore_mem>>)
      %dma_wait3A_26 = arith.constant 2048 : i32
      %dma_wait3A_27 = tpu.memref_slice %arg7[%dma_wait3A_26] : memref<4096xf32, #tpu.memory_space<vmem>> -> memref<512xf32, #tpu.memory_space<vmem>>
      %dma_wait3A_28 = tpu.memref_slice %arg4[%run_scoped3A_13, %mul3A_2] : memref<8x16384xf32, #tpu.memory_space<hbm>> -> memref<1x512xf32, #tpu.memory_space<hbm>>
      %dma_wait3A_29 = tpu.memref_squeeze %dma_wait3A_28 : memref<1x512xf32, #tpu.memory_space<hbm>> -> memref<512xf32, #tpu.memory_space<hbm>>
      %dma_wait3A_30 = tpu.memref_slice %arg4[%run_scoped3A_13, %mul3A_2] : memref<8x16384xf32, #tpu.memory_space<hbm>> -> memref<1x512xf32, #tpu.memory_space<hbm>>
      %dma_wait3A_31 = tpu.memref_squeeze %dma_wait3A_30 : memref<1x512xf32, #tpu.memory_space<hbm>> -> memref<512xf32, #tpu.memory_space<hbm>>
      %dma_wait3A_32 = arith.constant 2048 : i32
      %dma_wait3A_33 = tpu.memref_slice %arg7[%dma_wait3A_32] : memref<4096xf32, #tpu.memory_space<vmem>> -> memref<512xf32, #tpu.memory_space<vmem>>
      tpu.wait_dma2 semaphore(%run_scoped3A_17 : memref<!tpu.dma_semaphore, #tpu.memory_space<semaphore_mem>>) src(%dma_wait3A_33 : memref<512xf32, #tpu.memory_space<vmem>>) dst(%dma_wait3A_31 : memref<512xf32, #tpu.memory_space<hbm>>)
      tpu.yield
    }) : () -> ()
    %run_scoped3A_14 = arith.constant 5 : i32
    "tpu.region"() ({
      %run_scoped3A_17 = tpu.sem_alloc : memref<!tpu.dma_semaphore, #tpu.memory_space<semaphore_mem>>
      %dma_start3A_18 = arith.constant 2560 : i32
      %dma_start3A_19 = tpu.memref_slice %arg7[%dma_start3A_18] : memref<4096xf32, #tpu.memory_space<vmem>> -> memref<512xf32, #tpu.memory_space<vmem>>
      %dma_start3A_20 = tpu.memref_slice %arg4[%run_scoped3A_14, %mul3A_2] : memref<8x16384xf32, #tpu.memory_space<hbm>> -> memref<1x512xf32, #tpu.memory_space<hbm>>
      %dma_start3A_21 = tpu.memref_squeeze %dma_start3A_20 : memref<1x512xf32, #tpu.memory_space<hbm>> -> memref<512xf32, #tpu.memory_space<hbm>>
      %dma_start3A_22 = tpu.memref_slice %arg4[%run_scoped3A_14, %mul3A_2] : memref<8x16384xf32, #tpu.memory_space<hbm>> -> memref<1x512xf32, #tpu.memory_space<hbm>>
      %dma_start3A_23 = tpu.memref_squeeze %dma_start3A_22 : memref<1x512xf32, #tpu.memory_space<hbm>> -> memref<512xf32, #tpu.memory_space<hbm>>
      %dma_start3A_24 = arith.constant 2560 : i32
      %dma_start3A_25 = tpu.memref_slice %arg7[%dma_start3A_24] : memref<4096xf32, #tpu.memory_space<vmem>> -> memref<512xf32, #tpu.memory_space<vmem>>
      tpu.enqueue_dma source(%dma_start3A_25 : memref<512xf32, #tpu.memory_space<vmem>>) target(%dma_start3A_23 : memref<512xf32, #tpu.memory_space<hbm>>) target_semaphore(%run_scoped3A_17 : memref<!tpu.dma_semaphore, #tpu.memory_space<semaphore_mem>>)
      %dma_wait3A_26 = arith.constant 2560 : i32
      %dma_wait3A_27 = tpu.memref_slice %arg7[%dma_wait3A_26] : memref<4096xf32, #tpu.memory_space<vmem>> -> memref<512xf32, #tpu.memory_space<vmem>>
      %dma_wait3A_28 = tpu.memref_slice %arg4[%run_scoped3A_14, %mul3A_2] : memref<8x16384xf32, #tpu.memory_space<hbm>> -> memref<1x512xf32, #tpu.memory_space<hbm>>
      %dma_wait3A_29 = tpu.memref_squeeze %dma_wait3A_28 : memref<1x512xf32, #tpu.memory_space<hbm>> -> memref<512xf32, #tpu.memory_space<hbm>>
      %dma_wait3A_30 = tpu.memref_slice %arg4[%run_scoped3A_14, %mul3A_2] : memref<8x16384xf32, #tpu.memory_space<hbm>> -> memref<1x512xf32, #tpu.memory_space<hbm>>
      %dma_wait3A_31 = tpu.memref_squeeze %dma_wait3A_30 : memref<1x512xf32, #tpu.memory_space<hbm>> -> memref<512xf32, #tpu.memory_space<hbm>>
      %dma_wait3A_32 = arith.constant 2560 : i32
      %dma_wait3A_33 = tpu.memref_slice %arg7[%dma_wait3A_32] : memref<4096xf32, #tpu.memory_space<vmem>> -> memref<512xf32, #tpu.memory_space<vmem>>
      tpu.wait_dma2 semaphore(%run_scoped3A_17 : memref<!tpu.dma_semaphore, #tpu.memory_space<semaphore_mem>>) src(%dma_wait3A_33 : memref<512xf32, #tpu.memory_space<vmem>>) dst(%dma_wait3A_31 : memref<512xf32, #tpu.memory_space<hbm>>)
      tpu.yield
    }) : () -> ()
    %run_scoped3A_15 = arith.constant 6 : i32
    "tpu.region"() ({
      %run_scoped3A_17 = tpu.sem_alloc : memref<!tpu.dma_semaphore, #tpu.memory_space<semaphore_mem>>
      %dma_start3A_18 = arith.constant 3072 : i32
      %dma_start3A_19 = tpu.memref_slice %arg7[%dma_start3A_18] : memref<4096xf32, #tpu.memory_space<vmem>> -> memref<512xf32, #tpu.memory_space<vmem>>
      %dma_start3A_20 = tpu.memref_slice %arg4[%run_scoped3A_15, %mul3A_2] : memref<8x16384xf32, #tpu.memory_space<hbm>> -> memref<1x512xf32, #tpu.memory_space<hbm>>
      %dma_start3A_21 = tpu.memref_squeeze %dma_start3A_20 : memref<1x512xf32, #tpu.memory_space<hbm>> -> memref<512xf32, #tpu.memory_space<hbm>>
      %dma_start3A_22 = tpu.memref_slice %arg4[%run_scoped3A_15, %mul3A_2] : memref<8x16384xf32, #tpu.memory_space<hbm>> -> memref<1x512xf32, #tpu.memory_space<hbm>>
      %dma_start3A_23 = tpu.memref_squeeze %dma_start3A_22 : memref<1x512xf32, #tpu.memory_space<hbm>> -> memref<512xf32, #tpu.memory_space<hbm>>
      %dma_start3A_24 = arith.constant 3072 : i32
      %dma_start3A_25 = tpu.memref_slice %arg7[%dma_start3A_24] : memref<4096xf32, #tpu.memory_space<vmem>> -> memref<512xf32, #tpu.memory_space<vmem>>
      tpu.enqueue_dma source(%dma_start3A_25 : memref<512xf32, #tpu.memory_space<vmem>>) target(%dma_start3A_23 : memref<512xf32, #tpu.memory_space<hbm>>) target_semaphore(%run_scoped3A_17 : memref<!tpu.dma_semaphore, #tpu.memory_space<semaphore_mem>>)
      %dma_wait3A_26 = arith.constant 3072 : i32
      %dma_wait3A_27 = tpu.memref_slice %arg7[%dma_wait3A_26] : memref<4096xf32, #tpu.memory_space<vmem>> -> memref<512xf32, #tpu.memory_space<vmem>>
      %dma_wait3A_28 = tpu.memref_slice %arg4[%run_scoped3A_15, %mul3A_2] : memref<8x16384xf32, #tpu.memory_space<hbm>> -> memref<1x512xf32, #tpu.memory_space<hbm>>
      %dma_wait3A_29 = tpu.memref_squeeze %dma_wait3A_28 : memref<1x512xf32, #tpu.memory_space<hbm>> -> memref<512xf32, #tpu.memory_space<hbm>>
      %dma_wait3A_30 = tpu.memref_slice %arg4[%run_scoped3A_15, %mul3A_2] : memref<8x16384xf32, #tpu.memory_space<hbm>> -> memref<1x512xf32, #tpu.memory_space<hbm>>
      %dma_wait3A_31 = tpu.memref_squeeze %dma_wait3A_30 : memref<1x512xf32, #tpu.memory_space<hbm>> -> memref<512xf32, #tpu.memory_space<hbm>>
      %dma_wait3A_32 = arith.constant 3072 : i32
      %dma_wait3A_33 = tpu.memref_slice %arg7[%dma_wait3A_32] : memref<4096xf32, #tpu.memory_space<vmem>> -> memref<512xf32, #tpu.memory_space<vmem>>
      tpu.wait_dma2 semaphore(%run_scoped3A_17 : memref<!tpu.dma_semaphore, #tpu.memory_space<semaphore_mem>>) src(%dma_wait3A_33 : memref<512xf32, #tpu.memory_space<vmem>>) dst(%dma_wait3A_31 : memref<512xf32, #tpu.memory_space<hbm>>)
      tpu.yield
    }) : () -> ()
    %run_scoped3A_16 = arith.constant 7 : i32
    "tpu.region"() ({
      %run_scoped3A_17 = tpu.sem_alloc : memref<!tpu.dma_semaphore, #tpu.memory_space<semaphore_mem>>
      %dma_start3A_18 = arith.constant 3584 : i32
      %dma_start3A_19 = tpu.memref_slice %arg7[%dma_start3A_18] : memref<4096xf32, #tpu.memory_space<vmem>> -> memref<512xf32, #tpu.memory_space<vmem>>
      %dma_start3A_20 = tpu.memref_slice %arg4[%run_scoped3A_16, %mul3A_2] : memref<8x16384xf32, #tpu.memory_space<hbm>> -> memref<1x512xf32, #tpu.memory_space<hbm>>
      %dma_start3A_21 = tpu.memref_squeeze %dma_start3A_20 : memref<1x512xf32, #tpu.memory_space<hbm>> -> memref<512xf32, #tpu.memory_space<hbm>>
      %dma_start3A_22 = tpu.memref_slice %arg4[%run_scoped3A_16, %mul3A_2] : memref<8x16384xf32, #tpu.memory_space<hbm>> -> memref<1x512xf32, #tpu.memory_space<hbm>>
      %dma_start3A_23 = tpu.memref_squeeze %dma_start3A_22 : memref<1x512xf32, #tpu.memory_space<hbm>> -> memref<512xf32, #tpu.memory_space<hbm>>
      %dma_start3A_24 = arith.constant 3584 : i32
      %dma_start3A_25 = tpu.memref_slice %arg7[%dma_start3A_24] : memref<4096xf32, #tpu.memory_space<vmem>> -> memref<512xf32, #tpu.memory_space<vmem>>
      tpu.enqueue_dma source(%dma_start3A_25 : memref<512xf32, #tpu.memory_space<vmem>>) target(%dma_start3A_23 : memref<512xf32, #tpu.memory_space<hbm>>) target_semaphore(%run_scoped3A_17 : memref<!tpu.dma_semaphore, #tpu.memory_space<semaphore_mem>>)
      %dma_wait3A_26 = arith.constant 3584 : i32
      %dma_wait3A_27 = tpu.memref_slice %arg7[%dma_wait3A_26] : memref<4096xf32, #tpu.memory_space<vmem>> -> memref<512xf32, #tpu.memory_space<vmem>>
      %dma_wait3A_28 = tpu.memref_slice %arg4[%run_scoped3A_16, %mul3A_2] : memref<8x16384xf32, #tpu.memory_space<hbm>> -> memref<1x512xf32, #tpu.memory_space<hbm>>
      %dma_wait3A_29 = tpu.memref_squeeze %dma_wait3A_28 : memref<1x512xf32, #tpu.memory_space<hbm>> -> memref<512xf32, #tpu.memory_space<hbm>>
      %dma_wait3A_30 = tpu.memref_slice %arg4[%run_scoped3A_16, %mul3A_2] : memref<8x16384xf32, #tpu.memory_space<hbm>> -> memref<1x512xf32, #tpu.memory_space<hbm>>
      %dma_wait3A_31 = tpu.memref_squeeze %dma_wait3A_30 : memref<1x512xf32, #tpu.memory_space<hbm>> -> memref<512xf32, #tpu.memory_space<hbm>>
      %dma_wait3A_32 = arith.constant 3584 : i32
      %dma_wait3A_33 = tpu.memref_slice %arg7[%dma_wait3A_32] : memref<4096xf32, #tpu.memory_space<vmem>> -> memref<512xf32, #tpu.memory_space<vmem>>
      tpu.wait_dma2 semaphore(%run_scoped3A_17 : memref<!tpu.dma_semaphore, #tpu.memory_space<semaphore_mem>>) src(%dma_wait3A_33 : memref<512xf32, #tpu.memory_space<vmem>>) dst(%dma_wait3A_31 : memref<512xf32, #tpu.memory_space<hbm>>)
      tpu.yield
    }) : () -> ()
    return
  }
}

module attributes {stable_mosaic.version = 14 : i64} {
  func.func @body(%arg0: i32, %arg1: memref<8x76928xf32, #tpu.memory_space<vmem>>, %arg2: memref<4808x128xf32, #tpu.memory_space<vmem>>) attributes {dimension_semantics = [#tpu.dimension_semantics<arbitrary>], iteration_bounds = array<i64: 13>, scalar_prefetch = 0 : i64, scratch_operands = 0 : i64, tpu.core_type = #tpu.core_type<tc>, window_params = [{transform_indices = @transform_0, window_bounds = array<i64: 8, 76928>}, {transform_indices = @transform_1, window_bounds = array<i64: 4808, 128>}]} {
    %get3A = arith.constant 0 : index
    %get3A_0 = arith.constant 0 : index
    %get3A_1 = vector.load %arg1[%get3A, %get3A_0] : memref<8x76928xf32, #tpu.memory_space<vmem>>, vector<8x76928xf32>
    %reshape3A = vector.shape_cast %get3A_1 : vector<8x76928xf32> to vector<8x601x128xf32>
    %transpose3A = tpu.transpose %reshape3A, [1, 0, 2] : vector<8x601x128xf32> -> vector<601x8x128xf32>
    %reshape3A_2 = vector.shape_cast %transpose3A : vector<601x8x128xf32> to vector<4808x128xf32>
    %swap3A = arith.constant 0 : index
    %swap3A_3 = arith.constant 0 : index
    %swap3A_4 = vector.load %arg2[%swap3A, %swap3A_3] : memref<4808x128xf32, #tpu.memory_space<vmem>>, vector<4808x128xf32>
    tpu.vector_store %arg2[%swap3A, %swap3A_3], %reshape3A_2 {strides = array<i32>} : memref<4808x128xf32, #tpu.memory_space<vmem>>, vector<4808x128xf32>,
    return
  }
  func.func @transform_0(%arg0: i32) -> (i32, i32) {
    %c0_i32 = arith.constant 0 : i32
    %c0_i32_0 = arith.constant 0 : i32
    return %c0_i32, %arg0 : i32, i32
  }
  func.func @transform_1(%arg0: i32) -> (i32, i32) {
    %c0_i32 = arith.constant 0 : i32
    %c0_i32_0 = arith.constant 0 : i32
    return %arg0, %c0_i32 : i32, i32
  }
}

module attributes {stable_mosaic.version = 14 : i64} {
  func.func @body(%arg0: i32, %arg1: memref<8x76928xf32, #tpu.memory_space<vmem>>, %arg2: memref<4808x128xf32, #tpu.memory_space<vmem>>) attributes {dimension_semantics = [#tpu.dimension_semantics<arbitrary>], iteration_bounds = array<i64: 13>, scalar_prefetch = 0 : i64, scratch_operands = 0 : i64, tpu.core_type = #tpu.core_type<tc>, window_params = [{transform_indices = @transform_0, window_bounds = array<i64: 8, 76928>}, {transform_indices = @transform_1, window_bounds = array<i64: 4808, 128>}]} {
    %get3A = arith.constant 0 : index
    %get3A_0 = arith.constant 0 : index
    %get3A_1 = vector.load %arg1[%get3A, %get3A_0] : memref<8x76928xf32, #tpu.memory_space<vmem>>, vector<8x76928xf32>
    %reshape3A = vector.shape_cast %get3A_1 : vector<8x76928xf32> to vector<8x601x128xf32>
    %transpose3A = tpu.transpose %reshape3A, [1, 0, 2] : vector<8x601x128xf32> -> vector<601x8x128xf32>
    %reshape3A_2 = vector.shape_cast %transpose3A : vector<601x8x128xf32> to vector<4808x128xf32>
    %swap3A = arith.constant 0 : index
    %swap3A_3 = arith.constant 0 : index
    %swap3A_4 = vector.load %arg2[%swap3A, %swap3A_3] : memref<4808x128xf32, #tpu.memory_space<vmem>>, vector<4808x128xf32>
    tpu.vector_store %arg2[%swap3A, %swap3A_3], %reshape3A_2 {strides = array<i32>} : memref<4808x128xf32, #tpu.memory_space<vmem>>, vector<4808x128xf32>,
    return
  }
  func.func @transform_0(%arg0: i32) -> (i32, i32) {
    %c2_i32 = arith.constant 2 : i32
    %c0_i32 = arith.constant 0 : i32
    return %c2_i32, %arg0 : i32, i32
  }
  func.func @transform_1(%arg0: i32) -> (i32, i32) {
    %c0_i32 = arith.constant 0 : i32
    %c0_i32_0 = arith.constant 0 : i32
    return %arg0, %c0_i32 : i32, i32
  }
}

module attributes {stable_mosaic.version = 14 : i64} {
  func.func @body(%arg0: i32, %arg1: memref<8x76928xf32, #tpu.memory_space<vmem>>, %arg2: memref<4808x128xf32, #tpu.memory_space<vmem>>) attributes {dimension_semantics = [#tpu.dimension_semantics<arbitrary>], iteration_bounds = array<i64: 13>, scalar_prefetch = 0 : i64, scratch_operands = 0 : i64, tpu.core_type = #tpu.core_type<tc>, window_params = [{transform_indices = @transform_0, window_bounds = array<i64: 8, 76928>}, {transform_indices = @transform_1, window_bounds = array<i64: 4808, 128>}]} {
    %get3A = arith.constant 0 : index
    %get3A_0 = arith.constant 0 : index
    %get3A_1 = vector.load %arg1[%get3A, %get3A_0] : memref<8x76928xf32, #tpu.memory_space<vmem>>, vector<8x76928xf32>
    %reshape3A = vector.shape_cast %get3A_1 : vector<8x76928xf32> to vector<8x601x128xf32>
    %transpose3A = tpu.transpose %reshape3A, [1, 0, 2] : vector<8x601x128xf32> -> vector<601x8x128xf32>
    %reshape3A_2 = vector.shape_cast %transpose3A : vector<601x8x128xf32> to vector<4808x128xf32>
    %swap3A = arith.constant 0 : index
    %swap3A_3 = arith.constant 0 : index
    %swap3A_4 = vector.load %arg2[%swap3A, %swap3A_3] : memref<4808x128xf32, #tpu.memory_space<vmem>>, vector<4808x128xf32>
    tpu.vector_store %arg2[%swap3A, %swap3A_3], %reshape3A_2 {strides = array<i32>} : memref<4808x128xf32, #tpu.memory_space<vmem>>, vector<4808x128xf32>,
    return
  }
  func.func @transform_0(%arg0: i32) -> (i32, i32) {
    %c1_i32 = arith.constant 1 : i32
    %c0_i32 = arith.constant 0 : i32
    return %c1_i32, %arg0 : i32, i32
  }
  func.func @transform_1(%arg0: i32) -> (i32, i32) {
    %c0_i32 = arith.constant 0 : i32
    %c0_i32_0 = arith.constant 0 : i32
    return %arg0, %c0_i32 : i32, i32
  }
}

module attributes {stable_mosaic.version = 14 : i64} {
  func.func @body(%arg0: i32, %arg1: memref<8x76928xf32, #tpu.memory_space<vmem>>, %arg2: memref<4808x128xf32, #tpu.memory_space<vmem>>) attributes {dimension_semantics = [#tpu.dimension_semantics<arbitrary>], iteration_bounds = array<i64: 13>, scalar_prefetch = 0 : i64, scratch_operands = 0 : i64, tpu.core_type = #tpu.core_type<tc>, window_params = [{transform_indices = @transform_0, window_bounds = array<i64: 8, 76928>}, {transform_indices = @transform_1, window_bounds = array<i64: 4808, 128>}]} {
    %get3A = arith.constant 0 : index
    %get3A_0 = arith.constant 0 : index
    %get3A_1 = vector.load %arg1[%get3A, %get3A_0] : memref<8x76928xf32, #tpu.memory_space<vmem>>, vector<8x76928xf32>
    %reshape3A = vector.shape_cast %get3A_1 : vector<8x76928xf32> to vector<8x601x128xf32>
    %transpose3A = tpu.transpose %reshape3A, [1, 0, 2] : vector<8x601x128xf32> -> vector<601x8x128xf32>
    %reshape3A_2 = vector.shape_cast %transpose3A : vector<601x8x128xf32> to vector<4808x128xf32>
    %swap3A = arith.constant 0 : index
    %swap3A_3 = arith.constant 0 : index
    %swap3A_4 = vector.load %arg2[%swap3A, %swap3A_3] : memref<4808x128xf32, #tpu.memory_space<vmem>>, vector<4808x128xf32>
    tpu.vector_store %arg2[%swap3A, %swap3A_3], %reshape3A_2 {strides = array<i32>} : memref<4808x128xf32, #tpu.memory_space<vmem>>, vector<4808x128xf32>,
    return
  }
  func.func @transform_0(%arg0: i32) -> (i32, i32) {
    %c3_i32 = arith.constant 3 : i32
    %c0_i32 = arith.constant 0 : i32
    return %c3_i32, %arg0 : i32, i32
  }
  func.func @transform_1(%arg0: i32) -> (i32, i32) {
    %c0_i32 = arith.constant 0 : i32
    %c0_i32_0 = arith.constant 0 : i32
    return %arg0, %c0_i32 : i32, i32
  }
}

</mosaic_0001>

<sc_bundles>
// kernel: kernel.10.cloned.1.call-start
scs
__scs_entry_jumppad:
0x0: {  	(pc) =	sbr.rel $0x88, $3  }
0x1: {  	(tag) =	ssettag $0x0;
	lr =	simm.s32 $0x1  }
0x2: {  	[smem:$0x3F9F] =	sst lr;
	_ =	strace $0xD0000000  }
0x3: {  	_ = 	snop  }
0x4: {  	_ = 	snop  }
0x5: {  	_ = 	snop  }
0x6: {  	_ = 	snop  }
0x7: {  	_ = 	snop  }
__scs_overlays_trampoline_lowered:
0x8: {  	[smem:$0x3FAE] =	sst s0  }
0x9: {  	[smem:$0x3FAF] =	sst s1  }
0xa: {  	[smem:$0x3FB0] =	sst s2  }
0xb: {  	[smem:$0x3FB1] =	sst s3  }
0xc: {  	[smem:$0x3FB2] =	sst s4  }
0xd: {  	[smem:$0x3FB3] =	sst s5  }
0xe: {  	[smem:$0x3FB4] =	sst s6  }
0xf: {  	[smem:$0x3FB5] =	sst s7  }
0x10: {  	[smem:$0x3FB6] =	sst s8  }
0x11: {  	[smem:$0x3FB7] =	sst s9;
	s0 =	simm.s32 @!p0 $0x0  }
0x12: {  	s1 =	sld [smem:$0x3F9D];
	s0 =	simm.s32 @p0 $0x1  }
0x13: {  	[smem:$0x3FB8] =	sst s0;
	s0 =	simm.s32 @!p1 $0x0  }
0x14: {  	s2 =	sld [smem:$0x3F9C];
	s0 =	simm.s32 @p1 $0x1  }
0x15: {  	[smem:$0x3FB9] =	sst s0;
	s0 =	simm.s32 @!p2 $0x0  }
0x16: {  	s3 =	sld [smem:$0x3FDB];
	s0 =	simm.s32 @p2 $0x1  }
0x17: {  	s4 =	simm.s32 $0x1BF5;
	[smem:$0x3FBB] =	sst s0  }
0x18: {  	s0 =	sld [smem:$0x3F9E];
	_ =	swait.ge [sflag:s4], $0x0  }
0x19: {  	s7 =	sld [smem:$0x3F9F]  }
0x1a: {  	s8 =	sadd.s32 $0xFFFFE003, lr  }
0x1b: {  	s9 =	sadd.s32 $0xFFFFFEF7, lr;
	s5 =	simm.s32 $0xFFFFFFFF;
	p2 =	slt.u32 s8, $0xFFFFF086  }
0x1c: {  	p1 =	slt.u32 s9, $0xF7A;
	s5 =	simm.s32 @!p2 $0x0  }
0x1d: {  	s5 =	simm.s32 @p1 $0x1;
	p0 =	seq.s32 s7, s2  }
0x1e: {  	s7 =	smul.u32 @!p0 $0xF7A, s2;
	p2 =	seq.s32 @!p0 s5, $0x0  }
0x1f: {  	s9 =	smul.u32 $0xF7A, s1;
	s8 =	simm.s32 @!p0 $0x1BF5;
	p2 =	por !p2, p0  }
0x20: {  	[sflag:s8] =	ssyncset.s32 @!p0 $0xFFFFF086;
	s6 =	sadd.s32 @!p0 s3, s7;
	s7 =	simm.s32 @!p0 $0x108  }
0x21: {  	s3 =	sadd.s32 s3, s9;
	s6 =	sadd.s32 @!p0 $0x88, s6;
	s7 =	simm.s32 @p2 $0x1082  }
0x22: {  	[simem:s7], [sflag:s8] =	dma.local @!p0 [hbm:s6], $0xF7A  }
0x23: {  	s9 =	sor.u32 $0xD0000000, s2;
	s6 =	simm.s32 $0x108;
	_ =	swait.ge @!p0 [sflag:s8], $0x0  }
0x24: {  	s3 =	sadd.s32 $0x88, s3;
	s6 =	simm.s32 @!p1 $0x1082;
	[sflag:s4] =	ssyncset.s32 $0xFFFFF086  }
0x25: {  	[simem:s6], [sflag:s4] =	dma.local [hbm:s3], $0xF7A  }
0x26: {  	[smem:$0x3F9F] =	sst s1;
	(tag) =	ssettag s2;
	_ =	strace s9  }
0x27: {  	s1 =	sld [smem:$0x3FAF]  }
0x28: {  	s2 =	sld [smem:$0x3FB0]  }
0x29: {  	s4 =	sld [smem:$0x3FB2]  }
0x2a: {  	p0 =	seq.s32 s5, $0x0;
	s5 =	sld [smem:$0x3FB3]  }
0x2b: {  	s6 =	sld [smem:$0x3FB4]  }
0x2c: {  	s7 =	sld [smem:$0x3FB5]  }
0x2d: {  	s3 =	simm.s32 $0x108;
	s8 =	sld [smem:$0x3FB6]  }
0x2e: {  	s3 =	simm.s32 @!p0 $0x1082;
	s9 =	sld [smem:$0x3FB7]  }
0x2f: {  	lr =	sadd.s32 s0, s3;
	s0 =	sld [smem:$0x3FAE]  }
0x30: {  	s3 =	sld [smem:$0x3FB1]  }
0x31: {  	[smem:$0x3FBA] =	sst s10  }
0x32: {  	s10 =	sld [smem:$0x3FB8];
	_ =	sdelay $0x3  }
0x33: {  	p0 =	seq.s32 s10, $0x1;
	s10 =	sld [smem:$0x3FBA];
	_ =	sdelay $0x3  }
0x34: {  	[smem:$0x3FBA] =	sst s10  }
0x35: {  	s10 =	sld [smem:$0x3FB9];
	_ =	sdelay $0x3  }
0x36: {  	p1 =	seq.s32 s10, $0x1;
	s10 =	sld [smem:$0x3FBA];
	_ =	sdelay $0x3  }
0x37: {  	[smem:$0x3FBA] =	sst s10  }
0x38: {  	s10 =	sld [smem:$0x3FBB]  }
0x39: {  	_ = 	snop;
	(pc) =	sbr.ind lr, $3  }
0x3a: {  	_ = 	snop  }
0x3b: {  	_ = 	snop  }
0x3c: {  	p2 =	seq.s32 s10, $0x1;
	s10 =	sld [smem:$0x3FBA]  }
0x3d: {  	_ =	shalt  }
0x3e: {  	_ =	shalt  }
0x3f: {  	_ =	shalt  }
0x40: {  	_ =	shalt  }
0x41: {  	_ =	shalt  }
0x42: {  	_ =	shalt  }
0x43: {  	_ =	shalt  }
0x44: {  	_ =	shalt  }
0x45: {  	_ =	shalt  }
0x46: {  	_ =	shalt  }
0x47: {  	_ =	shalt  }
0x48: {  	_ =	shalt  }
0x49: {  	_ =	shalt  }
0x4a: {  	_ =	shalt  }
0x4b: {  	_ =	shalt  }
0x4c: {  	_ =	shalt  }
0x4d: {  	_ =	shalt  }
0x4e: {  	_ =	shalt  }
0x4f: {  	_ =	shalt  }
0x50: {  	_ =	shalt  }
0x51: {  	_ =	shalt  }
0x52: {  	_ =	shalt  }
0x53: {  	_ =	shalt  }
0x54: {  	_ =	shalt  }
0x55: {  	_ =	shalt  }
0x56: {  	_ =	shalt  }
0x57: {  	_ =	shalt  }
0x58: {  	_ =	shalt  }
0x59: {  	_ =	shalt  }
0x5a: {  	_ =	shalt  }
0x5b: {  	_ =	shalt  }
0x5c: {  	_ =	shalt  }
0x5d: {  	_ =	shalt  }
0x5e: {  	_ =	shalt  }
0x5f: {  	_ =	shalt  }
0x60: {  	_ =	shalt  }
0x61: {  	_ =	shalt  }
0x62: {  	_ =	shalt  }
0x63: {  	_ =	shalt  }
0x64: {  	_ =	shalt  }
0x65: {  	_ =	shalt  }
0x66: {  	_ =	shalt  }
0x67: {  	_ =	shalt  }
0x68: {  	_ =	shalt  }
0x69: {  	_ =	shalt  }
0x6a: {  	_ =	shalt  }
0x6b: {  	_ =	shalt  }
0x6c: {  	_ =	shalt  }
0x6d: {  	_ =	shalt  }
0x6e: {  	_ =	shalt  }
0x6f: {  	_ =	shalt  }
0x70: {  	_ =	shalt  }
0x71: {  	_ =	shalt  }
0x72: {  	_ =	shalt  }
0x73: {  	_ =	shalt  }
0x74: {  	_ =	shalt  }
0x75: {  	_ =	shalt  }
0x76: {  	_ =	shalt  }
0x77: {  	_ =	shalt  }
0x78: {  	_ =	shalt  }
0x79: {  	_ =	shalt  }
0x7a: {  	_ =	shalt  }
0x7b: {  	_ =	shalt  }
0x7c: {  	_ =	shalt  }
0x7d: {  	_ =	shalt  }
0x7e: {  	_ =	shalt  }
0x7f: {  	_ =	shalt  }
0x80: {  	_ =	shalt  }
0x81: {  	_ =	shalt  }
0x82: {  	_ =	shalt  }
0x83: {  	_ =	shalt  }
0x84: {  	_ =	shalt  }
0x85: {  	_ =	shalt  }
0x86: {  	_ =	shalt  }
0x87: {  	_ =	shalt  }
.Lfunc_end0:
.L_simem_size_0:
called_computation_lowered:
.L_overlay_start_0:
0x88: {  	s2 =	sld [smem:$0x3FD9]  }
0x89: {  	s3 =	sld [smem:$0x3FFE];
	_ =	sdelay $0x1  }
0x8a: {  	s1 =	srdreg.scid  }
0x8b: {  	s0 =	sand.u32 $0x1, s1  }
0x8c: {  	s17 =	sshll.u32 s0, $0xA;
	s2 =	sadd.s32 s3, s2  }
0x8d: {  	s2 =	sadd.s32 s2, s17  }
0x8e: {  	[smem:$0x3FC6] =	sst s2  }
0x8f: {  	_ = 	snop  }
0x90: {  	s18 =	sld [smem:$0x3FC9]  }
0x91: {  	s4 =	sld [smem:$0x3FD0];
	(tm) =	ssettm $0x1  }
0x92: {  	s19 =	sld [smem:$0x3FFB];
	_ =	sdelay $0x3  }
0x93: {  	_ =	strace s19  }
0x94: {  	s2 =	sld [smem:$0x3FFC];
	_ =	sdelay $0x3  }
0x95: {  	_ =	strace s2  }
0x96: {  	s2 =	sld [smem:$0x3FFD];
	_ =	sdelay $0x3  }
0x97: {  	_ =	strace s2  }
0x98: {  	_ =	strace $0x8FFFFFFF  }
0x99: {  	s20 =	sld [smem:$0x3FDB];
	_ =	sdelay $0x1  }
0x9a: {  	s5 =	simm.s32 $_scs_section_size  }
0x9b: {  	s6 =	simm.s32 $_size__tile_overlayer_lowered;
	s7 =	simm.s32 $_tile_overlayer_lowered  }
0x9c: {  	s8 =	simm.s32 $0x1BFF;
	s21 =	sshll.u32 s7, $0x1;
	s5 =	sadd.s32 s5, s20  }
0x9d: {  	s22 =	simm.s32 $0x0;
	s6 =	sshll.u32 s6, $0x1;
	s7 =	sadd.s32 s21, s5  }
0x9e: {  	[timem:s22], [sflag:s8] =	dma.local [hbm:s7], s6  }
0x9f: {  	_ =	swait.ge [sflag:s8], s6  }
0xa0: {  	s6 =	ssub.s32 $0x0, s6;
	[sflag:s8] =	ssyncset.done $0x0  }
0xa1: {  	[sflag:s8] =	ssyncadd.s32 s6;
	_ =	sdelay $0x1  }
0xa2: {  	s23 =	simm.s32 $0x1B8B  }
0xa3: {  	_ =	swait.ge [sflag:s23], $0x1  }
0xa4: {  	[sflag:s23] =	ssyncset.done $0x0  }
0xa5: {  	[sflag:s23] =	ssyncadd.s32 $0xFFFFFFFF  }
0xa6: {  	s6 =	sld [smem:$0x0]  }
0xa7: {  	s7 =	sand.u32 $0xFFFFFFFE, s1  }
0xa8: {  	p0 =	sne.s32 s1, s7  }
0xa9: {  	s7 =	sshll.u32 @p0 s7, $0xE  }
0xaa: {  	s7 =	sadd.s32 @p0 $0x11B8D, s7;
	s8 =	sshll.u32 @p0 s6, $0x11  }
0xab: {  	s7 =	sor.u32 @p0 s8, s7  }
0xac: {  	[sflag:s7] =	ssyncadd.remote.s32 @p0 $0x1;
	_ =	sdelay $0x1  }
0xad: {  	s7 =	simm.s32 @p0 $0x1B8D  }
0xae: {  	_ =	swait.eq @p0 [sflag:s7], $0x1  }
0xaf: {  	[sflag:s7] =	ssyncadd.s32 @p0 $0xFFFFFFFF  }
0xb0: {  	s8 =	sshll.u32 @!p0 s1, $0xE  }
0xb1: {  	s8 =	sor.u32 @!p0 $0x4000, s8;
	s7 =	simm.s32 @!p0 $0x1B8D  }
0xb2: {  	s6 =	sshll.u32 @!p0 s6, $0x11;
	s8 =	sadd.s32 @!p0 $0x11B8D, s8;
	_ =	swait.eq @!p0 [sflag:s7], $0x1  }
0xb3: {  	s6 =	sor.u32 @!p0 s6, s8;
	[sflag:s7] =	ssyncadd.s32 @!p0 $0xFFFFFFFF  }
0xb4: {  	s25 =	simm.s32 $0x1B8E;
	s24 =	sld [smem:$0x3FFE];
	[sflag:s6] =	ssyncadd.remote.s32 @!p0 $0x1  }
0xb5: {  	s26 =	simm.s32 $execute0_lowered;
	[smem:$0x3FD2] =	sst s25  }
0xb6: {  	s7 =	sshll.u32 s26, $0x1;
	_ =	strace $0x8000004F;
	[dreg:$0x1] =	wrdreg $0xFFFFFFFF  }
0xb7: {  	s28 =	simm.s32 $_size_execute0_lowered;
	s5 =	sadd.s32 s5, s7;
	[dreg:$0x0] =	wrdreg $0x0  }
0xb8: {  	s7 =	sshll.u32 s28, $0x1;
	[dreg:$0x2] =	wrdreg s5  }
0xb9: {  	[dreg:$0x3] =	wrdreg s7  }
0xba: {  	[dreg:$0x4] =	wrdreg $0xC0  }
0xbb: {  	_ =	task [dreg:s22], $0x5FFFF  }
0xbc: {  	[dreg:$0x1] =	wrdreg $0xFFFFFFFF  }
0xbd: {  	[dreg:$0x0] =	wrdreg $0x60  }
0xbe: {  	[dreg:$0x2] =	wrdreg s24  }
0xbf: {  	[dreg:$0x3] =	wrdreg s18  }
0xc0: {  	[dreg:$0x4] =	wrdreg s4  }
0xc1: {  	[dreg:$0x5] =	wrdreg $0x9  }
0xc2: {  	_ =	task.clear_ibuf [dreg:s22], $0x6FFFF;
	_ =	strace $0x9000004F  }
0xc3: {  	s29 =	simm.s32 $0x9;
	_ =	strace $0x80000051  }
0xc4: {  	_ =	swait.ge [sflag:s29], $0x1  }
0xc5: {  	[sflag:s29] =	ssyncadd.s32 $0xFFFFFFFF  }
0xc6: {  	_ =	strace $0x90000051  }
0xc7: {  	_ =	sfence  }
0xc8: {  	s30 =	sld [smem:$0x0];
	_ =	sdelay $0x2  }
0xc9: {  	s31 =	sshll.u32 s1, $0xD;
	s1 =	sshrl.u32 s1, $0x2  }
0xca: {  	s4 =	sand.u32 $0x4000, s31;
	s1 =	sadd.s32 s1, s30  }
0xcb: {  	s0 =	sor.u32 s4, s0;
	s1 =	sshll.u32 s1, $0x11  }
0xcc: {  	s0 =	sor.u32 s1, s0  }
0xcd: {  	s0 =	sadd.s32 $0x8F2B, s0  }
0xce: {  	[sflag:s0] =	ssyncadd.remote.s32 $0x1  }
0xcf: {  	_ =	sfence.sel $0xFFFF  }
0xd0: {  	[dreg:$0x0] =	wrdreg $0xFFFFFFFF;
	(pc) =	sbr.abs _section_cstart, $3  }
0xd1: {  	[dreg:$0x1] =	wrdreg $0xFFFFFFFF  }
0xd2: {  	_ =	task.clear_ibuf [dreg:s22], $0x2FFFF;
	_ =	strace $0x9FFFFFFF  }
0xd3: {  	(tm) =	ssettm $0x7FFFFFFF  }
tec
execute0_lowered:
.L_overlay_start_1:
0x0: {  	(tag) =	ssettag $0x1  }
0x1: {  	s3 =	rddreg [dreg:$0x0]  }
0x2: {  	s4 =	rddreg [dreg:$0x1]  }
0x3: {  	s5 =	rddreg [dreg:$0x2]  }
0x4: {  	s0 =	rddreg [dreg:$0x3]  }
0x5: {  	s2 =	simm.s32 $0x0;
	s6 =	srdreg.scid;
	s1 =	stileid.u32  }
0x6: {  	s14 =	simm.s32 $0x2;
	s15 =	simm.s32 $0x1000;
	s16 =	simm.s32 $0x200  }
0x7: {  	s17 =	simm.s32 $0x1200;
	s18 =	simm.s32 $0x1;
	s19 =	simm.s32 $0x1400  }
0x8: {  	s20 =	simm.s32 $0x1600;
	s21 =	simm.s32 $0x1800;
	s22 =	simm.s32 $0x1A00  }
0x9: {  	s23 =	simm.s32 $0x1C00;
	s24 =	simm.s32 $0x1E00;
	s25 =	simm.s32 $0x2000  }
0xa: {  	s26 =	simm.s32 $0x0;
	[smem:$0x7FF] =	sst s2;
	s6 =	sand.u32 $0x1, s6  }
0xb: {  	s8 =	sshll.u32 s1, $0x7;
	s7 =	ssub.s32 $0x2, s6;
	s6 =	sshll.u32 s6, $0x6  }
0xc: {  	s3 =	sadd.s32 $0x2E9C00, s3;
	s9 =	sshrl.u32 s7, $0x1;
	s6 =	sor.u32 s6, s8  }
0xd: {  	_ =	strace $0x80000050;
	s13 =	ssub.s32 s7, s9;
	s5 =	sadd.s32 s5, s6  }
0xe: {  	s4 =	sadd.s32 s4, s6;
	s6 =	sadd.s32 $0x800, s5;
	s7 =	sadd.s32 $0x1000, s5  }
0xf: {  	s8 =	sadd.s32 $0x1800, s5;
	s9 =	sadd.s32 $0x2000, s5;
	s10 =	sadd.s32 $0x2800, s5  }
0x10: {  	s11 =	sadd.s32 $0x3000, s5;
	s12 =	sadd.s32 $0x3800, s5;
	s13 =	smax.u32 s13, $0x1  }
.LBB2_1:
0x11: {  	[tilespmem:s2], [sflag:$0x2] =	stream.linear.gather [hbm4b:s4+s2], $0x200, $0x38;
	[tilespmem:$0x2200] =	vst v63  }
0x12: {  	_ =	swait.ge [sflag:s14], $0x200  }
0x13: {  	[sflag:s14] =	ssyncset.done $0x0  }
0x14: {  	s29 =	simm.s32 $0x0;
	[sflag:s14] =	ssyncadd.s32 $0xFFFFFE00  }
0x15: {  	v0 =	vld [tilespmem:s29+$0x0];
	_ =	sdelay $0x4  }
0x16: {  	v1 =	vshll.u32 v0, $0x3  }
0x17: {  	v0 =	vand.u32 $0x7F, v0;
	v1 =	vand.u32 $0xFFFFFC00, v1  }
0x18: {  	s28 =	simm.s32 $0x10;
	s30 =	simm.s32 $0x80;
	v0 =	vor.u32 v0, v1  }
.LBB2_2:
0x19: {  	p0 =	sne.s32 s30, $0x7C0;
	v1 =	vld [tilespmem:s28+$0x0];
	[tilespmem:s29+$0x200] =	vst v0;
	v2 =	vor.u32 $0x80, v0;
	v3 =	vor.u32 $0x100, v0;
	v4 =	vor.u32 $0x380, v0  }
0x1a: {  	v5 =	vor.u32 $0x180, v0;
	v6 =	vor.u32 $0x200, v0;
	v7 =	vor.u32 $0x280, v0;
	[tilespmem:s29+$0x1000] =	vst v4  }
0x1b: {  	[tilespmem:s29+$0x400] =	vst v2;
	v2 =	vor.u32 $0x300, v0  }
.Ltmp0:
0x1c: {  	[tilespmem:s29+$0x600] =	vst v3;
	(pc) =	sbr.rel @p0 .LBB2_2-.Ltmp0, $4  }
0x1d: {  	[tilespmem:s29+$0x800] =	vst v5  }
0x1e: {  	v0 =	vshll.u32 v1, $0x3;
	[tilespmem:s29+$0xA00] =	vst v6  }
0x1f: {  	v1 =	vand.u32 $0x7F, v1;
	v0 =	vand.u32 $0xFFFFFC00, v0;
	[tilespmem:s29+$0xC00] =	vst v7  }
0x20: {  	v0 =	vor.u32 v1, v0;
	[tilespmem:s29+$0xE00] =	vst v2;
	s29 =	smov.u32 s28;
	s28 =	sshra.s32 s30, $0x2;
	s30 =	sadd.s32 $0x40, s30  }
0x21: {  	v1 =	vld [tilespmem:s28+$0x0];
	[tilespmem:s29+$0x200] =	vst v0;
	v2 =	vor.u32 $0x380, v0  }
0x22: {  	v3 =	vor.u32 $0x80, v0;
	[tilespmem:s29+$0x1000] =	vst v2  }
0x23: {  	v52 =	vor.u32 $0x100, v0;
	[tilespmem:s29+$0x400] =	vst v3  }
0x24: {  	v53 =	vor.u32 $0x180, v0;
	[tilespmem:s29+$0x600] =	vst v52  }
0x25: {  	v54 =	vor.u32 $0x200, v0;
	[tilespmem:s29+$0x800] =	vst v53  }
0x26: {  	v55 =	vor.u32 $0x280, v0;
	[tilespmem:s29+$0xA00] =	vst v54;
	v4 =	vshll.u32 v1, $0x3  }
0x27: {  	v56 =	vor.u32 $0x300, v0;
	[tilespmem:s29+$0xC00] =	vst v55;
	v1 =	vand.u32 $0x7F, v1;
	v57 =	vand.u32 $0xFFFFFC00, v4  }
0x28: {  	[tilespmem:s29+$0xE00] =	vst v56;
	v1 =	vor.u32 v1, v57  }
0x29: {  	[tilespmem:s28+$0x200] =	vst v1;
	v58 =	vor.u32 $0x380, v1  }
0x2a: {  	v2 =	vor.u32 $0x80, v1;
	[tilespmem:s28+$0x1000] =	vst v58  }
0x2b: {  	v59 =	vor.u32 $0x100, v1;
	[tilespmem:s28+$0x400] =	vst v2  }
0x2c: {  	v60 =	vor.u32 $0x180, v1;
	[tilespmem:s28+$0x600] =	vst v59  }
0x2d: {  	v61 =	vor.u32 $0x200, v1;
	[tilespmem:s28+$0x800] =	vst v60  }
0x2e: {  	v62 =	vor.u32 $0x280, v1;
	[tilespmem:s28+$0xA00] =	vst v61  }
0x2f: {  	v63 =	vor.u32 $0x300, v1;
	[tilespmem:s28+$0xC00] =	vst v62  }
0x30: {  	[tilespmem:s28+$0xE00] =	vst v63  }
0x31: {  	[tilespmem:s17], [sflag:$0x1] =	stream.indirect.gather [hbm4b:s3+s15], $0x1, s16, s15, $0xb8;
	[tilespmem:$0x2200] =	vst v63  }
0x32: {  	_ =	swait.ge [sflag:s18], $0x1000  }
0x33: {  	[sflag:s18] =	ssyncset.done $0x0  }
0x34: {  	[sflag:s18] =	ssyncadd.s32 $0xFFFFF000  }
0x35: {  	[hbm4b:s5+s2] =	stream.linear.scatter [tilespmem:s17], [sflag:$0x2], $0x200, $0x38;
	[tilespmem:$0x2200] =	vst v63  }
0x36: {  	_ =	swait.ge [sflag:s14], $0x200  }
0x37: {  	[sflag:s14] =	ssyncset.done $0x0  }
0x38: {  	[sflag:s14] =	ssyncadd.s32 $0xFFFFFE00  }
0x39: {  	[hbm4b:s6+s2] =	stream.linear.scatter [tilespmem:s19], [sflag:$0x2], $0x200, $0x38;
	[tilespmem:$0x2200] =	vst v63  }
0x3a: {  	_ =	swait.ge [sflag:s14], $0x200  }
0x3b: {  	[sflag:s14] =	ssyncset.done $0x0  }
0x3c: {  	[sflag:s14] =	ssyncadd.s32 $0xFFFFFE00  }
0x3d: {  	[hbm4b:s7+s2] =	stream.linear.scatter [tilespmem:s20], [sflag:$0x2], $0x200, $0x38;
	[tilespmem:$0x2200] =	vst v63  }
0x3e: {  	_ =	swait.ge [sflag:s14], $0x200  }
0x3f: {  	[sflag:s14] =	ssyncset.done $0x0  }
0x40: {  	[sflag:s14] =	ssyncadd.s32 $0xFFFFFE00  }
0x41: {  	[hbm4b:s8+s2] =	stream.linear.scatter [tilespmem:s21], [sflag:$0x2], $0x200, $0x38;
	[tilespmem:$0x2200] =	vst v63  }
0x42: {  	_ =	swait.ge [sflag:s14], $0x200  }
0x43: {  	[sflag:s14] =	ssyncset.done $0x0  }
0x44: {  	[sflag:s14] =	ssyncadd.s32 $0xFFFFFE00  }
0x45: {  	[hbm4b:s9+s2] =	stream.linear.scatter [tilespmem:s22], [sflag:$0x2], $0x200, $0x38;
	[tilespmem:$0x2200] =	vst v63  }
0x46: {  	_ =	swait.ge [sflag:s14], $0x200  }
0x47: {  	[sflag:s14] =	ssyncset.done $0x0  }
0x48: {  	[sflag:s14] =	ssyncadd.s32 $0xFFFFFE00  }
0x49: {  	[hbm4b:s10+s2] =	stream.linear.scatter [tilespmem:s23], [sflag:$0x2], $0x200, $0x38;
	[tilespmem:$0x2200] =	vst v63  }
0x4a: {  	_ =	swait.ge [sflag:s14], $0x200  }
0x4b: {  	[sflag:s14] =	ssyncset.done $0x0  }
0x4c: {  	[sflag:s14] =	ssyncadd.s32 $0xFFFFFE00  }
0x4d: {  	[hbm4b:s11+s2] =	stream.linear.scatter [tilespmem:s24], [sflag:$0x2], $0x200, $0x38;
	[tilespmem:$0x2200] =	vst v63  }
0x4e: {  	s26 =	sadd.s32 $0x1, s26;
	_ =	swait.ge [sflag:s14], $0x200  }
0x4f: {  	p0 =	sne.s32 s26, s13;
	[sflag:s14] =	ssyncset.done $0x0  }
.Ltmp1:
0x50: {  	[sflag:s14] =	ssyncadd.s32 $0xFFFFFE00;
	(pc) =	sbr.rel @p0 .LBB2_1-.Ltmp1, $4  }
0x51: {  	[hbm4b:s12+s2] =	stream.linear.scatter [tilespmem:s25], [sflag:$0x2], $0x200, $0x38;
	[tilespmem:$0x2200] =	vst v63  }
0x52: {  	_ =	swait.ge [sflag:s14], $0x200  }
0x53: {  	[sflag:s14] =	ssyncset.done $0x0  }
0x54: {  	[sflag:s14] =	ssyncadd.s32 $0xFFFFFE00  }
0x55: {  	_ =	sfence.sel $0x180000  }
0x56: {  	[bflag:$0x0] =	sbarrier.arrive $0xFFFF  }
0x57: {  	p0 =	sne.s32 s1, $0x0;
	_ =	strace $0x90000050  }
0x58: {  	s0 =	sadd.s32 @!p0 $0x100000, s0;
	[bflag:$0x2] =	sbarrier.arrive $0xFFFF  }
0x59: {  	[sflag:s0] =	ssyncadd.tile.s32 @!p0 $0x1;
	_ =	shalt  }
.Lfunc_end2:
_tile_overlayer_lowered:
.L_overlay_start_2:
0x5a: {  	(tag) =	ssettag $0x2  }
0x5b: {  	s0 =	rddreg [dreg:$0x0];
	s2 =	stileid.u32  }
0x5c: {  	s1 =	rddreg [dreg:$0x1];
	p0 =	sne.s32 s2, $0x0  }
0x5d: {  	s3 =	rddreg [dreg:$0x2];
	[bflag:$0x3] =	sbarrier.arrive $0xFFFF;
	s2 =	simm.s32 @!p0 $0x1C02  }
0x5e: {  	[timem:s3], [sflag:s2] =	dma.local @!p0 [hbm:s0], s1  }
0x5f: {  	s0 =	simm.s32 @!p0 $0x2  }
0x60: {  	_ =	swait.ge @!p0 [sflag:s0], s1  }
0x61: {  	s1 =	ssub.s32 @!p0 $0x0, s1;
	[sflag:s0] =	ssyncset.done @!p0 $0x0  }
0x62: {  	[sflag:s0] =	ssyncadd.s32 @!p0 s1  }
0x63: {  	[bflag:$0x3] =	sbarrier.arrive $0xFFFF  }
0x64: {  	_ =	shalt  }

// kernel: kernel.13.cloned.1.call-start
scs
__scs_entry_jumppad:
0x0: {  	(pc) =	sbr.rel $0x88, $3  }
0x1: {  	(tag) =	ssettag $0x0;
	lr =	simm.s32 $0x1  }
0x2: {  	[smem:$0x3F9F] =	sst lr;
	_ =	strace $0xD0000000  }
0x3: {  	_ = 	snop  }
0x4: {  	_ = 	snop  }
0x5: {  	_ = 	snop  }
0x6: {  	_ = 	snop  }
0x7: {  	_ = 	snop  }
__scs_overlays_trampoline_lowered:
0x8: {  	[smem:$0x3FAE] =	sst s0  }
0x9: {  	[smem:$0x3FAF] =	sst s1  }
0xa: {  	[smem:$0x3FB0] =	sst s2  }
0xb: {  	[smem:$0x3FB1] =	sst s3  }
0xc: {  	[smem:$0x3FB2] =	sst s4  }
0xd: {  	[smem:$0x3FB3] =	sst s5  }
0xe: {  	[smem:$0x3FB4] =	sst s6  }
0xf: {  	[smem:$0x3FB5] =	sst s7  }
0x10: {  	[smem:$0x3FB6] =	sst s8  }
0x11: {  	[smem:$0x3FB7] =	sst s9;
	s0 =	simm.s32 @!p0 $0x0  }
0x12: {  	s1 =	sld [smem:$0x3F9D];
	s0 =	simm.s32 @p0 $0x1  }
0x13: {  	[smem:$0x3FB8] =	sst s0;
	s0 =	simm.s32 @!p1 $0x0  }
0x14: {  	s2 =	sld [smem:$0x3F9C];
	s0 =	simm.s32 @p1 $0x1  }
0x15: {  	[smem:$0x3FB9] =	sst s0;
	s0 =	simm.s32 @!p2 $0x0  }
0x16: {  	s3 =	sld [smem:$0x3FDB];
	s0 =	simm.s32 @p2 $0x1  }
0x17: {  	s4 =	simm.s32 $0x1BF5;
	[smem:$0x3FBB] =	sst s0  }
0x18: {  	s0 =	sld [smem:$0x3F9E];
	_ =	swait.ge [sflag:s4], $0x0  }
0x19: {  	s7 =	sld [smem:$0x3F9F]  }
0x1a: {  	s8 =	sadd.s32 $0xFFFFE003, lr  }
0x1b: {  	s9 =	sadd.s32 $0xFFFFFEF7, lr;
	s5 =	simm.s32 $0xFFFFFFFF;
	p2 =	slt.u32 s8, $0xFFFFF086  }
0x1c: {  	p1 =	slt.u32 s9, $0xF7A;
	s5 =	simm.s32 @!p2 $0x0  }
0x1d: {  	s5 =	simm.s32 @p1 $0x1;
	p0 =	seq.s32 s7, s2  }
0x1e: {  	s7 =	smul.u32 @!p0 $0xF7A, s2;
	p2 =	seq.s32 @!p0 s5, $0x0  }
0x1f: {  	s9 =	smul.u32 $0xF7A, s1;
	s8 =	simm.s32 @!p0 $0x1BF5;
	p2 =	por !p2, p0  }
0x20: {  	[sflag:s8] =	ssyncset.s32 @!p0 $0xFFFFF086;
	s6 =	sadd.s32 @!p0 s3, s7;
	s7 =	simm.s32 @!p0 $0x108  }
0x21: {  	s3 =	sadd.s32 s3, s9;
	s6 =	sadd.s32 @!p0 $0x88, s6;
	s7 =	simm.s32 @p2 $0x1082  }
0x22: {  	[simem:s7], [sflag:s8] =	dma.local @!p0 [hbm:s6], $0xF7A  }
0x23: {  	s9 =	sor.u32 $0xD0000000, s2;
	s6 =	simm.s32 $0x108;
	_ =	swait.ge @!p0 [sflag:s8], $0x0  }
0x24: {  	s3 =	sadd.s32 $0x88, s3;
	s6 =	simm.s32 @!p1 $0x1082;
	[sflag:s4] =	ssyncset.s32 $0xFFFFF086  }
0x25: {  	[simem:s6], [sflag:s4] =	dma.local [hbm:s3], $0xF7A  }
0x26: {  	[smem:$0x3F9F] =	sst s1;
	(tag) =	ssettag s2;
	_ =	strace s9  }
0x27: {  	s1 =	sld [smem:$0x3FAF]  }
0x28: {  	s2 =	sld [smem:$0x3FB0]  }
0x29: {  	s4 =	sld [smem:$0x3FB2]  }
0x2a: {  	p0 =	seq.s32 s5, $0x0;
	s5 =	sld [smem:$0x3FB3]  }
0x2b: {  	s6 =	sld [smem:$0x3FB4]  }
0x2c: {  	s7 =	sld [smem:$0x3FB5]  }
0x2d: {  	s3 =	simm.s32 $0x108;
	s8 =	sld [smem:$0x3FB6]  }
0x2e: {  	s3 =	simm.s32 @!p0 $0x1082;
	s9 =	sld [smem:$0x3FB7]  }
0x2f: {  	lr =	sadd.s32 s0, s3;
	s0 =	sld [smem:$0x3FAE]  }
0x30: {  	s3 =	sld [smem:$0x3FB1]  }
0x31: {  	[smem:$0x3FBA] =	sst s10  }
0x32: {  	s10 =	sld [smem:$0x3FB8];
	_ =	sdelay $0x3  }
0x33: {  	p0 =	seq.s32 s10, $0x1;
	s10 =	sld [smem:$0x3FBA];
	_ =	sdelay $0x3  }
0x34: {  	[smem:$0x3FBA] =	sst s10  }
0x35: {  	s10 =	sld [smem:$0x3FB9];
	_ =	sdelay $0x3  }
0x36: {  	p1 =	seq.s32 s10, $0x1;
	s10 =	sld [smem:$0x3FBA];
	_ =	sdelay $0x3  }
0x37: {  	[smem:$0x3FBA] =	sst s10  }
0x38: {  	s10 =	sld [smem:$0x3FBB]  }
0x39: {  	_ = 	snop;
	(pc) =	sbr.ind lr, $3  }
0x3a: {  	_ = 	snop  }
0x3b: {  	_ = 	snop  }
0x3c: {  	p2 =	seq.s32 s10, $0x1;
	s10 =	sld [smem:$0x3FBA]  }
0x3d: {  	_ =	shalt  }
0x3e: {  	_ =	shalt  }
0x3f: {  	_ =	shalt  }
0x40: {  	_ =	shalt  }
0x41: {  	_ =	shalt  }
0x42: {  	_ =	shalt  }
0x43: {  	_ =	shalt  }
0x44: {  	_ =	shalt  }
0x45: {  	_ =	shalt  }
0x46: {  	_ =	shalt  }
0x47: {  	_ =	shalt  }
0x48: {  	_ =	shalt  }
0x49: {  	_ =	shalt  }
0x4a: {  	_ =	shalt  }
0x4b: {  	_ =	shalt  }
0x4c: {  	_ =	shalt  }
0x4d: {  	_ =	shalt  }
0x4e: {  	_ =	shalt  }
0x4f: {  	_ =	shalt  }
0x50: {  	_ =	shalt  }
0x51: {  	_ =	shalt  }
0x52: {  	_ =	shalt  }
0x53: {  	_ =	shalt  }
0x54: {  	_ =	shalt  }
0x55: {  	_ =	shalt  }
0x56: {  	_ =	shalt  }
0x57: {  	_ =	shalt  }
0x58: {  	_ =	shalt  }
0x59: {  	_ =	shalt  }
0x5a: {  	_ =	shalt  }
0x5b: {  	_ =	shalt  }
0x5c: {  	_ =	shalt  }
0x5d: {  	_ =	shalt  }
0x5e: {  	_ =	shalt  }
0x5f: {  	_ =	shalt  }
0x60: {  	_ =	shalt  }
0x61: {  	_ =	shalt  }
0x62: {  	_ =	shalt  }
0x63: {  	_ =	shalt  }
0x64: {  	_ =	shalt  }
0x65: {  	_ =	shalt  }
0x66: {  	_ =	shalt  }
0x67: {  	_ =	shalt  }
0x68: {  	_ =	shalt  }
0x69: {  	_ =	shalt  }
0x6a: {  	_ =	shalt  }
0x6b: {  	_ =	shalt  }
0x6c: {  	_ =	shalt  }
0x6d: {  	_ =	shalt  }
0x6e: {  	_ =	shalt  }
0x6f: {  	_ =	shalt  }
0x70: {  	_ =	shalt  }
0x71: {  	_ =	shalt  }
0x72: {  	_ =	shalt  }
0x73: {  	_ =	shalt  }
0x74: {  	_ =	shalt  }
0x75: {  	_ =	shalt  }
0x76: {  	_ =	shalt  }
0x77: {  	_ =	shalt  }
0x78: {  	_ =	shalt  }
0x79: {  	_ =	shalt  }
0x7a: {  	_ =	shalt  }
0x7b: {  	_ =	shalt  }
0x7c: {  	_ =	shalt  }
0x7d: {  	_ =	shalt  }
0x7e: {  	_ =	shalt  }
0x7f: {  	_ =	shalt  }
0x80: {  	_ =	shalt  }
0x81: {  	_ =	shalt  }
0x82: {  	_ =	shalt  }
0x83: {  	_ =	shalt  }
0x84: {  	_ =	shalt  }
0x85: {  	_ =	shalt  }
0x86: {  	_ =	shalt  }
0x87: {  	_ =	shalt  }
.Lfunc_end0:
.L_simem_size_0:
called_computation.1_lowered:
.L_overlay_start_0:
0x88: {  	s2 =	sld [smem:$0x3FD9]  }
0x89: {  	s3 =	sld [smem:$0x3FFE];
	_ =	sdelay $0x1  }
0x8a: {  	s1 =	srdreg.scid  }
0x8b: {  	s0 =	sand.u32 $0x1, s1  }
0x8c: {  	s17 =	sshll.u32 s0, $0xA;
	s2 =	sadd.s32 s3, s2  }
0x8d: {  	s2 =	sadd.s32 s2, s17  }
0x8e: {  	[smem:$0x3FC6] =	sst s2  }
0x8f: {  	_ = 	snop  }
0x90: {  	s18 =	sld [smem:$0x3FC9];
	(tm) =	ssettm $0x1  }
0x91: {  	s19 =	sld [smem:$0x3FFB];
	_ =	sdelay $0x3  }
0x92: {  	_ =	strace s19  }
0x93: {  	s2 =	sld [smem:$0x3FFC];
	_ =	sdelay $0x3  }
0x94: {  	_ =	strace s2  }
0x95: {  	s2 =	sld [smem:$0x3FFD];
	_ =	sdelay $0x3  }
0x96: {  	_ =	strace s2  }
0x97: {  	_ =	strace $0x8FFFFFFF  }
0x98: {  	s20 =	sld [smem:$0x3FDB];
	_ =	sdelay $0x1  }
0x99: {  	s4 =	simm.s32 $_scs_section_size  }
0x9a: {  	s5 =	simm.s32 $_size__tile_overlayer_lowered;
	s6 =	simm.s32 $_tile_overlayer_lowered  }
0x9b: {  	s7 =	simm.s32 $0x1BFF;
	s21 =	sshll.u32 s6, $0x1;
	s4 =	sadd.s32 s4, s20  }
0x9c: {  	s22 =	simm.s32 $0x0;
	s5 =	sshll.u32 s5, $0x1;
	s6 =	sadd.s32 s21, s4  }
0x9d: {  	[timem:s22], [sflag:s7] =	dma.local [hbm:s6], s5  }
0x9e: {  	_ =	swait.ge [sflag:s7], s5  }
0x9f: {  	s5 =	ssub.s32 $0x0, s5;
	[sflag:s7] =	ssyncset.done $0x0  }
0xa0: {  	[sflag:s7] =	ssyncadd.s32 s5;
	_ =	sdelay $0x1  }
0xa1: {  	s23 =	simm.s32 $0x1B8B  }
0xa2: {  	_ =	swait.ge [sflag:s23], $0x1  }
0xa3: {  	[sflag:s23] =	ssyncset.done $0x0  }
0xa4: {  	[sflag:s23] =	ssyncadd.s32 $0xFFFFFFFF  }
0xa5: {  	s5 =	sld [smem:$0x0]  }
0xa6: {  	s6 =	sand.u32 $0xFFFFFFFE, s1  }
0xa7: {  	p0 =	sne.s32 s1, s6  }
0xa8: {  	s6 =	sshll.u32 @p0 s6, $0xE  }
0xa9: {  	s6 =	sadd.s32 @p0 $0x11B8D, s6;
	s7 =	sshll.u32 @p0 s5, $0x11  }
0xaa: {  	s6 =	sor.u32 @p0 s7, s6  }
0xab: {  	[sflag:s6] =	ssyncadd.remote.s32 @p0 $0x1;
	_ =	sdelay $0x1  }
0xac: {  	s6 =	simm.s32 @p0 $0x1B8D  }
0xad: {  	_ =	swait.eq @p0 [sflag:s6], $0x1  }
0xae: {  	[sflag:s6] =	ssyncadd.s32 @p0 $0xFFFFFFFF  }
0xaf: {  	s7 =	sshll.u32 @!p0 s1, $0xE  }
0xb0: {  	s7 =	sor.u32 @!p0 $0x4000, s7;
	s6 =	simm.s32 @!p0 $0x1B8D  }
0xb1: {  	s5 =	sshll.u32 @!p0 s5, $0x11;
	s7 =	sadd.s32 @!p0 $0x11B8D, s7;
	_ =	swait.eq @!p0 [sflag:s6], $0x1  }
0xb2: {  	s5 =	sor.u32 @!p0 s5, s7;
	[sflag:s6] =	ssyncadd.s32 @!p0 $0xFFFFFFFF  }
0xb3: {  	s25 =	simm.s32 $0x1B8E;
	s24 =	sld [smem:$0x3FFE];
	[sflag:s5] =	ssyncadd.remote.s32 @!p0 $0x1  }
0xb4: {  	s26 =	simm.s32 $execute0_lowered;
	[smem:$0x3FD2] =	sst s25  }
0xb5: {  	s6 =	sshll.u32 s26, $0x1;
	_ =	strace $0x8000004C;
	[dreg:$0x1] =	wrdreg $0xFFFFFFFF  }
0xb6: {  	s28 =	simm.s32 $_size_execute0_lowered;
	s4 =	sadd.s32 s4, s6;
	[dreg:$0x0] =	wrdreg $0x0  }
0xb7: {  	s6 =	sshll.u32 s28, $0x1;
	[dreg:$0x2] =	wrdreg s4  }
0xb8: {  	[dreg:$0x3] =	wrdreg s6  }
0xb9: {  	[dreg:$0x4] =	wrdreg $0xC0  }
0xba: {  	_ =	task [dreg:s22], $0x5FFFF  }
0xbb: {  	[dreg:$0x1] =	wrdreg $0xFFFFFFFF  }
0xbc: {  	[dreg:$0x0] =	wrdreg $0x60  }
0xbd: {  	[dreg:$0x2] =	wrdreg s24  }
0xbe: {  	[dreg:$0x3] =	wrdreg s18  }
0xbf: {  	[dreg:$0x4] =	wrdreg $0xA  }
0xc0: {  	_ =	task.clear_ibuf [dreg:s22], $0x5FFFF;
	_ =	strace $0x9000004C  }
0xc1: {  	s29 =	simm.s32 $0xA;
	_ =	strace $0x8000004E  }
0xc2: {  	_ =	swait.ge [sflag:s29], $0x1  }
0xc3: {  	[sflag:s29] =	ssyncadd.s32 $0xFFFFFFFF  }
0xc4: {  	_ =	strace $0x9000004E  }
0xc5: {  	_ =	sfence  }
0xc6: {  	s30 =	sld [smem:$0x0];
	_ =	sdelay $0x2  }
0xc7: {  	s31 =	sshll.u32 s1, $0xD;
	s1 =	sshrl.u32 s1, $0x2  }
0xc8: {  	s4 =	sand.u32 $0x4000, s31;
	s1 =	sadd.s32 s1, s30  }
0xc9: {  	s0 =	sor.u32 s4, s0;
	s1 =	sshll.u32 s1, $0x11  }
0xca: {  	s0 =	sor.u32 s1, s0  }
0xcb: {  	s0 =	sadd.s32 $0x8F2B, s0  }
0xcc: {  	[sflag:s0] =	ssyncadd.remote.s32 $0x1  }
0xcd: {  	_ =	sfence.sel $0xFFFF  }
0xce: {  	[dreg:$0x0] =	wrdreg $0xFFFFFFFF;
	(pc) =	sbr.abs _section_cstart, $3  }
0xcf: {  	[dreg:$0x1] =	wrdreg $0xFFFFFFFF  }
0xd0: {  	_ =	task.clear_ibuf [dreg:s22], $0x2FFFF;
	_ =	strace $0x9FFFFFFF  }
0xd1: {  	(tm) =	ssettm $0x7FFFFFFF  }
tec
execute0_lowered:
.L_overlay_start_1:
0x0: {  	(tag) =	ssettag $0x1  }
0x1: {  	s3 =	rddreg [dreg:$0x0]  }
0x2: {  	s9 =	rddreg [dreg:$0x1]  }
0x3: {  	s2 =	srdreg.scid;
	s0 =	rddreg [dreg:$0x2]  }
0x4: {  	s1 =	stileid.u32;
	s14 =	simm.s32 $0x2;
	s15 =	simm.s32 $0x1000  }
0x5: {  	s16 =	simm.s32 $0x200;
	s17 =	simm.s32 $0x1200;
	s18 =	simm.s32 $0x1  }
0x6: {  	s19 =	simm.s32 $0x1400;
	s20 =	simm.s32 $0x1600;
	s21 =	simm.s32 $0x1800  }
0x7: {  	s22 =	simm.s32 $0x1A00;
	s23 =	simm.s32 $0x1C00;
	s24 =	simm.s32 $0x1E00  }
0x8: {  	s25 =	simm.s32 $0x2000;
	s26 =	simm.s32 $0x0;
	s4 =	sand.u32 $0x1, s2  }
0x9: {  	s2 =	simm.s32 $0x0;
	s5 =	sshll.u32 s1, $0x7;
	s6 =	sshll.u32 s4, $0x6  }
0xa: {  	[smem:$0x7FF] =	sst s2;
	s7 =	ssub.s32 $0x2, s4;
	s10 =	sor.u32 s6, s5  }
0xb: {  	_ =	strace $0x8000004D;
	s12 =	sadd.s32 s10, s3;
	s3 =	sadd.s32 $0x1F1800, s3  }
0xc: {  	s8 =	sshrl.u32 s7, $0x1;
	s4 =	sadd.s32 $0x2E5C00, s12;
	s5 =	sadd.s32 $0x2E6400, s12  }
0xd: {  	s13 =	ssub.s32 s7, s8;
	s6 =	sadd.s32 $0x2E6C00, s12;
	s7 =	sadd.s32 $0x2E7400, s12  }
0xe: {  	s9 =	sadd.s32 s9, s10;
	s8 =	sadd.s32 $0x2E7C00, s12;
	s10 =	sadd.s32 $0x2E8400, s12  }
0xf: {  	s11 =	sadd.s32 $0x2E8C00, s12;
	s12 =	sadd.s32 $0x2E9400, s12;
	s13 =	smax.u32 s13, $0x1  }
.LBB2_1:
0x10: {  	[tilespmem:s2], [sflag:$0x2] =	stream.linear.gather [hbm4b:s9+s2], $0x200, $0x38;
	[tilespmem:$0x2200] =	vst v63  }
0x11: {  	_ =	swait.ge [sflag:s14], $0x200  }
0x12: {  	[sflag:s14] =	ssyncset.done $0x0  }
0x13: {  	s29 =	simm.s32 $0x0;
	[sflag:s14] =	ssyncadd.s32 $0xFFFFFE00  }
0x14: {  	v0 =	vld [tilespmem:s29+$0x0];
	_ =	sdelay $0x4  }
0x15: {  	v1 =	vshll.u32 v0, $0x3  }
0x16: {  	v0 =	vand.u32 $0x7F, v0;
	v1 =	vand.u32 $0xFFFFFC00, v1  }
0x17: {  	s28 =	simm.s32 $0x10;
	s30 =	simm.s32 $0x80;
	v0 =	vor.u32 v0, v1  }
.LBB2_2:
0x18: {  	p0 =	sne.s32 s30, $0x7C0;
	v1 =	vld [tilespmem:s28+$0x0];
	[tilespmem:s29+$0x200] =	vst v0;
	v2 =	vor.u32 $0x80, v0;
	v3 =	vor.u32 $0x100, v0;
	v4 =	vor.u32 $0x380, v0  }
0x19: {  	v5 =	vor.u32 $0x180, v0;
	v6 =	vor.u32 $0x200, v0;
	v7 =	vor.u32 $0x280, v0;
	[tilespmem:s29+$0x1000] =	vst v4  }
0x1a: {  	[tilespmem:s29+$0x400] =	vst v2;
	v2 =	vor.u32 $0x300, v0  }
.Ltmp0:
0x1b: {  	[tilespmem:s29+$0x600] =	vst v3;
	(pc) =	sbr.rel @p0 .LBB2_2-.Ltmp0, $4  }
0x1c: {  	[tilespmem:s29+$0x800] =	vst v5  }
0x1d: {  	v0 =	vshll.u32 v1, $0x3;
	[tilespmem:s29+$0xA00] =	vst v6  }
0x1e: {  	v1 =	vand.u32 $0x7F, v1;
	v0 =	vand.u32 $0xFFFFFC00, v0;
	[tilespmem:s29+$0xC00] =	vst v7  }
0x1f: {  	v0 =	vor.u32 v1, v0;
	[tilespmem:s29+$0xE00] =	vst v2;
	s29 =	smov.u32 s28;
	s28 =	sshra.s32 s30, $0x2;
	s30 =	sadd.s32 $0x40, s30  }
0x20: {  	v1 =	vld [tilespmem:s28+$0x0];
	[tilespmem:s29+$0x200] =	vst v0;
	v2 =	vor.u32 $0x380, v0  }
0x21: {  	v3 =	vor.u32 $0x80, v0;
	[tilespmem:s29+$0x1000] =	vst v2  }
0x22: {  	v52 =	vor.u32 $0x100, v0;
	[tilespmem:s29+$0x400] =	vst v3  }
0x23: {  	v53 =	vor.u32 $0x180, v0;
	[tilespmem:s29+$0x600] =	vst v52  }
0x24: {  	v54 =	vor.u32 $0x200, v0;
	[tilespmem:s29+$0x800] =	vst v53  }
0x25: {  	v55 =	vor.u32 $0x280, v0;
	[tilespmem:s29+$0xA00] =	vst v54;
	v4 =	vshll.u32 v1, $0x3  }
0x26: {  	v56 =	vor.u32 $0x300, v0;
	[tilespmem:s29+$0xC00] =	vst v55;
	v1 =	vand.u32 $0x7F, v1;
	v57 =	vand.u32 $0xFFFFFC00, v4  }
0x27: {  	[tilespmem:s29+$0xE00] =	vst v56;
	v1 =	vor.u32 v1, v57  }
0x28: {  	[tilespmem:s28+$0x200] =	vst v1;
	v58 =	vor.u32 $0x380, v1  }
0x29: {  	v2 =	vor.u32 $0x80, v1;
	[tilespmem:s28+$0x1000] =	vst v58  }
0x2a: {  	v59 =	vor.u32 $0x100, v1;
	[tilespmem:s28+$0x400] =	vst v2  }
0x2b: {  	v60 =	vor.u32 $0x180, v1;
	[tilespmem:s28+$0x600] =	vst v59  }
0x2c: {  	v61 =	vor.u32 $0x200, v1;
	[tilespmem:s28+$0x800] =	vst v60  }
0x2d: {  	v62 =	vor.u32 $0x280, v1;
	[tilespmem:s28+$0xA00] =	vst v61  }
0x2e: {  	v63 =	vor.u32 $0x300, v1;
	[tilespmem:s28+$0xC00] =	vst v62  }
0x2f: {  	[tilespmem:s28+$0xE00] =	vst v63  }
0x30: {  	[tilespmem:s17], [sflag:$0x1] =	stream.indirect.gather [hbm4b:s3+s15], $0x1, s16, s15, $0xb8;
	[tilespmem:$0x2200] =	vst v63  }
0x31: {  	_ =	swait.ge [sflag:s18], $0x1000  }
0x32: {  	[sflag:s18] =	ssyncset.done $0x0  }
0x33: {  	[sflag:s18] =	ssyncadd.s32 $0xFFFFF000  }
0x34: {  	[hbm4b:s4+s2] =	stream.linear.scatter [tilespmem:s17], [sflag:$0x2], $0x200, $0x38;
	[tilespmem:$0x2200] =	vst v63  }
0x35: {  	_ =	swait.ge [sflag:s14], $0x200  }
0x36: {  	[sflag:s14] =	ssyncset.done $0x0  }
0x37: {  	[sflag:s14] =	ssyncadd.s32 $0xFFFFFE00  }
0x38: {  	[hbm4b:s5+s2] =	stream.linear.scatter [tilespmem:s19], [sflag:$0x2], $0x200, $0x38;
	[tilespmem:$0x2200] =	vst v63  }
0x39: {  	_ =	swait.ge [sflag:s14], $0x200  }
0x3a: {  	[sflag:s14] =	ssyncset.done $0x0  }
0x3b: {  	[sflag:s14] =	ssyncadd.s32 $0xFFFFFE00  }
0x3c: {  	[hbm4b:s6+s2] =	stream.linear.scatter [tilespmem:s20], [sflag:$0x2], $0x200, $0x38;
	[tilespmem:$0x2200] =	vst v63  }
0x3d: {  	_ =	swait.ge [sflag:s14], $0x200  }
0x3e: {  	[sflag:s14] =	ssyncset.done $0x0  }
0x3f: {  	[sflag:s14] =	ssyncadd.s32 $0xFFFFFE00  }
0x40: {  	[hbm4b:s7+s2] =	stream.linear.scatter [tilespmem:s21], [sflag:$0x2], $0x200, $0x38;
	[tilespmem:$0x2200] =	vst v63  }
0x41: {  	_ =	swait.ge [sflag:s14], $0x200  }
0x42: {  	[sflag:s14] =	ssyncset.done $0x0  }
0x43: {  	[sflag:s14] =	ssyncadd.s32 $0xFFFFFE00  }
0x44: {  	[hbm4b:s8+s2] =	stream.linear.scatter [tilespmem:s22], [sflag:$0x2], $0x200, $0x38;
	[tilespmem:$0x2200] =	vst v63  }
0x45: {  	_ =	swait.ge [sflag:s14], $0x200  }
0x46: {  	[sflag:s14] =	ssyncset.done $0x0  }
0x47: {  	[sflag:s14] =	ssyncadd.s32 $0xFFFFFE00  }
0x48: {  	[hbm4b:s10+s2] =	stream.linear.scatter [tilespmem:s23], [sflag:$0x2], $0x200, $0x38;
	[tilespmem:$0x2200] =	vst v63  }
0x49: {  	_ =	swait.ge [sflag:s14], $0x200  }
0x4a: {  	[sflag:s14] =	ssyncset.done $0x0  }
0x4b: {  	[sflag:s14] =	ssyncadd.s32 $0xFFFFFE00  }
0x4c: {  	[hbm4b:s11+s2] =	stream.linear.scatter [tilespmem:s24], [sflag:$0x2], $0x200, $0x38;
	[tilespmem:$0x2200] =	vst v63  }
0x4d: {  	s26 =	sadd.s32 $0x1, s26;
	_ =	swait.ge [sflag:s14], $0x200  }
0x4e: {  	p0 =	sne.s32 s26, s13;
	[sflag:s14] =	ssyncset.done $0x0  }
.Ltmp1:
0x4f: {  	[sflag:s14] =	ssyncadd.s32 $0xFFFFFE00;
	(pc) =	sbr.rel @p0 .LBB2_1-.Ltmp1, $4  }
0x50: {  	[hbm4b:s12+s2] =	stream.linear.scatter [tilespmem:s25], [sflag:$0x2], $0x200, $0x38;
	[tilespmem:$0x2200] =	vst v63  }
0x51: {  	_ =	swait.ge [sflag:s14], $0x200  }
0x52: {  	[sflag:s14] =	ssyncset.done $0x0  }
0x53: {  	[sflag:s14] =	ssyncadd.s32 $0xFFFFFE00  }
0x54: {  	_ =	sfence.sel $0x180000  }
0x55: {  	[bflag:$0x0] =	sbarrier.arrive $0xFFFF  }
0x56: {  	p0 =	sne.s32 s1, $0x0;
	_ =	strace $0x9000004D  }
0x57: {  	s0 =	sadd.s32 @!p0 $0x100000, s0;
	[bflag:$0x2] =	sbarrier.arrive $0xFFFF  }
0x58: {  	[sflag:s0] =	ssyncadd.tile.s32 @!p0 $0x1;
	_ =	shalt  }
.Lfunc_end2:
_tile_overlayer_lowered:
.L_overlay_start_2:
0x59: {  	(tag) =	ssettag $0x2  }
0x5a: {  	s0 =	rddreg [dreg:$0x0];
	s2 =	stileid.u32  }
0x5b: {  	s1 =	rddreg [dreg:$0x1];
	p0 =	sne.s32 s2, $0x0  }
0x5c: {  	s3 =	rddreg [dreg:$0x2];
	[bflag:$0x3] =	sbarrier.arrive $0xFFFF;
	s2 =	simm.s32 @!p0 $0x1C02  }
0x5d: {  	[timem:s3], [sflag:s2] =	dma.local @!p0 [hbm:s0], s1  }
0x5e: {  	s0 =	simm.s32 @!p0 $0x2  }
0x5f: {  	_ =	swait.ge @!p0 [sflag:s0], s1  }
0x60: {  	s1 =	ssub.s32 @!p0 $0x0, s1;
	[sflag:s0] =	ssyncset.done @!p0 $0x0  }
0x61: {  	[sflag:s0] =	ssyncadd.s32 @!p0 s1  }
0x62: {  	[bflag:$0x3] =	sbarrier.arrive $0xFFFF  }
0x63: {  	_ =	shalt  }

// kernel: kernel.16.cloned.1.call-start
scs
__scs_entry_jumppad:
0x0: {  	(pc) =	sbr.rel $0x88, $3  }
0x1: {  	(tag) =	ssettag $0x0;
	lr =	simm.s32 $0x1  }
0x2: {  	[smem:$0x3F9F] =	sst lr;
	_ =	strace $0xD0000000  }
0x3: {  	_ = 	snop  }
0x4: {  	_ = 	snop  }
0x5: {  	_ = 	snop  }
0x6: {  	_ = 	snop  }
0x7: {  	_ = 	snop  }
__scs_overlays_trampoline_lowered:
0x8: {  	[smem:$0x3FAE] =	sst s0  }
0x9: {  	[smem:$0x3FAF] =	sst s1  }
0xa: {  	[smem:$0x3FB0] =	sst s2  }
0xb: {  	[smem:$0x3FB1] =	sst s3  }
0xc: {  	[smem:$0x3FB2] =	sst s4  }
0xd: {  	[smem:$0x3FB3] =	sst s5  }
0xe: {  	[smem:$0x3FB4] =	sst s6  }
0xf: {  	[smem:$0x3FB5] =	sst s7  }
0x10: {  	[smem:$0x3FB6] =	sst s8  }
0x11: {  	[smem:$0x3FB7] =	sst s9;
	s0 =	simm.s32 @!p0 $0x0  }
0x12: {  	s1 =	sld [smem:$0x3F9D];
	s0 =	simm.s32 @p0 $0x1  }
0x13: {  	[smem:$0x3FB8] =	sst s0;
	s0 =	simm.s32 @!p1 $0x0  }
0x14: {  	s2 =	sld [smem:$0x3F9C];
	s0 =	simm.s32 @p1 $0x1  }
0x15: {  	[smem:$0x3FB9] =	sst s0;
	s0 =	simm.s32 @!p2 $0x0  }
0x16: {  	s3 =	sld [smem:$0x3FDB];
	s0 =	simm.s32 @p2 $0x1  }
0x17: {  	s4 =	simm.s32 $0x1BF5;
	[smem:$0x3FBB] =	sst s0  }
0x18: {  	s0 =	sld [smem:$0x3F9E];
	_ =	swait.ge [sflag:s4], $0x0  }
0x19: {  	s7 =	sld [smem:$0x3F9F]  }
0x1a: {  	s8 =	sadd.s32 $0xFFFFE003, lr  }
0x1b: {  	s9 =	sadd.s32 $0xFFFFFEF7, lr;
	s5 =	simm.s32 $0xFFFFFFFF;
	p2 =	slt.u32 s8, $0xFFFFF086  }
0x1c: {  	p1 =	slt.u32 s9, $0xF7A;
	s5 =	simm.s32 @!p2 $0x0  }
0x1d: {  	s5 =	simm.s32 @p1 $0x1;
	p0 =	seq.s32 s7, s2  }
0x1e: {  	s7 =	smul.u32 @!p0 $0xF7A, s2;
	p2 =	seq.s32 @!p0 s5, $0x0  }
0x1f: {  	s9 =	smul.u32 $0xF7A, s1;
	s8 =	simm.s32 @!p0 $0x1BF5;
	p2 =	por !p2, p0  }
0x20: {  	[sflag:s8] =	ssyncset.s32 @!p0 $0xFFFFF086;
	s6 =	sadd.s32 @!p0 s3, s7;
	s7 =	simm.s32 @!p0 $0x108  }
0x21: {  	s3 =	sadd.s32 s3, s9;
	s6 =	sadd.s32 @!p0 $0x88, s6;
	s7 =	simm.s32 @p2 $0x1082  }
0x22: {  	[simem:s7], [sflag:s8] =	dma.local @!p0 [hbm:s6], $0xF7A  }
0x23: {  	s9 =	sor.u32 $0xD0000000, s2;
	s6 =	simm.s32 $0x108;
	_ =	swait.ge @!p0 [sflag:s8], $0x0  }
0x24: {  	s3 =	sadd.s32 $0x88, s3;
	s6 =	simm.s32 @!p1 $0x1082;
	[sflag:s4] =	ssyncset.s32 $0xFFFFF086  }
0x25: {  	[simem:s6], [sflag:s4] =	dma.local [hbm:s3], $0xF7A  }
0x26: {  	[smem:$0x3F9F] =	sst s1;
	(tag) =	ssettag s2;
	_ =	strace s9  }
0x27: {  	s1 =	sld [smem:$0x3FAF]  }
0x28: {  	s2 =	sld [smem:$0x3FB0]  }
0x29: {  	s4 =	sld [smem:$0x3FB2]  }
0x2a: {  	p0 =	seq.s32 s5, $0x0;
	s5 =	sld [smem:$0x3FB3]  }
0x2b: {  	s6 =	sld [smem:$0x3FB4]  }
0x2c: {  	s7 =	sld [smem:$0x3FB5]  }
0x2d: {  	s3 =	simm.s32 $0x108;
	s8 =	sld [smem:$0x3FB6]  }
0x2e: {  	s3 =	simm.s32 @!p0 $0x1082;
	s9 =	sld [smem:$0x3FB7]  }
0x2f: {  	lr =	sadd.s32 s0, s3;
	s0 =	sld [smem:$0x3FAE]  }
0x30: {  	s3 =	sld [smem:$0x3FB1]  }
0x31: {  	[smem:$0x3FBA] =	sst s10  }
0x32: {  	s10 =	sld [smem:$0x3FB8];
	_ =	sdelay $0x3  }
0x33: {  	p0 =	seq.s32 s10, $0x1;
	s10 =	sld [smem:$0x3FBA];
	_ =	sdelay $0x3  }
0x34: {  	[smem:$0x3FBA] =	sst s10  }
0x35: {  	s10 =	sld [smem:$0x3FB9];
	_ =	sdelay $0x3  }
0x36: {  	p1 =	seq.s32 s10, $0x1;
	s10 =	sld [smem:$0x3FBA];
	_ =	sdelay $0x3  }
0x37: {  	[smem:$0x3FBA] =	sst s10  }
0x38: {  	s10 =	sld [smem:$0x3FBB]  }
0x39: {  	_ = 	snop;
	(pc) =	sbr.ind lr, $3  }
0x3a: {  	_ = 	snop  }
0x3b: {  	_ = 	snop  }
0x3c: {  	p2 =	seq.s32 s10, $0x1;
	s10 =	sld [smem:$0x3FBA]  }
0x3d: {  	_ =	shalt  }
0x3e: {  	_ =	shalt  }
0x3f: {  	_ =	shalt  }
0x40: {  	_ =	shalt  }
0x41: {  	_ =	shalt  }
0x42: {  	_ =	shalt  }
0x43: {  	_ =	shalt  }
0x44: {  	_ =	shalt  }
0x45: {  	_ =	shalt  }
0x46: {  	_ =	shalt  }
0x47: {  	_ =	shalt  }
0x48: {  	_ =	shalt  }
0x49: {  	_ =	shalt  }
0x4a: {  	_ =	shalt  }
0x4b: {  	_ =	shalt  }
0x4c: {  	_ =	shalt  }
0x4d: {  	_ =	shalt  }
0x4e: {  	_ =	shalt  }
0x4f: {  	_ =	shalt  }
0x50: {  	_ =	shalt  }
0x51: {  	_ =	shalt  }
0x52: {  	_ =	shalt  }
0x53: {  	_ =	shalt  }
0x54: {  	_ =	shalt  }
0x55: {  	_ =	shalt  }
0x56: {  	_ =	shalt  }
0x57: {  	_ =	shalt  }
0x58: {  	_ =	shalt  }
0x59: {  	_ =	shalt  }
0x5a: {  	_ =	shalt  }
0x5b: {  	_ =	shalt  }
0x5c: {  	_ =	shalt  }
0x5d: {  	_ =	shalt  }
0x5e: {  	_ =	shalt  }
0x5f: {  	_ =	shalt  }
0x60: {  	_ =	shalt  }
0x61: {  	_ =	shalt  }
0x62: {  	_ =	shalt  }
0x63: {  	_ =	shalt  }
0x64: {  	_ =	shalt  }
0x65: {  	_ =	shalt  }
0x66: {  	_ =	shalt  }
0x67: {  	_ =	shalt  }
0x68: {  	_ =	shalt  }
0x69: {  	_ =	shalt  }
0x6a: {  	_ =	shalt  }
0x6b: {  	_ =	shalt  }
0x6c: {  	_ =	shalt  }
0x6d: {  	_ =	shalt  }
0x6e: {  	_ =	shalt  }
0x6f: {  	_ =	shalt  }
0x70: {  	_ =	shalt  }
0x71: {  	_ =	shalt  }
0x72: {  	_ =	shalt  }
0x73: {  	_ =	shalt  }
0x74: {  	_ =	shalt  }
0x75: {  	_ =	shalt  }
0x76: {  	_ =	shalt  }
0x77: {  	_ =	shalt  }
0x78: {  	_ =	shalt  }
0x79: {  	_ =	shalt  }
0x7a: {  	_ =	shalt  }
0x7b: {  	_ =	shalt  }
0x7c: {  	_ =	shalt  }
0x7d: {  	_ =	shalt  }
0x7e: {  	_ =	shalt  }
0x7f: {  	_ =	shalt  }
0x80: {  	_ =	shalt  }
0x81: {  	_ =	shalt  }
0x82: {  	_ =	shalt  }
0x83: {  	_ =	shalt  }
0x84: {  	_ =	shalt  }
0x85: {  	_ =	shalt  }
0x86: {  	_ =	shalt  }
0x87: {  	_ =	shalt  }
.Lfunc_end0:
.L_simem_size_0:
called_computation.2_lowered:
.L_overlay_start_0:
0x88: {  	s2 =	sld [smem:$0x3FD9]  }
0x89: {  	s3 =	sld [smem:$0x3FFE];
	_ =	sdelay $0x1  }
0x8a: {  	s1 =	srdreg.scid  }
0x8b: {  	s0 =	sand.u32 $0x1, s1  }
0x8c: {  	s17 =	sshll.u32 s0, $0xA;
	s2 =	sadd.s32 s3, s2  }
0x8d: {  	s2 =	sadd.s32 s2, s17  }
0x8e: {  	[smem:$0x3FC6] =	sst s2  }
0x8f: {  	_ = 	snop  }
0x90: {  	s18 =	sld [smem:$0x3FC9];
	(tm) =	ssettm $0x1  }
0x91: {  	s19 =	sld [smem:$0x3FFB];
	_ =	sdelay $0x3  }
0x92: {  	_ =	strace s19  }
0x93: {  	s2 =	sld [smem:$0x3FFC];
	_ =	sdelay $0x3  }
0x94: {  	_ =	strace s2  }
0x95: {  	s2 =	sld [smem:$0x3FFD];
	_ =	sdelay $0x3  }
0x96: {  	_ =	strace s2  }
0x97: {  	_ =	strace $0x8FFFFFFF  }
0x98: {  	s20 =	sld [smem:$0x3FDB];
	_ =	sdelay $0x1  }
0x99: {  	s4 =	simm.s32 $_scs_section_size  }
0x9a: {  	s5 =	simm.s32 $_size__tile_overlayer_lowered;
	s6 =	simm.s32 $_tile_overlayer_lowered  }
0x9b: {  	s7 =	simm.s32 $0x1BFF;
	s21 =	sshll.u32 s6, $0x1;
	s4 =	sadd.s32 s4, s20  }
0x9c: {  	s22 =	simm.s32 $0x0;
	s5 =	sshll.u32 s5, $0x1;
	s6 =	sadd.s32 s21, s4  }
0x9d: {  	[timem:s22], [sflag:s7] =	dma.local [hbm:s6], s5  }
0x9e: {  	_ =	swait.ge [sflag:s7], s5  }
0x9f: {  	s5 =	ssub.s32 $0x0, s5;
	[sflag:s7] =	ssyncset.done $0x0  }
0xa0: {  	[sflag:s7] =	ssyncadd.s32 s5;
	_ =	sdelay $0x1  }
0xa1: {  	s23 =	simm.s32 $0x1B8B  }
0xa2: {  	_ =	swait.ge [sflag:s23], $0x1  }
0xa3: {  	[sflag:s23] =	ssyncset.done $0x0  }
0xa4: {  	[sflag:s23] =	ssyncadd.s32 $0xFFFFFFFF  }
0xa5: {  	s5 =	sld [smem:$0x0]  }
0xa6: {  	s6 =	sand.u32 $0xFFFFFFFE, s1  }
0xa7: {  	p0 =	sne.s32 s1, s6  }
0xa8: {  	s6 =	sshll.u32 @p0 s6, $0xE  }
0xa9: {  	s6 =	sadd.s32 @p0 $0x11B8D, s6;
	s7 =	sshll.u32 @p0 s5, $0x11  }
0xaa: {  	s6 =	sor.u32 @p0 s7, s6  }
0xab: {  	[sflag:s6] =	ssyncadd.remote.s32 @p0 $0x1;
	_ =	sdelay $0x1  }
0xac: {  	s6 =	simm.s32 @p0 $0x1B8D  }
0xad: {  	_ =	swait.eq @p0 [sflag:s6], $0x1  }
0xae: {  	[sflag:s6] =	ssyncadd.s32 @p0 $0xFFFFFFFF  }
0xaf: {  	s7 =	sshll.u32 @!p0 s1, $0xE  }
0xb0: {  	s7 =	sor.u32 @!p0 $0x4000, s7;
	s6 =	simm.s32 @!p0 $0x1B8D  }
0xb1: {  	s5 =	sshll.u32 @!p0 s5, $0x11;
	s7 =	sadd.s32 @!p0 $0x11B8D, s7;
	_ =	swait.eq @!p0 [sflag:s6], $0x1  }
0xb2: {  	s5 =	sor.u32 @!p0 s5, s7;
	[sflag:s6] =	ssyncadd.s32 @!p0 $0xFFFFFFFF  }
0xb3: {  	s25 =	simm.s32 $0x1B8E;
	s24 =	sld [smem:$0x3FFE];
	[sflag:s5] =	ssyncadd.remote.s32 @!p0 $0x1  }
0xb4: {  	s26 =	simm.s32 $execute0_lowered;
	[smem:$0x3FD2] =	sst s25  }
0xb5: {  	s6 =	sshll.u32 s26, $0x1;
	_ =	strace $0x80000049;
	[dreg:$0x1] =	wrdreg $0xFFFFFFFF  }
0xb6: {  	s28 =	simm.s32 $_size_execute0_lowered;
	s4 =	sadd.s32 s4, s6;
	[dreg:$0x0] =	wrdreg $0x0  }
0xb7: {  	s6 =	sshll.u32 s28, $0x1;
	[dreg:$0x2] =	wrdreg s4  }
0xb8: {  	[dreg:$0x3] =	wrdreg s6  }
0xb9: {  	[dreg:$0x4] =	wrdreg $0xC0  }
0xba: {  	_ =	task [dreg:s22], $0x5FFFF  }
0xbb: {  	[dreg:$0x1] =	wrdreg $0xFFFFFFFF  }
0xbc: {  	[dreg:$0x0] =	wrdreg $0x60  }
0xbd: {  	[dreg:$0x2] =	wrdreg s24  }
0xbe: {  	[dreg:$0x3] =	wrdreg s18  }
0xbf: {  	[dreg:$0x4] =	wrdreg $0xB  }
0xc0: {  	_ =	task.clear_ibuf [dreg:s22], $0x5FFFF;
	_ =	strace $0x90000049  }
0xc1: {  	s29 =	simm.s32 $0xB;
	_ =	strace $0x8000004B  }
0xc2: {  	_ =	swait.ge [sflag:s29], $0x1  }
0xc3: {  	[sflag:s29] =	ssyncadd.s32 $0xFFFFFFFF  }
0xc4: {  	_ =	strace $0x9000004B  }
0xc5: {  	_ =	sfence  }
0xc6: {  	s30 =	sld [smem:$0x0];
	_ =	sdelay $0x2  }
0xc7: {  	s31 =	sshll.u32 s1, $0xD;
	s1 =	sshrl.u32 s1, $0x2  }
0xc8: {  	s4 =	sand.u32 $0x4000, s31;
	s1 =	sadd.s32 s1, s30  }
0xc9: {  	s0 =	sor.u32 s4, s0;
	s1 =	sshll.u32 s1, $0x11  }
0xca: {  	s0 =	sor.u32 s1, s0  }
0xcb: {  	s0 =	sadd.s32 $0x8F2B, s0  }
0xcc: {  	[sflag:s0] =	ssyncadd.remote.s32 $0x1  }
0xcd: {  	_ =	sfence.sel $0xFFFF  }
0xce: {  	[dreg:$0x0] =	wrdreg $0xFFFFFFFF;
	(pc) =	sbr.abs _section_cstart, $3  }
0xcf: {  	[dreg:$0x1] =	wrdreg $0xFFFFFFFF  }
0xd0: {  	_ =	task.clear_ibuf [dreg:s22], $0x2FFFF;
	_ =	strace $0x9FFFFFFF  }
0xd1: {  	(tm) =	ssettm $0x7FFFFFFF  }
tec
execute0_lowered:
.L_overlay_start_1:
0x0: {  	(tag) =	ssettag $0x1  }
0x1: {  	s4 =	rddreg [dreg:$0x0]  }
0x2: {  	s6 =	rddreg [dreg:$0x1]  }
0x3: {  	s0 =	rddreg [dreg:$0x2];
	s3 =	srdreg.scid  }
0x4: {  	s2 =	simm.s32 $0x0;
	s1 =	stileid.u32;
	s14 =	simm.s32 $0x2  }
0x5: {  	s15 =	simm.s32 $0x1000;
	s16 =	simm.s32 $0x200;
	s17 =	simm.s32 $0x1200  }
0x6: {  	s18 =	simm.s32 $0x1;
	s19 =	simm.s32 $0x1400;
	s20 =	simm.s32 $0x1600  }
0x7: {  	s21 =	simm.s32 $0x1800;
	s22 =	simm.s32 $0x1A00;
	s23 =	simm.s32 $0x1C00  }
0x8: {  	s24 =	simm.s32 $0x1E00;
	s25 =	simm.s32 $0x2000;
	s3 =	sand.u32 $0x1, s3  }
0x9: {  	s26 =	simm.s32 $0x0;
	s5 =	sshll.u32 s1, $0x7;
	s7 =	sshll.u32 s3, $0x6  }
0xa: {  	[smem:$0x7FF] =	sst s2;
	s30 =	ssub.s32 $0x2, s3;
	s7 =	sor.u32 s7, s5  }
0xb: {  	_ =	strace $0x8000004A;
	s31 =	sshrl.u32 s30, $0x1;
	s12 =	sadd.s32 s7, s4  }
0xc: {  	s3 =	sadd.s32 $0xF9400, s4;
	s13 =	ssub.s32 s30, s31;
	s4 =	sadd.s32 $0x1ED800, s12  }
0xd: {  	s6 =	sadd.s32 s6, s7;
	s5 =	sadd.s32 $0x1EE000, s12;
	s7 =	sadd.s32 $0x1EE800, s12  }
0xe: {  	s8 =	sadd.s32 $0x1EF800, s12;
	s9 =	sadd.s32 $0x1EF000, s12;
	s10 =	sadd.s32 $0x1F0000, s12  }
0xf: {  	s11 =	sadd.s32 $0x1F0800, s12;
	s12 =	sadd.s32 $0x1F1000, s12;
	s13 =	smax.u32 s13, $0x1  }
.LBB2_1:
0x10: {  	[tilespmem:s2], [sflag:$0x2] =	stream.linear.gather [hbm4b:s6+s2], $0x200, $0x38;
	[tilespmem:$0x2200] =	vst v63  }
0x11: {  	_ =	swait.ge [sflag:s14], $0x200  }
0x12: {  	[sflag:s14] =	ssyncset.done $0x0  }
0x13: {  	s29 =	simm.s32 $0x0;
	[sflag:s14] =	ssyncadd.s32 $0xFFFFFE00  }
0x14: {  	v0 =	vld [tilespmem:s29+$0x0];
	_ =	sdelay $0x4  }
0x15: {  	v1 =	vshll.u32 v0, $0x3  }
0x16: {  	v0 =	vand.u32 $0x7F, v0;
	v1 =	vand.u32 $0xFFFFFC00, v1  }
0x17: {  	s28 =	simm.s32 $0x10;
	s30 =	simm.s32 $0x80;
	v0 =	vor.u32 v0, v1  }
.LBB2_2:
0x18: {  	p0 =	sne.s32 s30, $0x7C0;
	v1 =	vld [tilespmem:s28+$0x0];
	[tilespmem:s29+$0x200] =	vst v0;
	v2 =	vor.u32 $0x80, v0;
	v3 =	vor.u32 $0x100, v0;
	v4 =	vor.u32 $0x380, v0  }
0x19: {  	v5 =	vor.u32 $0x180, v0;
	v6 =	vor.u32 $0x200, v0;
	v7 =	vor.u32 $0x280, v0;
	[tilespmem:s29+$0x1000] =	vst v4  }
0x1a: {  	[tilespmem:s29+$0x400] =	vst v2;
	v2 =	vor.u32 $0x300, v0  }
.Ltmp0:
0x1b: {  	[tilespmem:s29+$0x600] =	vst v3;
	(pc) =	sbr.rel @p0 .LBB2_2-.Ltmp0, $4  }
0x1c: {  	[tilespmem:s29+$0x800] =	vst v5  }
0x1d: {  	v0 =	vshll.u32 v1, $0x3;
	[tilespmem:s29+$0xA00] =	vst v6  }
0x1e: {  	v1 =	vand.u32 $0x7F, v1;
	v0 =	vand.u32 $0xFFFFFC00, v0;
	[tilespmem:s29+$0xC00] =	vst v7  }
0x1f: {  	v0 =	vor.u32 v1, v0;
	[tilespmem:s29+$0xE00] =	vst v2;
	s29 =	smov.u32 s28;
	s28 =	sshra.s32 s30, $0x2;
	s30 =	sadd.s32 $0x40, s30  }
0x20: {  	v1 =	vld [tilespmem:s28+$0x0];
	[tilespmem:s29+$0x200] =	vst v0;
	v2 =	vor.u32 $0x380, v0  }
0x21: {  	v3 =	vor.u32 $0x80, v0;
	[tilespmem:s29+$0x1000] =	vst v2  }
0x22: {  	v52 =	vor.u32 $0x100, v0;
	[tilespmem:s29+$0x400] =	vst v3  }
0x23: {  	v53 =	vor.u32 $0x180, v0;
	[tilespmem:s29+$0x600] =	vst v52  }
0x24: {  	v54 =	vor.u32 $0x200, v0;
	[tilespmem:s29+$0x800] =	vst v53  }
0x25: {  	v55 =	vor.u32 $0x280, v0;
	[tilespmem:s29+$0xA00] =	vst v54;
	v4 =	vshll.u32 v1, $0x3  }
0x26: {  	v56 =	vor.u32 $0x300, v0;
	[tilespmem:s29+$0xC00] =	vst v55;
	v1 =	vand.u32 $0x7F, v1;
	v57 =	vand.u32 $0xFFFFFC00, v4  }
0x27: {  	[tilespmem:s29+$0xE00] =	vst v56;
	v1 =	vor.u32 v1, v57  }
0x28: {  	[tilespmem:s28+$0x200] =	vst v1;
	v58 =	vor.u32 $0x380, v1  }
0x29: {  	v2 =	vor.u32 $0x80, v1;
	[tilespmem:s28+$0x1000] =	vst v58  }
0x2a: {  	v59 =	vor.u32 $0x100, v1;
	[tilespmem:s28+$0x400] =	vst v2  }
0x2b: {  	v60 =	vor.u32 $0x180, v1;
	[tilespmem:s28+$0x600] =	vst v59  }
0x2c: {  	v61 =	vor.u32 $0x200, v1;
	[tilespmem:s28+$0x800] =	vst v60  }
0x2d: {  	v62 =	vor.u32 $0x280, v1;
	[tilespmem:s28+$0xA00] =	vst v61  }
0x2e: {  	v63 =	vor.u32 $0x300, v1;
	[tilespmem:s28+$0xC00] =	vst v62  }
0x2f: {  	[tilespmem:s28+$0xE00] =	vst v63  }
0x30: {  	[tilespmem:s17], [sflag:$0x1] =	stream.indirect.gather [hbm4b:s3+s15], $0x1, s16, s15, $0xb8;
	[tilespmem:$0x2200] =	vst v63  }
0x31: {  	_ =	swait.ge [sflag:s18], $0x1000  }
0x32: {  	[sflag:s18] =	ssyncset.done $0x0  }
0x33: {  	[sflag:s18] =	ssyncadd.s32 $0xFFFFF000  }
0x34: {  	[hbm4b:s4+s2] =	stream.linear.scatter [tilespmem:s17], [sflag:$0x2], $0x200, $0x38;
	[tilespmem:$0x2200] =	vst v63  }
0x35: {  	_ =	swait.ge [sflag:s14], $0x200  }
0x36: {  	[sflag:s14] =	ssyncset.done $0x0  }
0x37: {  	[sflag:s14] =	ssyncadd.s32 $0xFFFFFE00  }
0x38: {  	[hbm4b:s5+s2] =	stream.linear.scatter [tilespmem:s19], [sflag:$0x2], $0x200, $0x38;
	[tilespmem:$0x2200] =	vst v63  }
0x39: {  	_ =	swait.ge [sflag:s14], $0x200  }
0x3a: {  	[sflag:s14] =	ssyncset.done $0x0  }
0x3b: {  	[sflag:s14] =	ssyncadd.s32 $0xFFFFFE00  }
0x3c: {  	[hbm4b:s7+s2] =	stream.linear.scatter [tilespmem:s20], [sflag:$0x2], $0x200, $0x38;
	[tilespmem:$0x2200] =	vst v63  }
0x3d: {  	_ =	swait.ge [sflag:s14], $0x200  }
0x3e: {  	[sflag:s14] =	ssyncset.done $0x0  }
0x3f: {  	[sflag:s14] =	ssyncadd.s32 $0xFFFFFE00  }
0x40: {  	[hbm4b:s9+s2] =	stream.linear.scatter [tilespmem:s21], [sflag:$0x2], $0x200, $0x38;
	[tilespmem:$0x2200] =	vst v63  }
0x41: {  	_ =	swait.ge [sflag:s14], $0x200  }
0x42: {  	[sflag:s14] =	ssyncset.done $0x0  }
0x43: {  	[sflag:s14] =	ssyncadd.s32 $0xFFFFFE00  }
0x44: {  	[hbm4b:s8+s2] =	stream.linear.scatter [tilespmem:s22], [sflag:$0x2], $0x200, $0x38;
	[tilespmem:$0x2200] =	vst v63  }
0x45: {  	_ =	swait.ge [sflag:s14], $0x200  }
0x46: {  	[sflag:s14] =	ssyncset.done $0x0  }
0x47: {  	[sflag:s14] =	ssyncadd.s32 $0xFFFFFE00  }
0x48: {  	[hbm4b:s10+s2] =	stream.linear.scatter [tilespmem:s23], [sflag:$0x2], $0x200, $0x38;
	[tilespmem:$0x2200] =	vst v63  }
0x49: {  	_ =	swait.ge [sflag:s14], $0x200  }
0x4a: {  	[sflag:s14] =	ssyncset.done $0x0  }
0x4b: {  	[sflag:s14] =	ssyncadd.s32 $0xFFFFFE00  }
0x4c: {  	[hbm4b:s11+s2] =	stream.linear.scatter [tilespmem:s24], [sflag:$0x2], $0x200, $0x38;
	[tilespmem:$0x2200] =	vst v63  }
0x4d: {  	s26 =	sadd.s32 $0x1, s26;
	_ =	swait.ge [sflag:s14], $0x200  }
0x4e: {  	p0 =	sne.s32 s26, s13;
	[sflag:s14] =	ssyncset.done $0x0  }
.Ltmp1:
0x4f: {  	[sflag:s14] =	ssyncadd.s32 $0xFFFFFE00;
	(pc) =	sbr.rel @p0 .LBB2_1-.Ltmp1, $4  }
0x50: {  	[hbm4b:s12+s2] =	stream.linear.scatter [tilespmem:s25], [sflag:$0x2], $0x200, $0x38;
	[tilespmem:$0x2200] =	vst v63  }
0x51: {  	_ =	swait.ge [sflag:s14], $0x200  }
0x52: {  	[sflag:s14] =	ssyncset.done $0x0  }
0x53: {  	[sflag:s14] =	ssyncadd.s32 $0xFFFFFE00  }
0x54: {  	_ =	sfence.sel $0x180000  }
0x55: {  	[bflag:$0x0] =	sbarrier.arrive $0xFFFF  }
0x56: {  	p0 =	sne.s32 s1, $0x0;
	_ =	strace $0x9000004A  }
0x57: {  	s0 =	sadd.s32 @!p0 $0x100000, s0;
	[bflag:$0x2] =	sbarrier.arrive $0xFFFF  }
0x58: {  	[sflag:s0] =	ssyncadd.tile.s32 @!p0 $0x1;
	_ =	shalt  }
.Lfunc_end2:
_tile_overlayer_lowered:
.L_overlay_start_2:
0x59: {  	(tag) =	ssettag $0x2  }
0x5a: {  	s0 =	rddreg [dreg:$0x0];
	s2 =	stileid.u32  }
0x5b: {  	s1 =	rddreg [dreg:$0x1];
	p0 =	sne.s32 s2, $0x0  }
0x5c: {  	s3 =	rddreg [dreg:$0x2];
	[bflag:$0x3] =	sbarrier.arrive $0xFFFF;
	s2 =	simm.s32 @!p0 $0x1C02  }
0x5d: {  	[timem:s3], [sflag:s2] =	dma.local @!p0 [hbm:s0], s1  }
0x5e: {  	s0 =	simm.s32 @!p0 $0x2  }
0x5f: {  	_ =	swait.ge @!p0 [sflag:s0], s1  }
0x60: {  	s1 =	ssub.s32 @!p0 $0x0, s1;
	[sflag:s0] =	ssyncset.done @!p0 $0x0  }
0x61: {  	[sflag:s0] =	ssyncadd.s32 @!p0 s1  }
0x62: {  	[bflag:$0x3] =	sbarrier.arrive $0xFFFF  }
0x63: {  	_ =	shalt  }

// kernel: kernel.19.cloned.1.call-start
scs
__scs_entry_jumppad:
0x0: {  	(pc) =	sbr.rel $0x88, $3  }
0x1: {  	(tag) =	ssettag $0x0;
	lr =	simm.s32 $0x1  }
0x2: {  	[smem:$0x3F9F] =	sst lr;
	_ =	strace $0xD0000000  }
0x3: {  	_ = 	snop  }
0x4: {  	_ = 	snop  }
0x5: {  	_ = 	snop  }
0x6: {  	_ = 	snop  }
0x7: {  	_ = 	snop  }
__scs_overlays_trampoline_lowered:
0x8: {  	[smem:$0x3FAE] =	sst s0  }
0x9: {  	[smem:$0x3FAF] =	sst s1  }
0xa: {  	[smem:$0x3FB0] =	sst s2  }
0xb: {  	[smem:$0x3FB1] =	sst s3  }
0xc: {  	[smem:$0x3FB2] =	sst s4  }
0xd: {  	[smem:$0x3FB3] =	sst s5  }
0xe: {  	[smem:$0x3FB4] =	sst s6  }
0xf: {  	[smem:$0x3FB5] =	sst s7  }
0x10: {  	[smem:$0x3FB6] =	sst s8  }
0x11: {  	[smem:$0x3FB7] =	sst s9;
	s0 =	simm.s32 @!p0 $0x0  }
0x12: {  	s1 =	sld [smem:$0x3F9D];
	s0 =	simm.s32 @p0 $0x1  }
0x13: {  	[smem:$0x3FB8] =	sst s0;
	s0 =	simm.s32 @!p1 $0x0  }
0x14: {  	s2 =	sld [smem:$0x3F9C];
	s0 =	simm.s32 @p1 $0x1  }
0x15: {  	[smem:$0x3FB9] =	sst s0;
	s0 =	simm.s32 @!p2 $0x0  }
0x16: {  	s3 =	sld [smem:$0x3FDB];
	s0 =	simm.s32 @p2 $0x1  }
0x17: {  	s4 =	simm.s32 $0x1BF5;
	[smem:$0x3FBB] =	sst s0  }
0x18: {  	s0 =	sld [smem:$0x3F9E];
	_ =	swait.ge [sflag:s4], $0x0  }
0x19: {  	s7 =	sld [smem:$0x3F9F]  }
0x1a: {  	s8 =	sadd.s32 $0xFFFFE003, lr  }
0x1b: {  	s9 =	sadd.s32 $0xFFFFFEF7, lr;
	s5 =	simm.s32 $0xFFFFFFFF;
	p2 =	slt.u32 s8, $0xFFFFF086  }
0x1c: {  	p1 =	slt.u32 s9, $0xF7A;
	s5 =	simm.s32 @!p2 $0x0  }
0x1d: {  	s5 =	simm.s32 @p1 $0x1;
	p0 =	seq.s32 s7, s2  }
0x1e: {  	s7 =	smul.u32 @!p0 $0xF7A, s2;
	p2 =	seq.s32 @!p0 s5, $0x0  }
0x1f: {  	s9 =	smul.u32 $0xF7A, s1;
	s8 =	simm.s32 @!p0 $0x1BF5;
	p2 =	por !p2, p0  }
0x20: {  	[sflag:s8] =	ssyncset.s32 @!p0 $0xFFFFF086;
	s6 =	sadd.s32 @!p0 s3, s7;
	s7 =	simm.s32 @!p0 $0x108  }
0x21: {  	s3 =	sadd.s32 s3, s9;
	s6 =	sadd.s32 @!p0 $0x88, s6;
	s7 =	simm.s32 @p2 $0x1082  }
0x22: {  	[simem:s7], [sflag:s8] =	dma.local @!p0 [hbm:s6], $0xF7A  }
0x23: {  	s9 =	sor.u32 $0xD0000000, s2;
	s6 =	simm.s32 $0x108;
	_ =	swait.ge @!p0 [sflag:s8], $0x0  }
0x24: {  	s3 =	sadd.s32 $0x88, s3;
	s6 =	simm.s32 @!p1 $0x1082;
	[sflag:s4] =	ssyncset.s32 $0xFFFFF086  }
0x25: {  	[simem:s6], [sflag:s4] =	dma.local [hbm:s3], $0xF7A  }
0x26: {  	[smem:$0x3F9F] =	sst s1;
	(tag) =	ssettag s2;
	_ =	strace s9  }
0x27: {  	s1 =	sld [smem:$0x3FAF]  }
0x28: {  	s2 =	sld [smem:$0x3FB0]  }
0x29: {  	s4 =	sld [smem:$0x3FB2]  }
0x2a: {  	p0 =	seq.s32 s5, $0x0;
	s5 =	sld [smem:$0x3FB3]  }
0x2b: {  	s6 =	sld [smem:$0x3FB4]  }
0x2c: {  	s7 =	sld [smem:$0x3FB5]  }
0x2d: {  	s3 =	simm.s32 $0x108;
	s8 =	sld [smem:$0x3FB6]  }
0x2e: {  	s3 =	simm.s32 @!p0 $0x1082;
	s9 =	sld [smem:$0x3FB7]  }
0x2f: {  	lr =	sadd.s32 s0, s3;
	s0 =	sld [smem:$0x3FAE]  }
0x30: {  	s3 =	sld [smem:$0x3FB1]  }
0x31: {  	[smem:$0x3FBA] =	sst s10  }
0x32: {  	s10 =	sld [smem:$0x3FB8];
	_ =	sdelay $0x3  }
0x33: {  	p0 =	seq.s32 s10, $0x1;
	s10 =	sld [smem:$0x3FBA];
	_ =	sdelay $0x3  }
0x34: {  	[smem:$0x3FBA] =	sst s10  }
0x35: {  	s10 =	sld [smem:$0x3FB9];
	_ =	sdelay $0x3  }
0x36: {  	p1 =	seq.s32 s10, $0x1;
	s10 =	sld [smem:$0x3FBA];
	_ =	sdelay $0x3  }
0x37: {  	[smem:$0x3FBA] =	sst s10  }
0x38: {  	s10 =	sld [smem:$0x3FBB]  }
0x39: {  	_ = 	snop;
	(pc) =	sbr.ind lr, $3  }
0x3a: {  	_ = 	snop  }
0x3b: {  	_ = 	snop  }
0x3c: {  	p2 =	seq.s32 s10, $0x1;
	s10 =	sld [smem:$0x3FBA]  }
0x3d: {  	_ =	shalt  }
0x3e: {  	_ =	shalt  }
0x3f: {  	_ =	shalt  }
0x40: {  	_ =	shalt  }
0x41: {  	_ =	shalt  }
0x42: {  	_ =	shalt  }
0x43: {  	_ =	shalt  }
0x44: {  	_ =	shalt  }
0x45: {  	_ =	shalt  }
0x46: {  	_ =	shalt  }
0x47: {  	_ =	shalt  }
0x48: {  	_ =	shalt  }
0x49: {  	_ =	shalt  }
0x4a: {  	_ =	shalt  }
0x4b: {  	_ =	shalt  }
0x4c: {  	_ =	shalt  }
0x4d: {  	_ =	shalt  }
0x4e: {  	_ =	shalt  }
0x4f: {  	_ =	shalt  }
0x50: {  	_ =	shalt  }
0x51: {  	_ =	shalt  }
0x52: {  	_ =	shalt  }
0x53: {  	_ =	shalt  }
0x54: {  	_ =	shalt  }
0x55: {  	_ =	shalt  }
0x56: {  	_ =	shalt  }
0x57: {  	_ =	shalt  }
0x58: {  	_ =	shalt  }
0x59: {  	_ =	shalt  }
0x5a: {  	_ =	shalt  }
0x5b: {  	_ =	shalt  }
0x5c: {  	_ =	shalt  }
0x5d: {  	_ =	shalt  }
0x5e: {  	_ =	shalt  }
0x5f: {  	_ =	shalt  }
0x60: {  	_ =	shalt  }
0x61: {  	_ =	shalt  }
0x62: {  	_ =	shalt  }
0x63: {  	_ =	shalt  }
0x64: {  	_ =	shalt  }
0x65: {  	_ =	shalt  }
0x66: {  	_ =	shalt  }
0x67: {  	_ =	shalt  }
0x68: {  	_ =	shalt  }
0x69: {  	_ =	shalt  }
0x6a: {  	_ =	shalt  }
0x6b: {  	_ =	shalt  }
0x6c: {  	_ =	shalt  }
0x6d: {  	_ =	shalt  }
0x6e: {  	_ =	shalt  }
0x6f: {  	_ =	shalt  }
0x70: {  	_ =	shalt  }
0x71: {  	_ =	shalt  }
0x72: {  	_ =	shalt  }
0x73: {  	_ =	shalt  }
0x74: {  	_ =	shalt  }
0x75: {  	_ =	shalt  }
0x76: {  	_ =	shalt  }
0x77: {  	_ =	shalt  }
0x78: {  	_ =	shalt  }
0x79: {  	_ =	shalt  }
0x7a: {  	_ =	shalt  }
0x7b: {  	_ =	shalt  }
0x7c: {  	_ =	shalt  }
0x7d: {  	_ =	shalt  }
0x7e: {  	_ =	shalt  }
0x7f: {  	_ =	shalt  }
0x80: {  	_ =	shalt  }
0x81: {  	_ =	shalt  }
0x82: {  	_ =	shalt  }
0x83: {  	_ =	shalt  }
0x84: {  	_ =	shalt  }
0x85: {  	_ =	shalt  }
0x86: {  	_ =	shalt  }
0x87: {  	_ =	shalt  }
.Lfunc_end0:
.L_simem_size_0:
called_computation.3_lowered:
.L_overlay_start_0:
0x88: {  	s2 =	sld [smem:$0x3FD9]  }
0x89: {  	s3 =	sld [smem:$0x3FFE];
	_ =	sdelay $0x1  }
0x8a: {  	s1 =	srdreg.scid  }
0x8b: {  	s0 =	sand.u32 $0x1, s1  }
0x8c: {  	s17 =	sshll.u32 s0, $0xA;
	s2 =	sadd.s32 s3, s2  }
0x8d: {  	s2 =	sadd.s32 s2, s17  }
0x8e: {  	[smem:$0x3FC6] =	sst s2  }
0x8f: {  	_ = 	snop  }
0x90: {  	s2 =	sld [smem:$0x3FC9];
	(tm) =	ssettm $0x1  }
0x91: {  	s18 =	sld [smem:$0x3FFB];
	_ =	sdelay $0x3  }
0x92: {  	_ =	strace s18  }
0x93: {  	s3 =	sld [smem:$0x3FFC];
	_ =	sdelay $0x3  }
0x94: {  	_ =	strace s3  }
0x95: {  	s3 =	sld [smem:$0x3FFD];
	_ =	sdelay $0x3  }
0x96: {  	_ =	strace s3  }
0x97: {  	_ =	strace $0x8FFFFFFF  }
0x98: {  	s19 =	sld [smem:$0x3FDB];
	_ =	sdelay $0x1  }
0x99: {  	s4 =	simm.s32 $_scs_section_size  }
0x9a: {  	s5 =	simm.s32 $_size__tile_overlayer_lowered;
	s6 =	simm.s32 $_tile_overlayer_lowered  }
0x9b: {  	s22 =	simm.s32 $0x1BFF;
	s21 =	sshll.u32 s6, $0x1;
	s3 =	sadd.s32 s4, s19  }
0x9c: {  	s7 =	simm.s32 $0x0;
	s20 =	sshll.u32 s5, $0x1;
	s5 =	sadd.s32 s21, s3  }
0x9d: {  	[timem:s7], [sflag:s22] =	dma.local [hbm:s5], s20  }
0x9e: {  	_ =	swait.ge [sflag:s22], s20  }
0x9f: {  	s4 =	ssub.s32 $0x0, s20;
	[sflag:s22] =	ssyncset.done $0x0  }
0xa0: {  	[sflag:s22] =	ssyncadd.s32 s4;
	_ =	sdelay $0x1  }
0xa1: {  	s23 =	simm.s32 $0x1B8B  }
0xa2: {  	_ =	swait.ge [sflag:s23], $0x1  }
0xa3: {  	[sflag:s23] =	ssyncset.done $0x0  }
0xa4: {  	s25 =	simm.s32 $0x1B8E;
	s24 =	sld [smem:$0x3FFE];
	[sflag:s23] =	ssyncadd.s32 $0xFFFFFFFF  }
0xa5: {  	s26 =	simm.s32 $execute0_lowered;
	[smem:$0x3FD2] =	sst s25  }
0xa6: {  	s5 =	sshll.u32 s26, $0x1;
	_ =	strace $0x80000046;
	[dreg:$0x1] =	wrdreg $0xFFFFFFFF  }
0xa7: {  	s28 =	simm.s32 $_size_execute0_lowered;
	s3 =	sadd.s32 s3, s5;
	[dreg:$0x0] =	wrdreg $0x0  }
0xa8: {  	s5 =	sshll.u32 s28, $0x1;
	[dreg:$0x2] =	wrdreg s3  }
0xa9: {  	[dreg:$0x3] =	wrdreg s5  }
0xaa: {  	[dreg:$0x4] =	wrdreg $0xC0  }
0xab: {  	_ =	task [dreg:s7], $0x5FFFF  }
0xac: {  	[dreg:$0x1] =	wrdreg $0xFFFFFFFF  }
0xad: {  	[dreg:$0x0] =	wrdreg $0x60  }
0xae: {  	[dreg:$0x2] =	wrdreg s24  }
0xaf: {  	[dreg:$0x3] =	wrdreg s2  }
0xb0: {  	[dreg:$0x4] =	wrdreg $0xC  }
0xb1: {  	_ =	task.clear_ibuf [dreg:s7], $0x5FFFF;
	_ =	strace $0x90000046  }
0xb2: {  	s29 =	simm.s32 $0xC;
	_ =	strace $0x80000048  }
0xb3: {  	_ =	swait.ge [sflag:s29], $0x1  }
0xb4: {  	[sflag:s29] =	ssyncadd.s32 $0xFFFFFFFF  }
0xb5: {  	_ =	strace $0x90000048  }
0xb6: {  	_ =	sfence  }
0xb7: {  	s30 =	sld [smem:$0x0];
	_ =	sdelay $0x2  }
0xb8: {  	s31 =	sshll.u32 s1, $0xD;
	s1 =	sshrl.u32 s1, $0x2  }
0xb9: {  	s3 =	sand.u32 $0x4000, s31;
	s1 =	sadd.s32 s1, s30  }
0xba: {  	s0 =	sor.u32 s3, s0;
	s1 =	sshll.u32 s1, $0x11  }
0xbb: {  	s0 =	sor.u32 s1, s0  }
0xbc: {  	s0 =	sadd.s32 $0x8F2B, s0  }
0xbd: {  	[sflag:s0] =	ssyncadd.remote.s32 $0x1  }
0xbe: {  	_ =	sfence.sel $0xFFFF  }
0xbf: {  	[dreg:$0x0] =	wrdreg $0xFFFFFFFF;
	(pc) =	sbr.abs _section_cstart, $3  }
0xc0: {  	[dreg:$0x1] =	wrdreg $0xFFFFFFFF  }
0xc1: {  	_ =	task.clear_ibuf [dreg:s7], $0x2FFFF;
	_ =	strace $0x9FFFFFFF  }
0xc2: {  	(tm) =	ssettm $0x7FFFFFFF  }
0xc3: {  	_ =	shalt  }
tec
execute0_lowered:
.L_overlay_start_1:
0x0: {  	(tag) =	ssettag $0x1  }
0x1: {  	s4 =	rddreg [dreg:$0x0]  }
0x2: {  	s5 =	rddreg [dreg:$0x1]  }
0x3: {  	s0 =	rddreg [dreg:$0x2];
	s3 =	srdreg.scid  }
0x4: {  	s2 =	simm.s32 $0x0;
	s1 =	stileid.u32;
	s14 =	simm.s32 $0x2  }
0x5: {  	s15 =	simm.s32 $0x1000;
	s16 =	simm.s32 $0x200;
	s17 =	simm.s32 $0x1200  }
0x6: {  	s18 =	simm.s32 $0x1;
	s19 =	simm.s32 $0x1400;
	s20 =	simm.s32 $0x1600  }
0x7: {  	s21 =	simm.s32 $0x1800;
	s22 =	simm.s32 $0x1A00;
	s23 =	simm.s32 $0x1C00  }
0x8: {  	s24 =	simm.s32 $0x1E00;
	s25 =	simm.s32 $0x2000;
	s26 =	simm.s32 $0x0  }
0x9: {  	s3 =	sand.u32 $0x1, s3;
	[smem:$0x7FF] =	sst s2;
	s6 =	sshll.u32 s1, $0x7  }
0xa: {  	s7 =	sshll.u32 s3, $0x6;
	_ =	strace $0x80000047;
	s30 =	ssub.s32 $0x2, s3  }
0xb: {  	s3 =	sadd.s32 $0x1000, s4;
	s6 =	sor.u32 s7, s6;
	s31 =	sshrl.u32 s30, $0x1  }
0xc: {  	s12 =	sadd.s32 s6, s4;
	s13 =	ssub.s32 s30, s31;
	s4 =	sadd.s32 s5, s6  }
0xd: {  	s5 =	sadd.s32 $0xF5400, s12;
	s6 =	sadd.s32 $0xF5C00, s12;
	s7 =	sadd.s32 $0xF6400, s12  }
0xe: {  	s8 =	sadd.s32 $0xF6C00, s12;
	s9 =	sadd.s32 $0xF7400, s12;
	s10 =	sadd.s32 $0xF7C00, s12  }
0xf: {  	s11 =	sadd.s32 $0xF8400, s12;
	s12 =	sadd.s32 $0xF8C00, s12;
	s13 =	smax.u32 s13, $0x1  }
.LBB2_1:
0x10: {  	[tilespmem:s2], [sflag:$0x2] =	stream.linear.gather [hbm4b:s4+s2], $0x200, $0x38;
	[tilespmem:$0x2200] =	vst v63  }
0x11: {  	_ =	swait.ge [sflag:s14], $0x200  }
0x12: {  	[sflag:s14] =	ssyncset.done $0x0  }
0x13: {  	s29 =	simm.s32 $0x0;
	[sflag:s14] =	ssyncadd.s32 $0xFFFFFE00  }
0x14: {  	v0 =	vld [tilespmem:s29+$0x0];
	_ =	sdelay $0x4  }
0x15: {  	v1 =	vshll.u32 v0, $0x3  }
0x16: {  	v0 =	vand.u32 $0x7F, v0;
	v1 =	vand.u32 $0xFFFFFC00, v1  }
0x17: {  	s28 =	simm.s32 $0x10;
	s30 =	simm.s32 $0x80;
	v0 =	vor.u32 v0, v1  }
.LBB2_2:
0x18: {  	p0 =	sne.s32 s30, $0x7C0;
	v1 =	vld [tilespmem:s28+$0x0];
	[tilespmem:s29+$0x200] =	vst v0;
	v2 =	vor.u32 $0x80, v0;
	v3 =	vor.u32 $0x100, v0;
	v4 =	vor.u32 $0x380, v0  }
0x19: {  	v5 =	vor.u32 $0x180, v0;
	v6 =	vor.u32 $0x200, v0;
	v7 =	vor.u32 $0x280, v0;
	[tilespmem:s29+$0x1000] =	vst v4  }
0x1a: {  	[tilespmem:s29+$0x400] =	vst v2;
	v2 =	vor.u32 $0x300, v0  }
.Ltmp0:
0x1b: {  	[tilespmem:s29+$0x600] =	vst v3;
	(pc) =	sbr.rel @p0 .LBB2_2-.Ltmp0, $4  }
0x1c: {  	[tilespmem:s29+$0x800] =	vst v5  }
0x1d: {  	v0 =	vshll.u32 v1, $0x3;
	[tilespmem:s29+$0xA00] =	vst v6  }
0x1e: {  	v1 =	vand.u32 $0x7F, v1;
	v0 =	vand.u32 $0xFFFFFC00, v0;
	[tilespmem:s29+$0xC00] =	vst v7  }
0x1f: {  	v0 =	vor.u32 v1, v0;
	[tilespmem:s29+$0xE00] =	vst v2;
	s29 =	smov.u32 s28;
	s28 =	sshra.s32 s30, $0x2;
	s30 =	sadd.s32 $0x40, s30  }
0x20: {  	v1 =	vld [tilespmem:s28+$0x0];
	[tilespmem:s29+$0x200] =	vst v0;
	v2 =	vor.u32 $0x380, v0  }
0x21: {  	v3 =	vor.u32 $0x80, v0;
	[tilespmem:s29+$0x1000] =	vst v2  }
0x22: {  	v52 =	vor.u32 $0x100, v0;
	[tilespmem:s29+$0x400] =	vst v3  }
0x23: {  	v53 =	vor.u32 $0x180, v0;
	[tilespmem:s29+$0x600] =	vst v52  }
0x24: {  	v54 =	vor.u32 $0x200, v0;
	[tilespmem:s29+$0x800] =	vst v53  }
0x25: {  	v55 =	vor.u32 $0x280, v0;
	[tilespmem:s29+$0xA00] =	vst v54;
	v4 =	vshll.u32 v1, $0x3  }
0x26: {  	v56 =	vor.u32 $0x300, v0;
	[tilespmem:s29+$0xC00] =	vst v55;
	v1 =	vand.u32 $0x7F, v1;
	v57 =	vand.u32 $0xFFFFFC00, v4  }
0x27: {  	[tilespmem:s29+$0xE00] =	vst v56;
	v1 =	vor.u32 v1, v57  }
0x28: {  	[tilespmem:s28+$0x200] =	vst v1;
	v58 =	vor.u32 $0x380, v1  }
0x29: {  	v2 =	vor.u32 $0x80, v1;
	[tilespmem:s28+$0x1000] =	vst v58  }
0x2a: {  	v59 =	vor.u32 $0x100, v1;
	[tilespmem:s28+$0x400] =	vst v2  }
0x2b: {  	v60 =	vor.u32 $0x180, v1;
	[tilespmem:s28+$0x600] =	vst v59  }
0x2c: {  	v61 =	vor.u32 $0x200, v1;
	[tilespmem:s28+$0x800] =	vst v60  }
0x2d: {  	v62 =	vor.u32 $0x280, v1;
	[tilespmem:s28+$0xA00] =	vst v61  }
0x2e: {  	v63 =	vor.u32 $0x300, v1;
	[tilespmem:s28+$0xC00] =	vst v62  }
0x2f: {  	[tilespmem:s28+$0xE00] =	vst v63  }
0x30: {  	[tilespmem:s17], [sflag:$0x1] =	stream.indirect.gather [hbm4b:s3+s15], $0x1, s16, s15, $0xb8;
	[tilespmem:$0x2200] =	vst v63  }
0x31: {  	_ =	swait.ge [sflag:s18], $0x1000  }
0x32: {  	[sflag:s18] =	ssyncset.done $0x0  }
0x33: {  	[sflag:s18] =	ssyncadd.s32 $0xFFFFF000  }
0x34: {  	[hbm4b:s5+s2] =	stream.linear.scatter [tilespmem:s17], [sflag:$0x2], $0x200, $0x38;
	[tilespmem:$0x2200] =	vst v63  }
0x35: {  	_ =	swait.ge [sflag:s14], $0x200  }
0x36: {  	[sflag:s14] =	ssyncset.done $0x0  }
0x37: {  	[sflag:s14] =	ssyncadd.s32 $0xFFFFFE00  }
0x38: {  	[hbm4b:s6+s2] =	stream.linear.scatter [tilespmem:s19], [sflag:$0x2], $0x200, $0x38;
	[tilespmem:$0x2200] =	vst v63  }
0x39: {  	_ =	swait.ge [sflag:s14], $0x200  }
0x3a: {  	[sflag:s14] =	ssyncset.done $0x0  }
0x3b: {  	[sflag:s14] =	ssyncadd.s32 $0xFFFFFE00  }
0x3c: {  	[hbm4b:s7+s2] =	stream.linear.scatter [tilespmem:s20], [sflag:$0x2], $0x200, $0x38;
	[tilespmem:$0x2200] =	vst v63  }
0x3d: {  	_ =	swait.ge [sflag:s14], $0x200  }
0x3e: {  	[sflag:s14] =	ssyncset.done $0x0  }
0x3f: {  	[sflag:s14] =	ssyncadd.s32 $0xFFFFFE00  }
0x40: {  	[hbm4b:s8+s2] =	stream.linear.scatter [tilespmem:s21], [sflag:$0x2], $0x200, $0x38;
	[tilespmem:$0x2200] =	vst v63  }
0x41: {  	_ =	swait.ge [sflag:s14], $0x200  }
0x42: {  	[sflag:s14] =	ssyncset.done $0x0  }
0x43: {  	[sflag:s14] =	ssyncadd.s32 $0xFFFFFE00  }
0x44: {  	[hbm4b:s9+s2] =	stream.linear.scatter [tilespmem:s22], [sflag:$0x2], $0x200, $0x38;
	[tilespmem:$0x2200] =	vst v63  }
0x45: {  	_ =	swait.ge [sflag:s14], $0x200  }
0x46: {  	[sflag:s14] =	ssyncset.done $0x0  }
0x47: {  	[sflag:s14] =	ssyncadd.s32 $0xFFFFFE00  }
0x48: {  	[hbm4b:s10+s2] =	stream.linear.scatter [tilespmem:s23], [sflag:$0x2], $0x200, $0x38;
	[tilespmem:$0x2200] =	vst v63  }
0x49: {  	_ =	swait.ge [sflag:s14], $0x200  }
0x4a: {  	[sflag:s14] =	ssyncset.done $0x0  }
0x4b: {  	[sflag:s14] =	ssyncadd.s32 $0xFFFFFE00  }
0x4c: {  	[hbm4b:s11+s2] =	stream.linear.scatter [tilespmem:s24], [sflag:$0x2], $0x200, $0x38;
	[tilespmem:$0x2200] =	vst v63  }
0x4d: {  	s26 =	sadd.s32 $0x1, s26;
	_ =	swait.ge [sflag:s14], $0x200  }
0x4e: {  	p0 =	sne.s32 s26, s13;
	[sflag:s14] =	ssyncset.done $0x0  }
.Ltmp1:
0x4f: {  	[sflag:s14] =	ssyncadd.s32 $0xFFFFFE00;
	(pc) =	sbr.rel @p0 .LBB2_1-.Ltmp1, $4  }
0x50: {  	[hbm4b:s12+s2] =	stream.linear.scatter [tilespmem:s25], [sflag:$0x2], $0x200, $0x38;
	[tilespmem:$0x2200] =	vst v63  }
0x51: {  	_ =	swait.ge [sflag:s14], $0x200  }
0x52: {  	[sflag:s14] =	ssyncset.done $0x0  }
0x53: {  	[sflag:s14] =	ssyncadd.s32 $0xFFFFFE00  }
0x54: {  	_ =	sfence.sel $0x180000  }
0x55: {  	[bflag:$0x0] =	sbarrier.arrive $0xFFFF  }
0x56: {  	p0 =	sne.s32 s1, $0x0;
	_ =	strace $0x90000047  }
0x57: {  	s0 =	sadd.s32 @!p0 $0x100000, s0;
	[bflag:$0x2] =	sbarrier.arrive $0xFFFF  }
0x58: {  	[sflag:s0] =	ssyncadd.tile.s32 @!p0 $0x1;
	_ =	shalt  }
.Lfunc_end2:
_tile_overlayer_lowered:
.L_overlay_start_2:
0x59: {  	(tag) =	ssettag $0x2  }
0x5a: {  	s0 =	rddreg [dreg:$0x0];
	s2 =	stileid.u32  }
0x5b: {  	s1 =	rddreg [dreg:$0x1];
	p0 =	sne.s32 s2, $0x0  }
0x5c: {  	s3 =	rddreg [dreg:$0x2];
	[bflag:$0x3] =	sbarrier.arrive $0xFFFF;
	s2 =	simm.s32 @!p0 $0x1C02  }
0x5d: {  	[timem:s3], [sflag:s2] =	dma.local @!p0 [hbm:s0], s1  }
0x5e: {  	s0 =	simm.s32 @!p0 $0x2  }
0x5f: {  	_ =	swait.ge @!p0 [sflag:s0], s1  }
0x60: {  	s1 =	ssub.s32 @!p0 $0x0, s1;
	[sflag:s0] =	ssyncset.done @!p0 $0x0  }
0x61: {  	[sflag:s0] =	ssyncadd.s32 @!p0 s1  }
0x62: {  	[bflag:$0x3] =	sbarrier.arrive $0xFFFF  }
0x63: {  	_ =	shalt  }

</sc_bundles>
